<compile_context>
chip_gen: v7x
topology: tpu7x:2x2x1
jax: 0.10.2.dev20260603
libtpu: 0.0.44.dev20260713+nightly
codegen_flags: <defaults>
</compile_context>

<pallas_src>
import functools

import jax
import jax.numpy as jnp
from jax import lax
from jax.experimental import pallas as pl
from jax.experimental.pallas import tpu as pltpu
from jax.experimental.pallas import tpu_sc as plsc

N_NODES = 10000
N_EDGES = 320000
D_IN = 128
HID = 128
N_CLS = 2
N_GRP = 64

NC = 2
NS = 16
NW = NC * NS
EPW = N_EDGES // NW
K = 128
NCH = EPW // K
TAIL = EPW - NCH * K
RPT = 624
REM_OFF = RPT * NS
REM = N_NODES - REM_OFF

_MESH = plsc.VectorSubcoreMesh(core_axis_name="c", subcore_axis_name="s")


@functools.partial(
    pl.kernel,
    out_type=jax.ShapeDtypeStruct((NC * N_NODES,), jnp.float32),
    mesh=_MESH,
    scratch_types=[
        pltpu.VMEM((K,), jnp.int32),
        pltpu.VMEM((K,), jnp.int32),
        pltpu.VMEM((K,), jnp.int32),
        pltpu.VMEM((K,), jnp.float32),
        pltpu.VMEM((TAIL,), jnp.int32),
        pltpu.VMEM((TAIL,), jnp.float32),
        pltpu.VMEM((RPT,), jnp.float32),
        pltpu.VMEM_SHARED((N_NODES,), jnp.float32),
        pltpu.SemaphoreType.DMA,
        pltpu.SemaphoreType.DMA,
        pltpu.SemaphoreType.DMA,
    ],
)
def _sc_deg(dst_hbm, out_hbm, dstb0, dstb1, dstb2, ones, dstt, onest, stage,
            acc, sem0, sem1, sem2):
    c = lax.axis_index("c")
    s = lax.axis_index("s")
    wid = s * NC + c
    base = pl.multiple_of(wid * EPW, 8)
    r0 = s * RPT
    for i in range(K // 16):
        ones[pl.ds(i * 16, 16)] = jnp.full((16,), 1.0, jnp.float32)
    onest[...] = jnp.full((TAIL,), 1.0, jnp.float32)

    def zs(i, carry):
        stage[pl.ds(i * 16, 16)] = jnp.zeros((16,), jnp.float32)
        return carry

    lax.fori_loop(0, RPT // 16, zs, 0)
    pltpu.sync_copy(stage, acc.at[pl.ds(r0, RPT)])

    @pl.when(s == NS - 1)
    def _zero_rem():
        pltpu.sync_copy(stage.at[pl.ds(0, REM)], acc.at[pl.ds(REM_OFF, REM)])

    plsc.subcore_barrier()

    bufs = ((dstb0, sem0), (dstb1, sem1), (dstb2, sem2))
    NB = len(bufs)

    def prefetch(j, b):
        dstb, sem = bufs[b]
        st = pl.multiple_of(base + j * K, 8)
        pltpu.async_copy(dst_hbm.at[pl.ds(st, K)], dstb, sem)

    for b in range(NB):
        prefetch(b, b)

    def round3(jj, carry):
        j0 = jj * NB
        for b in range(NB):
            dstb, sem = bufs[b]
            pltpu.make_async_copy(dst_hbm.at[pl.ds(0, K)], dstb, sem).wait()
            pltpu.sync_copy(ones, acc.at[dstb], add=True)

            @pl.when(j0 + b + NB < NCH)
            def _next():
                prefetch(j0 + b + NB, b)

        return carry

    lax.fori_loop(0, NCH // NB, round3, 0)
    stt = pl.multiple_of(base + NCH * K, 8)
    pltpu.sync_copy(dst_hbm.at[pl.ds(stt, TAIL)], dstt)
    pltpu.sync_copy(onest, acc.at[dstt], add=True)
    plsc.subcore_barrier()
    pltpu.sync_copy(acc.at[pl.ds(r0, RPT)], stage)
    ob = pl.multiple_of(c * N_NODES + r0, 8)
    pltpu.sync_copy(stage, out_hbm.at[pl.ds(ob, RPT)])

    @pl.when(s == NS - 1)
    def _out_rem():
        pltpu.sync_copy(acc.at[pl.ds(REM_OFF, REM)], onest)
        ob2 = pl.multiple_of(c * N_NODES + REM_OFF, 8)
        pltpu.sync_copy(onest, out_hbm.at[pl.ds(ob2, REM)])


@functools.partial(
    pl.kernel,
    out_type=jax.ShapeDtypeStruct((NC, N_NODES, HID), jnp.float32),
    mesh=_MESH,
    scratch_types=[
        pltpu.VMEM((K,), jnp.int32),
        pltpu.VMEM((K,), jnp.int32),
        pltpu.VMEM((K,), jnp.int32),
        pltpu.VMEM((K,), jnp.int32),
        pltpu.VMEM((K,), jnp.int32),
        pltpu.VMEM((K,), jnp.int32),
        pltpu.VMEM((K, HID), jnp.float32),
        pltpu.VMEM((K, HID), jnp.float32),
        pltpu.VMEM((K, HID), jnp.float32),
        pltpu.VMEM((TAIL,), jnp.int32),
        pltpu.VMEM((TAIL,), jnp.int32),
        pltpu.VMEM_SHARED((N_NODES, HID), jnp.float32),
        pltpu.SemaphoreType.DMA,
        pltpu.SemaphoreType.DMA,
        pltpu.SemaphoreType.DMA,
        pltpu.SemaphoreType.DMA,
        pltpu.SemaphoreType.DMA,
        pltpu.SemaphoreType.DMA,
    ],
)
def _sc_scatter(src_hbm, dst_hbm, y_hbm, zeros_hbm, out_hbm,
                srcb0, srcb1, srcb2, dstb0, dstb1, dstb2,
                rows0, rows1, rows2, srct, dstt, acc,
                gi0, gi1, gi2, gg0, gg1, gg2):
    c = lax.axis_index("c")
    s = lax.axis_index("s")
    wid = s * NC + c
    base = pl.multiple_of(wid * EPW, 8)
    r0 = s * RPT
    pltpu.sync_copy(zeros_hbm.at[pl.ds(r0, RPT)], acc.at[pl.ds(r0, RPT)])

    @pl.when(s == NS - 1)
    def _zero_rem():
        pltpu.sync_copy(zeros_hbm.at[pl.ds(REM_OFF, REM)],
                        acc.at[pl.ds(REM_OFF, REM)])

    plsc.subcore_barrier()

    bufs = ((srcb0, dstb0, rows0, gi0, gg0),
            (srcb1, dstb1, rows1, gi1, gg1),
            (srcb2, dstb2, rows2, gi2, gg2))
    NB = len(bufs)

    def idx_start(j, b):
        srcb, dstb, rows, gi, gg = bufs[b]
        st = pl.multiple_of(base + j * K, 8)
        pltpu.async_copy(src_hbm.at[pl.ds(st, K)], srcb, gi)
        pltpu.async_copy(dst_hbm.at[pl.ds(st, K)], dstb, gi)

    def idx_wait_gather_start(b):
        srcb, dstb, rows, gi, gg = bufs[b]
        pltpu.make_async_copy(src_hbm.at[pl.ds(0, K)], srcb, gi).wait()
        pltpu.make_async_copy(dst_hbm.at[pl.ds(0, K)], dstb, gi).wait()
        pltpu.async_copy(y_hbm.at[srcb], rows, gg)

    def gather_wait(b):
        srcb, dstb, rows, gi, gg = bufs[b]
        pltpu.make_async_copy(y_hbm.at[srcb], rows, gg).wait()

    def scatter(b):
        srcb, dstb, rows, gi, gg = bufs[b]
        pltpu.sync_copy(rows, acc.at[dstb], add=True)

    for b in range(NB):
        idx_start(b, b)
    idx_wait_gather_start(0)

    def round3(jj, carry):
        j0 = jj * NB
        for b in range(NB):
            j = j0 + b
            gather_wait(b)

            @pl.when(j + 1 < NCH)
            def _g():
                idx_wait_gather_start((b + 1) % NB)

            scatter(b)

            @pl.when(j + NB < NCH)
            def _i():
                idx_start(j + NB, b)

        return carry

    lax.fori_loop(0, NCH // NB, round3, 0)
    stt = pl.multiple_of(base + NCH * K, 8)
    pltpu.sync_copy(src_hbm.at[pl.ds(stt, TAIL)], srct)
    pltpu.sync_copy(dst_hbm.at[pl.ds(stt, TAIL)], dstt)
    pltpu.async_copy(y_hbm.at[srct], rows0.at[pl.ds(0, TAIL)], gg0).wait()
    pltpu.sync_copy(rows0.at[pl.ds(0, TAIL)], acc.at[dstt], add=True)
    plsc.subcore_barrier()
    pltpu.sync_copy(acc.at[pl.ds(r0, RPT)], out_hbm.at[c, pl.ds(r0, RPT)])

    @pl.when(s == NS - 1)
    def _out_rem():
        pltpu.sync_copy(acc.at[pl.ds(REM_OFF, REM)],
                        out_hbm.at[c, pl.ds(REM_OFF, REM)])


BN = 1000
GRID = N_NODES // BN


def _tc1_body(x_ref, w_ref, dp_ref, y_ref, dinv_ref):
    deg = dp_ref[0] + dp_ref[1] + 1.0
    di = lax.rsqrt(deg)
    dinv_ref[...] = di
    xw = jnp.dot(x_ref[...], w_ref[...], preferred_element_type=jnp.float32)
    y_ref[...] = xw * di


def _tc1(x, W1, deg_parts):
    return pl.pallas_call(
        _tc1_body,
        grid=(GRID,),
        in_specs=[
            pl.BlockSpec((BN, D_IN), lambda i: (i, 0)),
            pl.BlockSpec((D_IN, HID), lambda i: (0, 0)),
            pl.BlockSpec((NC, BN, 1), lambda i: (0, i, 0)),
        ],
        out_specs=[
            pl.BlockSpec((BN, HID), lambda i: (i, 0)),
            pl.BlockSpec((BN, 1), lambda i: (i, 0)),
        ],
        out_shape=[
            jax.ShapeDtypeStruct((N_NODES, HID), jnp.float32),
            jax.ShapeDtypeStruct((N_NODES, 1), jnp.float32),
        ],
    )(x, W1, deg_parts)


def _tc2_body(s_ref, y1_ref, dinv_ref, b1_ref, w2_ref, y2_ref):
    di = dinv_ref[...]
    h = s_ref[0] + s_ref[1] + y1_ref[...]
    h = jnp.maximum(di * h + b1_ref[...][None, :], 0.0)
    y2_ref[...] = di * jnp.dot(h, w2_ref[...], preferred_element_type=jnp.float32)


def _tc2(s1, y1, dinv, b1, W2):
    return pl.pallas_call(
        _tc2_body,
        grid=(GRID,),
        in_specs=[
            pl.BlockSpec((NC, BN, HID), lambda i: (0, i, 0)),
            pl.BlockSpec((BN, HID), lambda i: (i, 0)),
            pl.BlockSpec((BN, 1), lambda i: (i, 0)),
            pl.BlockSpec((HID,), lambda i: (0,)),
            pl.BlockSpec((HID, HID), lambda i: (0, 0)),
        ],
        out_specs=pl.BlockSpec((BN, HID), lambda i: (i, 0)),
        out_shape=jax.ShapeDtypeStruct((N_NODES, HID), jnp.float32),
    )(s1, y1, dinv, b1, W2)


def _tc3_body(s_ref, y2_ref, dinv_ref, b2_ref, batch_ref, wl_ref, bl_ref,
              out_ref, acc_ref):
    i = pl.program_id(0)

    @pl.when(i == 0)
    def _zero():
        acc_ref[...] = jnp.zeros_like(acc_ref)

    di = dinv_ref[...]
    h2 = di * (s_ref[0] + s_ref[1] + y2_ref[...]) + b2_ref[...][None, :]
    bt = batch_ref[0, 0, :]
    m = (bt[None, :] == lax.broadcasted_iota(jnp.int32, (N_GRP, BN), 0))
    acc_ref[...] += jnp.dot(m.astype(jnp.float32), h2,
                            preferred_element_type=jnp.float32,
                            precision=lax.Precision.HIGHEST)

    @pl.when(i == GRID - 1)
    def _final():
        out_ref[...] = (jnp.dot(acc_ref[...], wl_ref[...],
                                preferred_element_type=jnp.float32)
                        + bl_ref[...][None, :])


def _tc3(s2, y2, dinv, b2, batch2d, Wl, bl):
    return pl.pallas_call(
        _tc3_body,
        grid=(GRID,),
        in_specs=[
            pl.BlockSpec((NC, BN, HID), lambda i: (0, i, 0)),
            pl.BlockSpec((BN, HID), lambda i: (i, 0)),
            pl.BlockSpec((BN, 1), lambda i: (i, 0)),
            pl.BlockSpec((HID,), lambda i: (0,)),
            pl.BlockSpec((1, 1, BN), lambda i: (i, 0, 0)),
            pl.BlockSpec((HID, N_CLS), lambda i: (0, 0)),
            pl.BlockSpec((N_CLS,), lambda i: (0,)),
        ],
        out_specs=pl.BlockSpec((N_GRP, N_CLS), lambda i: (0, 0)),
        out_shape=jax.ShapeDtypeStruct((N_GRP, N_CLS), jnp.float32),
        scratch_shapes=[pltpu.VMEM((N_GRP, HID), jnp.float32)],
    )(s2, y2, dinv, b2, batch2d, Wl, bl)


def kernel(x, edge_index, batch, W1, b1, W2, b2, Wl, bl):
    src = edge_index[0]
    dst = edge_index[1]
    zeros_nh = jnp.zeros((N_NODES, HID), jnp.float32)

    deg_parts = _sc_deg(dst).reshape(NC, N_NODES, 1)
    y1, dinv = _tc1(x, W1, deg_parts)
    s1 = _sc_scatter(src, dst, y1, zeros_nh)
    y2 = _tc2(s1, y1, dinv, b1, W2)
    s2 = _sc_scatter(src, dst, y2, zeros_nh)
    return _tc3(s2, y2, dinv, b2, batch.reshape(GRID, 1, BN), Wl, bl)

# --- scband reference (transcript-rebuilt; emitter-appended) ---
"""Pipeline reference for scband-gcn-clf-52029233824006 (READ-ONLY COPY).

The authoritative reference and input builder live on the scoring server;
editing this copy changes nothing except your own understanding.
"""

import jax, jax.numpy as jnp
import numpy as np

N = 10000
E = 320000
D_IN = 128
H = 128
C = 2
G = 64


def gcn_conv(x, edge_index, W, b, num_nodes):
    # Faithful PyG GCNConv: lin(x), add self-loops, symmetric deg^-1/2 normalization, scatter-add at dst, + bias
    xw = x @ W
    src = edge_index[0]
    dst = edge_index[1]
    loop = jnp.arange(num_nodes, dtype=src.dtype)
    src = jnp.concatenate([src, loop])
    dst = jnp.concatenate([dst, loop])
    ew = jnp.ones(src.shape[0], dtype=xw.dtype)
    deg = jax.ops.segment_sum(ew, dst, num_segments=num_nodes)
    dinv = jnp.where(deg > 0, jax.lax.rsqrt(jnp.where(deg > 0, deg, 1.0)), 0.0)
    norm = dinv[src] * dinv[dst]
    msg = xw[src] * norm[:, None]
    out = jax.ops.segment_sum(msg, dst, num_segments=num_nodes)
    return out + b


def setup_inputs(seed: int = 0) -> dict:
    key = jax.random.key(seed)
    ks = jax.random.split(key, 10)
    x = jax.random.normal(ks[0], (N, D_IN), dtype=jnp.float32)
    edge_index = jax.random.randint(ks[1], (2, E), 0, N, dtype=jnp.int32)
    batch = jnp.sort(jax.random.randint(ks[2], (N,), 0, G, dtype=jnp.int32))
    W1 = jax.random.normal(ks[3], (D_IN, H), dtype=jnp.float32) * (1.0 / np.sqrt(D_IN))
    b1 = jnp.zeros((H,), dtype=jnp.float32)
    W2 = jax.random.normal(ks[4], (H, H), dtype=jnp.float32) * (1.0 / np.sqrt(H))
    b2 = jnp.zeros((H,), dtype=jnp.float32)
    Wl = jax.random.normal(ks[5], (H, C), dtype=jnp.float32) * (1.0 / np.sqrt(H))
    bl = jnp.zeros((C,), dtype=jnp.float32)
    return {"x": x, "edge_index": edge_index, "batch": batch, "W1": W1, "b1": b1, "W2": W2, "b2": b2, "Wl": Wl, "bl": bl}


def reference(x, edge_index, batch, W1, b1, W2, b2, Wl, bl):
    h = gcn_conv(x, edge_index, W1, b1, N)
    h = jax.nn.relu(h)
    h = gcn_conv(h, edge_index, W2, b2, N)
    pooled = jax.ops.segment_sum(h, batch, num_segments=G)  # global_add_pool
    return pooled @ Wl + bl

if __name__ == "__main__":
    import jax
    _d = setup_inputs()
    print(jax.jit(kernel)(*tuple(_d.values())))

</pallas_src>

<mosaic_0001>
#map = affine_map<(d0, d1) -> (0)>
#map1 = affine_map<(d0, d1) -> (0, 0)>
#map2 = affine_map<(d0, d1) -> (0, 0, 0)>
module attributes {stable_mosaic.version = 14 : i64} {
  func.func @_sc_scatter(%arg0: i32, %arg1: i32, %arg2: memref<320000xi32, #tpu.memory_space<hbm>>, %arg3: memref<320000xi32, #tpu.memory_space<hbm>>, %arg4: memref<10000x128xf32, #tpu.memory_space<hbm>>, %arg5: memref<10000x128xf32, #tpu.memory_space<hbm>>, %arg6: memref<2x10000x128xf32, #tpu.memory_space<hbm>>, %arg7: memref<128xi32, #tpu.memory_space<vmem>>, %arg8: memref<128xi32, #tpu.memory_space<vmem>>, %arg9: memref<128xi32, #tpu.memory_space<vmem>>, %arg10: memref<128xi32, #tpu.memory_space<vmem>>, %arg11: memref<128xi32, #tpu.memory_space<vmem>>, %arg12: memref<128xi32, #tpu.memory_space<vmem>>, %arg13: memref<128x128xf32, #tpu.memory_space<vmem>>, %arg14: memref<128x128xf32, #tpu.memory_space<vmem>>, %arg15: memref<128x128xf32, #tpu.memory_space<vmem>>, %arg16: memref<16xi32, #tpu.memory_space<vmem>>, %arg17: memref<16xi32, #tpu.memory_space<vmem>>, %arg18: memref<10000x128xf32, #tpu.memory_space<vmem_shared>>, %arg19: memref<!tpu.dma_semaphore, #tpu.memory_space<semaphore_mem>>, %arg20: memref<!tpu.dma_semaphore, #tpu.memory_space<semaphore_mem>>, %arg21: memref<!tpu.dma_semaphore, #tpu.memory_space<semaphore_mem>>, %arg22: memref<!tpu.dma_semaphore, #tpu.memory_space<semaphore_mem>>, %arg23: memref<!tpu.dma_semaphore, #tpu.memory_space<semaphore_mem>>, %arg24: memref<!tpu.dma_semaphore, #tpu.memory_space<semaphore_mem>>) attributes {dimension_semantics = [#tpu.dimension_semantics<core_parallel>, #tpu.dimension_semantics<subcore_parallel>], iteration_bounds = array<i64: 2, 16>, scalar_prefetch = 0 : i64, scratch_operands = 18 : i64, tpu.core_type = #tpu.core_type<sc_vector_subcore>, window_params = [{transform_indices = #map}, {transform_indices = #map}, {transform_indices = #map1}, {transform_indices = #map1}, {transform_indices = #map2}]} {
    %mul3A = arith.constant 2 : i32
    %mul3A_0 = arith.muli %arg1, %mul3A : i32
    %add3A = arith.addi %mul3A_0, %arg0 : i32
    %mul3A_1 = arith.constant 10000 : i32
    %mul3A_2 = arith.muli %add3A, %mul3A_1 : i32
    %multiple_of3A = tpu.assume_multiple %mul3A_2, 8 : i32
    %mul3A_3 = arith.constant 624 : i32
    %mul3A_4 = arith.muli %arg1, %mul3A_3 : i32
    "tpu.region"() ({
      %run_scoped3A = tpu.sem_alloc : memref<!tpu.dma_semaphore, #tpu.memory_space<semaphore_mem>>
      %dma_start3A_63 = arith.constant 0 : i32
      %dma_start3A_64 = tpu.memref_slice %arg18[%mul3A_4, %dma_start3A_63] : memref<10000x128xf32, #tpu.memory_space<vmem_shared>> -> memref<624x128xf32, #tpu.memory_space<vmem_shared>>
      %dma_start3A_65 = arith.constant 0 : i32
      %dma_start3A_66 = tpu.memref_slice %arg5[%mul3A_4, %dma_start3A_65] : memref<10000x128xf32, #tpu.memory_space<hbm>> -> memref<624x128xf32, #tpu.memory_space<hbm>>
      tpu.enqueue_dma source(%dma_start3A_66 : memref<624x128xf32, #tpu.memory_space<hbm>>) target(%dma_start3A_64 : memref<624x128xf32, #tpu.memory_space<vmem_shared>>) target_semaphore(%run_scoped3A : memref<!tpu.dma_semaphore, #tpu.memory_space<semaphore_mem>>)
      %dma_wait3A_67 = arith.constant 0 : i32
      %dma_wait3A_68 = tpu.memref_slice %arg18[%mul3A_4, %dma_wait3A_67] : memref<10000x128xf32, #tpu.memory_space<vmem_shared>> -> memref<624x128xf32, #tpu.memory_space<vmem_shared>>
      %dma_wait3A_69 = arith.constant 0 : i32
      %dma_wait3A_70 = tpu.memref_slice %arg5[%mul3A_4, %dma_wait3A_69] : memref<10000x128xf32, #tpu.memory_space<hbm>> -> memref<624x128xf32, #tpu.memory_space<hbm>>
      tpu.wait_dma2 semaphore(%run_scoped3A : memref<!tpu.dma_semaphore, #tpu.memory_space<semaphore_mem>>) src(%dma_wait3A_70 : memref<624x128xf32, #tpu.memory_space<hbm>>) dst(%dma_wait3A_68 : memref<624x128xf32, #tpu.memory_space<vmem_shared>>)
      tpu.yield
    }) : () -> ()
    %eq3A = arith.constant 15 : i32
    %eq3A_5 = arith.cmpi eq, %arg1, %eq3A : i32
    %convert_element_type3A = arith.extui %eq3A_5 : i1 to i32
    %cond3A = arith.constant 0 : i32
    %cond3A_6 = arith.cmpi ne, %convert_element_type3A, %cond3A : i32
    scf.if %cond3A_6 {
      "tpu.region"() ({
        %run_scoped3A = tpu.sem_alloc : memref<!tpu.dma_semaphore, #tpu.memory_space<semaphore_mem>>
        %dma_start3A_63 = arith.constant 9984 : i32
        %dma_start3A_64 = arith.constant 0 : i32
        %dma_start3A_65 = tpu.memref_slice %arg18[%dma_start3A_63, %dma_start3A_64] : memref<10000x128xf32, #tpu.memory_space<vmem_shared>> -> memref<16x128xf32, #tpu.memory_space<vmem_shared>>
        %dma_start3A_66 = arith.constant 9984 : i32
        %dma_start3A_67 = arith.constant 0 : i32
        %dma_start3A_68 = tpu.memref_slice %arg5[%dma_start3A_66, %dma_start3A_67] : memref<10000x128xf32, #tpu.memory_space<hbm>> -> memref<16x128xf32, #tpu.memory_space<hbm>>
        tpu.enqueue_dma source(%dma_start3A_68 : memref<16x128xf32, #tpu.memory_space<hbm>>) target(%dma_start3A_65 : memref<16x128xf32, #tpu.memory_space<vmem_shared>>) target_semaphore(%run_scoped3A : memref<!tpu.dma_semaphore, #tpu.memory_space<semaphore_mem>>)
        %dma_wait3A_69 = arith.constant 9984 : i32
        %dma_wait3A_70 = arith.constant 0 : i32
        %dma_wait3A_71 = tpu.memref_slice %arg18[%dma_wait3A_69, %dma_wait3A_70] : memref<10000x128xf32, #tpu.memory_space<vmem_shared>> -> memref<16x128xf32, #tpu.memory_space<vmem_shared>>
        %dma_wait3A_72 = arith.constant 9984 : i32
        %dma_wait3A_73 = arith.constant 0 : i32
        %dma_wait3A_74 = tpu.memref_slice %arg5[%dma_wait3A_72, %dma_wait3A_73] : memref<10000x128xf32, #tpu.memory_space<hbm>> -> memref<16x128xf32, #tpu.memory_space<hbm>>
        tpu.wait_dma2 semaphore(%run_scoped3A : memref<!tpu.dma_semaphore, #tpu.memory_space<semaphore_mem>>) src(%dma_wait3A_74 : memref<16x128xf32, #tpu.memory_space<hbm>>) dst(%dma_wait3A_71 : memref<16x128xf32, #tpu.memory_space<vmem_shared>>)
        tpu.yield
      }) : () -> ()
    } else {
    }
    %barrier3A = arith.constant 0 : index
    tpu.barrier barrier_id(%barrier3A)
    %add3A_7 = arith.constant 0 : i32
    %add3A_8 = arith.addi %multiple_of3A, %add3A_7 : i32
    %multiple_of3A_9 = tpu.assume_multiple %add3A_8, 8 : i32
    %dma_start3A = tpu.memref_slice %arg2[%multiple_of3A_9] : memref<320000xi32, #tpu.memory_space<hbm>> -> memref<128xi32, #tpu.memory_space<hbm>>
    %dma_start3A_10 = tpu.memref_slice %arg2[%multiple_of3A_9] : memref<320000xi32, #tpu.memory_space<hbm>> -> memref<128xi32, #tpu.memory_space<hbm>>
    tpu.enqueue_dma source(%dma_start3A_10 : memref<128xi32, #tpu.memory_space<hbm>>) target(%arg7 : memref<128xi32, #tpu.memory_space<vmem>>) target_semaphore(%arg19 : memref<!tpu.dma_semaphore, #tpu.memory_space<semaphore_mem>>)
    %dma_start3A_11 = tpu.memref_slice %arg3[%multiple_of3A_9] : memref<320000xi32, #tpu.memory_space<hbm>> -> memref<128xi32, #tpu.memory_space<hbm>>
    %dma_start3A_12 = tpu.memref_slice %arg3[%multiple_of3A_9] : memref<320000xi32, #tpu.memory_space<hbm>> -> memref<128xi32, #tpu.memory_space<hbm>>
    tpu.enqueue_dma source(%dma_start3A_12 : memref<128xi32, #tpu.memory_space<hbm>>) target(%arg10 : memref<128xi32, #tpu.memory_space<vmem>>) target_semaphore(%arg19 : memref<!tpu.dma_semaphore, #tpu.memory_space<semaphore_mem>>)
    %add3A_13 = arith.constant 128 : i32
    %add3A_14 = arith.addi %multiple_of3A, %add3A_13 : i32
    %multiple_of3A_15 = tpu.assume_multiple %add3A_14, 8 : i32
    %dma_start3A_16 = tpu.memref_slice %arg2[%multiple_of3A_15] : memref<320000xi32, #tpu.memory_space<hbm>> -> memref<128xi32, #tpu.memory_space<hbm>>
    %dma_start3A_17 = tpu.memref_slice %arg2[%multiple_of3A_15] : memref<320000xi32, #tpu.memory_space<hbm>> -> memref<128xi32, #tpu.memory_space<hbm>>
    tpu.enqueue_dma source(%dma_start3A_17 : memref<128xi32, #tpu.memory_space<hbm>>) target(%arg8 : memref<128xi32, #tpu.memory_space<vmem>>) target_semaphore(%arg20 : memref<!tpu.dma_semaphore, #tpu.memory_space<semaphore_mem>>)
    %dma_start3A_18 = tpu.memref_slice %arg3[%multiple_of3A_15] : memref<320000xi32, #tpu.memory_space<hbm>> -> memref<128xi32, #tpu.memory_space<hbm>>
    %dma_start3A_19 = tpu.memref_slice %arg3[%multiple_of3A_15] : memref<320000xi32, #tpu.memory_space<hbm>> -> memref<128xi32, #tpu.memory_space<hbm>>
    tpu.enqueue_dma source(%dma_start3A_19 : memref<128xi32, #tpu.memory_space<hbm>>) target(%arg11 : memref<128xi32, #tpu.memory_space<vmem>>) target_semaphore(%arg20 : memref<!tpu.dma_semaphore, #tpu.memory_space<semaphore_mem>>)
    %add3A_20 = arith.constant 256 : i32
    %add3A_21 = arith.addi %multiple_of3A, %add3A_20 : i32
    %multiple_of3A_22 = tpu.assume_multiple %add3A_21, 8 : i32
    %dma_start3A_23 = tpu.memref_slice %arg2[%multiple_of3A_22] : memref<320000xi32, #tpu.memory_space<hbm>> -> memref<128xi32, #tpu.memory_space<hbm>>
    %dma_start3A_24 = tpu.memref_slice %arg2[%multiple_of3A_22] : memref<320000xi32, #tpu.memory_space<hbm>> -> memref<128xi32, #tpu.memory_space<hbm>>
    tpu.enqueue_dma source(%dma_start3A_24 : memref<128xi32, #tpu.memory_space<hbm>>) target(%arg9 : memref<128xi32, #tpu.memory_space<vmem>>) target_semaphore(%arg21 : memref<!tpu.dma_semaphore, #tpu.memory_space<semaphore_mem>>)
    %dma_start3A_25 = tpu.memref_slice %arg3[%multiple_of3A_22] : memref<320000xi32, #tpu.memory_space<hbm>> -> memref<128xi32, #tpu.memory_space<hbm>>
    %dma_start3A_26 = tpu.memref_slice %arg3[%multiple_of3A_22] : memref<320000xi32, #tpu.memory_space<hbm>> -> memref<128xi32, #tpu.memory_space<hbm>>
    tpu.enqueue_dma source(%dma_start3A_26 : memref<128xi32, #tpu.memory_space<hbm>>) target(%arg12 : memref<128xi32, #tpu.memory_space<vmem>>) target_semaphore(%arg21 : memref<!tpu.dma_semaphore, #tpu.memory_space<semaphore_mem>>)
    %dma_wait3A = arith.constant 0 : i32
    %dma_wait3A_27 = tpu.memref_slice %arg2[%dma_wait3A] : memref<320000xi32, #tpu.memory_space<hbm>> -> memref<128xi32, #tpu.memory_space<hbm>>
    %dma_wait3A_28 = arith.constant 0 : i32
    %dma_wait3A_29 = tpu.memref_slice %arg2[%dma_wait3A_28] : memref<320000xi32, #tpu.memory_space<hbm>> -> memref<128xi32, #tpu.memory_space<hbm>>
    tpu.wait_dma2 semaphore(%arg19 : memref<!tpu.dma_semaphore, #tpu.memory_space<semaphore_mem>>) src(%dma_wait3A_29 : memref<128xi32, #tpu.memory_space<hbm>>) dst(%arg7 : memref<128xi32, #tpu.memory_space<vmem>>)
    %dma_wait3A_30 = arith.constant 0 : i32
    %dma_wait3A_31 = tpu.memref_slice %arg3[%dma_wait3A_30] : memref<320000xi32, #tpu.memory_space<hbm>> -> memref<128xi32, #tpu.memory_space<hbm>>
    %dma_wait3A_32 = arith.constant 0 : i32
    %dma_wait3A_33 = tpu.memref_slice %arg3[%dma_wait3A_32] : memref<320000xi32, #tpu.memory_space<hbm>> -> memref<128xi32, #tpu.memory_space<hbm>>
    tpu.wait_dma2 semaphore(%arg19 : memref<!tpu.dma_semaphore, #tpu.memory_space<semaphore_mem>>) src(%dma_wait3A_33 : memref<128xi32, #tpu.memory_space<hbm>>) dst(%arg10 : memref<128xi32, #tpu.memory_space<vmem>>)
    %dma_start3A_34 = arith.constant 0 : i32
    %dma_start3A_35 = arith.constant 0 : i32
    %dma_start3A_36 = tpu.memref_slice %arg4[%dma_start3A_34, %dma_start3A_35] : memref<10000x128xf32, #tpu.memory_space<hbm>> -> memref<10000x128xf32, #tpu.memory_space<hbm>>
    tpu.enqueue_indirect_dma source(%dma_start3A_36 : memref<10000x128xf32, #tpu.memory_space<hbm>>) target(%arg13 : memref<128x128xf32, #tpu.memory_space<vmem>>) offsets(%arg7 : memref<128xi32, #tpu.memory_space<vmem>>) semaphore(%arg22 : memref<!tpu.dma_semaphore, #tpu.memory_space<semaphore_mem>>)
    %scan3A = arith.constant 0 : i32
    %scan3A_37 = arith.constant 0 : i32
    %scan3A_38 = arith.constant 26 : i32
    %scan3A_39 = arith.addi %scan3A_37, %scan3A_38 : i32
    %scan3A_40 = arith.constant 1 : i32
    scf.for %scan3A_63 = %scan3A_37 to %scan3A_39 step %scan3A_40  : i32 {
      %mul3A_64 = arith.constant 3 : i32
      %mul3A_65 = arith.muli %scan3A_63, %mul3A_64 : i32
      %add3A_66 = arith.constant 0 : i32
      %add3A_67 = arith.addi %mul3A_65, %add3A_66 : i32
      %dma_wait3A_68 = arith.constant 0 : i32
      %dma_wait3A_69 = arith.constant 0 : i32
      %dma_wait3A_70 = tpu.memref_slice %arg4[%dma_wait3A_68, %dma_wait3A_69] : memref<10000x128xf32, #tpu.memory_space<hbm>> -> memref<10000x128xf32, #tpu.memory_space<hbm>>
      tpu.wait_indirect_dma semaphore(%arg22 : memref<!tpu.dma_semaphore, #tpu.memory_space<semaphore_mem>>) src(%dma_wait3A_70 : memref<10000x128xf32, #tpu.memory_space<hbm>>) dst(%arg13 : memref<128x128xf32, #tpu.memory_space<vmem>>)
      %add3A_71 = arith.constant 1 : i32
      %add3A_72 = arith.addi %add3A_67, %add3A_71 : i32
      %lt3A = arith.constant 78 : i32
      %lt3A_73 = arith.cmpi slt, %add3A_72, %lt3A : i32
      %convert_element_type3A_74 = arith.extui %lt3A_73 : i1 to i32
      %cond3A_75 = arith.constant 0 : i32
      %cond3A_76 = arith.cmpi ne, %convert_element_type3A_74, %cond3A_75 : i32
      scf.if %cond3A_76 {
        %dma_wait3A_122 = arith.constant 0 : i32
        %dma_wait3A_123 = tpu.memref_slice %arg2[%dma_wait3A_122] : memref<320000xi32, #tpu.memory_space<hbm>> -> memref<128xi32, #tpu.memory_space<hbm>>
        %dma_wait3A_124 = arith.constant 0 : i32
        %dma_wait3A_125 = tpu.memref_slice %arg2[%dma_wait3A_124] : memref<320000xi32, #tpu.memory_space<hbm>> -> memref<128xi32, #tpu.memory_space<hbm>>
        tpu.wait_dma2 semaphore(%arg20 : memref<!tpu.dma_semaphore, #tpu.memory_space<semaphore_mem>>) src(%dma_wait3A_125 : memref<128xi32, #tpu.memory_space<hbm>>) dst(%arg8 : memref<128xi32, #tpu.memory_space<vmem>>)
        %dma_wait3A_126 = arith.constant 0 : i32
        %dma_wait3A_127 = tpu.memref_slice %arg3[%dma_wait3A_126] : memref<320000xi32, #tpu.memory_space<hbm>> -> memref<128xi32, #tpu.memory_space<hbm>>
        %dma_wait3A_128 = arith.constant 0 : i32
        %dma_wait3A_129 = tpu.memref_slice %arg3[%dma_wait3A_128] : memref<320000xi32, #tpu.memory_space<hbm>> -> memref<128xi32, #tpu.memory_space<hbm>>
        tpu.wait_dma2 semaphore(%arg20 : memref<!tpu.dma_semaphore, #tpu.memory_space<semaphore_mem>>) src(%dma_wait3A_129 : memref<128xi32, #tpu.memory_space<hbm>>) dst(%arg11 : memref<128xi32, #tpu.memory_space<vmem>>)
        %dma_start3A_130 = arith.constant 0 : i32
        %dma_start3A_131 = arith.constant 0 : i32
        %dma_start3A_132 = tpu.memref_slice %arg4[%dma_start3A_130, %dma_start3A_131] : memref<10000x128xf32, #tpu.memory_space<hbm>> -> memref<10000x128xf32, #tpu.memory_space<hbm>>
        tpu.enqueue_indirect_dma source(%dma_start3A_132 : memref<10000x128xf32, #tpu.memory_space<hbm>>) target(%arg14 : memref<128x128xf32, #tpu.memory_space<vmem>>) offsets(%arg8 : memref<128xi32, #tpu.memory_space<vmem>>) semaphore(%arg23 : memref<!tpu.dma_semaphore, #tpu.memory_space<semaphore_mem>>)
      } else {
      }
      "tpu.region"() ({
        %run_scoped3A = tpu.sem_alloc : memref<!tpu.dma_semaphore, #tpu.memory_space<semaphore_mem>>
        %dma_start3A_122 = arith.constant 0 : i32
        %dma_start3A_123 = arith.constant 0 : i32
        %dma_start3A_124 = tpu.memref_slice %arg18[%dma_start3A_122, %dma_start3A_123] : memref<10000x128xf32, #tpu.memory_space<vmem_shared>> -> memref<10000x128xf32, #tpu.memory_space<vmem_shared>>
        tpu.enqueue_indirect_dma source(%arg13 : memref<128x128xf32, #tpu.memory_space<vmem>>) target(%dma_start3A_124 : memref<10000x128xf32, #tpu.memory_space<vmem_shared>>) offsets(%arg10 : memref<128xi32, #tpu.memory_space<vmem>>) semaphore(%run_scoped3A : memref<!tpu.dma_semaphore, #tpu.memory_space<semaphore_mem>>) {add = true}
        %dma_wait3A_125 = arith.constant 0 : i32
        %dma_wait3A_126 = arith.constant 0 : i32
        %dma_wait3A_127 = tpu.memref_slice %arg18[%dma_wait3A_125, %dma_wait3A_126] : memref<10000x128xf32, #tpu.memory_space<vmem_shared>> -> memref<10000x128xf32, #tpu.memory_space<vmem_shared>>
        tpu.wait_indirect_dma semaphore(%run_scoped3A : memref<!tpu.dma_semaphore, #tpu.memory_space<semaphore_mem>>) src(%arg13 : memref<128x128xf32, #tpu.memory_space<vmem>>) dst(%dma_wait3A_127 : memref<10000x128xf32, #tpu.memory_space<vmem_shared>>)
        tpu.yield
      }) : () -> ()
      %add3A_77 = arith.constant 3 : i32
      %add3A_78 = arith.addi %add3A_67, %add3A_77 : i32
      %lt3A_79 = arith.constant 78 : i32
      %lt3A_80 = arith.cmpi slt, %add3A_78, %lt3A_79 : i32
      %convert_element_type3A_81 = arith.extui %lt3A_80 : i1 to i32
      %cond3A_82 = arith.constant 0 : i32
      %cond3A_83 = arith.cmpi ne, %convert_element_type3A_81, %cond3A_82 : i32
      scf.if %cond3A_83 {
        %add3A_122 = arith.constant 3 : i32
        %add3A_123 = arith.addi %add3A_67, %add3A_122 : i32
        %mul3A_124 = arith.constant 128 : i32
        %mul3A_125 = arith.muli %add3A_123, %mul3A_124 : i32
        %add3A_126 = arith.addi %multiple_of3A, %mul3A_125 : i32
        %multiple_of3A_127 = tpu.assume_multiple %add3A_126, 8 : i32
        %dma_start3A_128 = tpu.memref_slice %arg2[%multiple_of3A_127] : memref<320000xi32, #tpu.memory_space<hbm>> -> memref<128xi32, #tpu.memory_space<hbm>>
        %dma_start3A_129 = tpu.memref_slice %arg2[%multiple_of3A_127] : memref<320000xi32, #tpu.memory_space<hbm>> -> memref<128xi32, #tpu.memory_space<hbm>>
        tpu.enqueue_dma source(%dma_start3A_129 : memref<128xi32, #tpu.memory_space<hbm>>) target(%arg7 : memref<128xi32, #tpu.memory_space<vmem>>) target_semaphore(%arg19 : memref<!tpu.dma_semaphore, #tpu.memory_space<semaphore_mem>>)
        %dma_start3A_130 = tpu.memref_slice %arg3[%multiple_of3A_127] : memref<320000xi32, #tpu.memory_space<hbm>> -> memref<128xi32, #tpu.memory_space<hbm>>
        %dma_start3A_131 = tpu.memref_slice %arg3[%multiple_of3A_127] : memref<320000xi32, #tpu.memory_space<hbm>> -> memref<128xi32, #tpu.memory_space<hbm>>
        tpu.enqueue_dma source(%dma_start3A_131 : memref<128xi32, #tpu.memory_space<hbm>>) target(%arg10 : memref<128xi32, #tpu.memory_space<vmem>>) target_semaphore(%arg19 : memref<!tpu.dma_semaphore, #tpu.memory_space<semaphore_mem>>)
      } else {
      }
      %add3A_84 = arith.constant 1 : i32
      %add3A_85 = arith.addi %mul3A_65, %add3A_84 : i32
      %dma_wait3A_86 = arith.constant 0 : i32
      %dma_wait3A_87 = arith.constant 0 : i32
      %dma_wait3A_88 = tpu.memref_slice %arg4[%dma_wait3A_86, %dma_wait3A_87] : memref<10000x128xf32, #tpu.memory_space<hbm>> -> memref<10000x128xf32, #tpu.memory_space<hbm>>
      tpu.wait_indirect_dma semaphore(%arg23 : memref<!tpu.dma_semaphore, #tpu.memory_space<semaphore_mem>>) src(%dma_wait3A_88 : memref<10000x128xf32, #tpu.memory_space<hbm>>) dst(%arg14 : memref<128x128xf32, #tpu.memory_space<vmem>>)
      %add3A_89 = arith.constant 1 : i32
      %add3A_90 = arith.addi %add3A_85, %add3A_89 : i32
      %lt3A_91 = arith.constant 78 : i32
      %lt3A_92 = arith.cmpi slt, %add3A_90, %lt3A_91 : i32
      %convert_element_type3A_93 = arith.extui %lt3A_92 : i1 to i32
      %cond3A_94 = arith.constant 0 : i32
      %cond3A_95 = arith.cmpi ne, %convert_element_type3A_93, %cond3A_94 : i32
      scf.if %cond3A_95 {
        %dma_wait3A_122 = arith.constant 0 : i32
        %dma_wait3A_123 = tpu.memref_slice %arg2[%dma_wait3A_122] : memref<320000xi32, #tpu.memory_space<hbm>> -> memref<128xi32, #tpu.memory_space<hbm>>
        %dma_wait3A_124 = arith.constant 0 : i32
        %dma_wait3A_125 = tpu.memref_slice %arg2[%dma_wait3A_124] : memref<320000xi32, #tpu.memory_space<hbm>> -> memref<128xi32, #tpu.memory_space<hbm>>
        tpu.wait_dma2 semaphore(%arg21 : memref<!tpu.dma_semaphore, #tpu.memory_space<semaphore_mem>>) src(%dma_wait3A_125 : memref<128xi32, #tpu.memory_space<hbm>>) dst(%arg9 : memref<128xi32, #tpu.memory_space<vmem>>)
        %dma_wait3A_126 = arith.constant 0 : i32
        %dma_wait3A_127 = tpu.memref_slice %arg3[%dma_wait3A_126] : memref<320000xi32, #tpu.memory_space<hbm>> -> memref<128xi32, #tpu.memory_space<hbm>>
        %dma_wait3A_128 = arith.constant 0 : i32
        %dma_wait3A_129 = tpu.memref_slice %arg3[%dma_wait3A_128] : memref<320000xi32, #tpu.memory_space<hbm>> -> memref<128xi32, #tpu.memory_space<hbm>>
        tpu.wait_dma2 semaphore(%arg21 : memref<!tpu.dma_semaphore, #tpu.memory_space<semaphore_mem>>) src(%dma_wait3A_129 : memref<128xi32, #tpu.memory_space<hbm>>) dst(%arg12 : memref<128xi32, #tpu.memory_space<vmem>>)
        %dma_start3A_130 = arith.constant 0 : i32
        %dma_start3A_131 = arith.constant 0 : i32
        %dma_start3A_132 = tpu.memref_slice %arg4[%dma_start3A_130, %dma_start3A_131] : memref<10000x128xf32, #tpu.memory_space<hbm>> -> memref<10000x128xf32, #tpu.memory_space<hbm>>
        tpu.enqueue_indirect_dma source(%dma_start3A_132 : memref<10000x128xf32, #tpu.memory_space<hbm>>) target(%arg15 : memref<128x128xf32, #tpu.memory_space<vmem>>) offsets(%arg9 : memref<128xi32, #tpu.memory_space<vmem>>) semaphore(%arg24 : memref<!tpu.dma_semaphore, #tpu.memory_space<semaphore_mem>>)
      } else {
      }
      "tpu.region"() ({
        %run_scoped3A = tpu.sem_alloc : memref<!tpu.dma_semaphore, #tpu.memory_space<semaphore_mem>>
        %dma_start3A_122 = arith.constant 0 : i32
        %dma_start3A_123 = arith.constant 0 : i32
        %dma_start3A_124 = tpu.memref_slice %arg18[%dma_start3A_122, %dma_start3A_123] : memref<10000x128xf32, #tpu.memory_space<vmem_shared>> -> memref<10000x128xf32, #tpu.memory_space<vmem_shared>>
        tpu.enqueue_indirect_dma source(%arg14 : memref<128x128xf32, #tpu.memory_space<vmem>>) target(%dma_start3A_124 : memref<10000x128xf32, #tpu.memory_space<vmem_shared>>) offsets(%arg11 : memref<128xi32, #tpu.memory_space<vmem>>) semaphore(%run_scoped3A : memref<!tpu.dma_semaphore, #tpu.memory_space<semaphore_mem>>) {add = true}
        %dma_wait3A_125 = arith.constant 0 : i32
        %dma_wait3A_126 = arith.constant 0 : i32
        %dma_wait3A_127 = tpu.memref_slice %arg18[%dma_wait3A_125, %dma_wait3A_126] : memref<10000x128xf32, #tpu.memory_space<vmem_shared>> -> memref<10000x128xf32, #tpu.memory_space<vmem_shared>>
        tpu.wait_indirect_dma semaphore(%run_scoped3A : memref<!tpu.dma_semaphore, #tpu.memory_space<semaphore_mem>>) src(%arg14 : memref<128x128xf32, #tpu.memory_space<vmem>>) dst(%dma_wait3A_127 : memref<10000x128xf32, #tpu.memory_space<vmem_shared>>)
        tpu.yield
      }) : () -> ()
      %add3A_96 = arith.constant 3 : i32
      %add3A_97 = arith.addi %add3A_85, %add3A_96 : i32
      %lt3A_98 = arith.constant 78 : i32
      %lt3A_99 = arith.cmpi slt, %add3A_97, %lt3A_98 : i32
      %convert_element_type3A_100 = arith.extui %lt3A_99 : i1 to i32
      %cond3A_101 = arith.constant 0 : i32
      %cond3A_102 = arith.cmpi ne, %convert_element_type3A_100, %cond3A_101 : i32
      scf.if %cond3A_102 {
        %add3A_122 = arith.constant 3 : i32
        %add3A_123 = arith.addi %add3A_85, %add3A_122 : i32
        %mul3A_124 = arith.constant 128 : i32
        %mul3A_125 = arith.muli %add3A_123, %mul3A_124 : i32
        %add3A_126 = arith.addi %multiple_of3A, %mul3A_125 : i32
        %multiple_of3A_127 = tpu.assume_multiple %add3A_126, 8 : i32
        %dma_start3A_128 = tpu.memref_slice %arg2[%multiple_of3A_127] : memref<320000xi32, #tpu.memory_space<hbm>> -> memref<128xi32, #tpu.memory_space<hbm>>
        %dma_start3A_129 = tpu.memref_slice %arg2[%multiple_of3A_127] : memref<320000xi32, #tpu.memory_space<hbm>> -> memref<128xi32, #tpu.memory_space<hbm>>
        tpu.enqueue_dma source(%dma_start3A_129 : memref<128xi32, #tpu.memory_space<hbm>>) target(%arg8 : memref<128xi32, #tpu.memory_space<vmem>>) target_semaphore(%arg20 : memref<!tpu.dma_semaphore, #tpu.memory_space<semaphore_mem>>)
        %dma_start3A_130 = tpu.memref_slice %arg3[%multiple_of3A_127] : memref<320000xi32, #tpu.memory_space<hbm>> -> memref<128xi32, #tpu.memory_space<hbm>>
        %dma_start3A_131 = tpu.memref_slice %arg3[%multiple_of3A_127] : memref<320000xi32, #tpu.memory_space<hbm>> -> memref<128xi32, #tpu.memory_space<hbm>>
        tpu.enqueue_dma source(%dma_start3A_131 : memref<128xi32, #tpu.memory_space<hbm>>) target(%arg11 : memref<128xi32, #tpu.memory_space<vmem>>) target_semaphore(%arg20 : memref<!tpu.dma_semaphore, #tpu.memory_space<semaphore_mem>>)
      } else {
      }
      %add3A_103 = arith.constant 2 : i32
      %add3A_104 = arith.addi %mul3A_65, %add3A_103 : i32
      %dma_wait3A_105 = arith.constant 0 : i32
      %dma_wait3A_106 = arith.constant 0 : i32
      %dma_wait3A_107 = tpu.memref_slice %arg4[%dma_wait3A_105, %dma_wait3A_106] : memref<10000x128xf32, #tpu.memory_space<hbm>> -> memref<10000x128xf32, #tpu.memory_space<hbm>>
      tpu.wait_indirect_dma semaphore(%arg24 : memref<!tpu.dma_semaphore, #tpu.memory_space<semaphore_mem>>) src(%dma_wait3A_107 : memref<10000x128xf32, #tpu.memory_space<hbm>>) dst(%arg15 : memref<128x128xf32, #tpu.memory_space<vmem>>)
      %add3A_108 = arith.constant 1 : i32
      %add3A_109 = arith.addi %add3A_104, %add3A_108 : i32
      %lt3A_110 = arith.constant 78 : i32
      %lt3A_111 = arith.cmpi slt, %add3A_109, %lt3A_110 : i32
      %convert_element_type3A_112 = arith.extui %lt3A_111 : i1 to i32
      %cond3A_113 = arith.constant 0 : i32
      %cond3A_114 = arith.cmpi ne, %convert_element_type3A_112, %cond3A_113 : i32
      scf.if %cond3A_114 {
        %dma_wait3A_122 = arith.constant 0 : i32
        %dma_wait3A_123 = tpu.memref_slice %arg2[%dma_wait3A_122] : memref<320000xi32, #tpu.memory_space<hbm>> -> memref<128xi32, #tpu.memory_space<hbm>>
        %dma_wait3A_124 = arith.constant 0 : i32
        %dma_wait3A_125 = tpu.memref_slice %arg2[%dma_wait3A_124] : memref<320000xi32, #tpu.memory_space<hbm>> -> memref<128xi32, #tpu.memory_space<hbm>>
        tpu.wait_dma2 semaphore(%arg19 : memref<!tpu.dma_semaphore, #tpu.memory_space<semaphore_mem>>) src(%dma_wait3A_125 : memref<128xi32, #tpu.memory_space<hbm>>) dst(%arg7 : memref<128xi32, #tpu.memory_space<vmem>>)
        %dma_wait3A_126 = arith.constant 0 : i32
        %dma_wait3A_127 = tpu.memref_slice %arg3[%dma_wait3A_126] : memref<320000xi32, #tpu.memory_space<hbm>> -> memref<128xi32, #tpu.memory_space<hbm>>
        %dma_wait3A_128 = arith.constant 0 : i32
        %dma_wait3A_129 = tpu.memref_slice %arg3[%dma_wait3A_128] : memref<320000xi32, #tpu.memory_space<hbm>> -> memref<128xi32, #tpu.memory_space<hbm>>
        tpu.wait_dma2 semaphore(%arg19 : memref<!tpu.dma_semaphore, #tpu.memory_space<semaphore_mem>>) src(%dma_wait3A_129 : memref<128xi32, #tpu.memory_space<hbm>>) dst(%arg10 : memref<128xi32, #tpu.memory_space<vmem>>)
        %dma_start3A_130 = arith.constant 0 : i32
        %dma_start3A_131 = arith.constant 0 : i32
        %dma_start3A_132 = tpu.memref_slice %arg4[%dma_start3A_130, %dma_start3A_131] : memref<10000x128xf32, #tpu.memory_space<hbm>> -> memref<10000x128xf32, #tpu.memory_space<hbm>>
        tpu.enqueue_indirect_dma source(%dma_start3A_132 : memref<10000x128xf32, #tpu.memory_space<hbm>>) target(%arg13 : memref<128x128xf32, #tpu.memory_space<vmem>>) offsets(%arg7 : memref<128xi32, #tpu.memory_space<vmem>>) semaphore(%arg22 : memref<!tpu.dma_semaphore, #tpu.memory_space<semaphore_mem>>)
      } else {
      }
      "tpu.region"() ({
        %run_scoped3A = tpu.sem_alloc : memref<!tpu.dma_semaphore, #tpu.memory_space<semaphore_mem>>
        %dma_start3A_122 = arith.constant 0 : i32
        %dma_start3A_123 = arith.constant 0 : i32
        %dma_start3A_124 = tpu.memref_slice %arg18[%dma_start3A_122, %dma_start3A_123] : memref<10000x128xf32, #tpu.memory_space<vmem_shared>> -> memref<10000x128xf32, #tpu.memory_space<vmem_shared>>
        tpu.enqueue_indirect_dma source(%arg15 : memref<128x128xf32, #tpu.memory_space<vmem>>) target(%dma_start3A_124 : memref<10000x128xf32, #tpu.memory_space<vmem_shared>>) offsets(%arg12 : memref<128xi32, #tpu.memory_space<vmem>>) semaphore(%run_scoped3A : memref<!tpu.dma_semaphore, #tpu.memory_space<semaphore_mem>>) {add = true}
        %dma_wait3A_125 = arith.constant 0 : i32
        %dma_wait3A_126 = arith.constant 0 : i32
        %dma_wait3A_127 = tpu.memref_slice %arg18[%dma_wait3A_125, %dma_wait3A_126] : memref<10000x128xf32, #tpu.memory_space<vmem_shared>> -> memref<10000x128xf32, #tpu.memory_space<vmem_shared>>
        tpu.wait_indirect_dma semaphore(%run_scoped3A : memref<!tpu.dma_semaphore, #tpu.memory_space<semaphore_mem>>) src(%arg15 : memref<128x128xf32, #tpu.memory_space<vmem>>) dst(%dma_wait3A_127 : memref<10000x128xf32, #tpu.memory_space<vmem_shared>>)
        tpu.yield
      }) : () -> ()
      %add3A_115 = arith.constant 3 : i32
      %add3A_116 = arith.addi %add3A_104, %add3A_115 : i32
      %lt3A_117 = arith.constant 78 : i32
      %lt3A_118 = arith.cmpi slt, %add3A_116, %lt3A_117 : i32
      %convert_element_type3A_119 = arith.extui %lt3A_118 : i1 to i32
      %cond3A_120 = arith.constant 0 : i32
      %cond3A_121 = arith.cmpi ne, %convert_element_type3A_119, %cond3A_120 : i32
      scf.if %cond3A_121 {
        %add3A_122 = arith.constant 3 : i32
        %add3A_123 = arith.addi %add3A_104, %add3A_122 : i32
        %mul3A_124 = arith.constant 128 : i32
        %mul3A_125 = arith.muli %add3A_123, %mul3A_124 : i32
        %add3A_126 = arith.addi %multiple_of3A, %mul3A_125 : i32
        %multiple_of3A_127 = tpu.assume_multiple %add3A_126, 8 : i32
        %dma_start3A_128 = tpu.memref_slice %arg2[%multiple_of3A_127] : memref<320000xi32, #tpu.memory_space<hbm>> -> memref<128xi32, #tpu.memory_space<hbm>>
        %dma_start3A_129 = tpu.memref_slice %arg2[%multiple_of3A_127] : memref<320000xi32, #tpu.memory_space<hbm>> -> memref<128xi32, #tpu.memory_space<hbm>>
        tpu.enqueue_dma source(%dma_start3A_129 : memref<128xi32, #tpu.memory_space<hbm>>) target(%arg9 : memref<128xi32, #tpu.memory_space<vmem>>) target_semaphore(%arg21 : memref<!tpu.dma_semaphore, #tpu.memory_space<semaphore_mem>>)
        %dma_start3A_130 = tpu.memref_slice %arg3[%multiple_of3A_127] : memref<320000xi32, #tpu.memory_space<hbm>> -> memref<128xi32, #tpu.memory_space<hbm>>
        %dma_start3A_131 = tpu.memref_slice %arg3[%multiple_of3A_127] : memref<320000xi32, #tpu.memory_space<hbm>> -> memref<128xi32, #tpu.memory_space<hbm>>
        tpu.enqueue_dma source(%dma_start3A_131 : memref<128xi32, #tpu.memory_space<hbm>>) target(%arg12 : memref<128xi32, #tpu.memory_space<vmem>>) target_semaphore(%arg21 : memref<!tpu.dma_semaphore, #tpu.memory_space<semaphore_mem>>)
      } else {
      }
    }
    %scan3A_41 = arith.constant 26 : i32
    %add3A_42 = arith.constant 9984 : i32
    %add3A_43 = arith.addi %multiple_of3A, %add3A_42 : i32
    %multiple_of3A_44 = tpu.assume_multiple %add3A_43, 8 : i32
    "tpu.region"() ({
      %run_scoped3A = tpu.sem_alloc : memref<!tpu.dma_semaphore, #tpu.memory_space<semaphore_mem>>
      %dma_start3A_63 = tpu.memref_slice %arg2[%multiple_of3A_44] : memref<320000xi32, #tpu.memory_space<hbm>> -> memref<16xi32, #tpu.memory_space<hbm>>
      %dma_start3A_64 = tpu.memref_slice %arg2[%multiple_of3A_44] : memref<320000xi32, #tpu.memory_space<hbm>> -> memref<16xi32, #tpu.memory_space<hbm>>
      tpu.enqueue_dma source(%dma_start3A_64 : memref<16xi32, #tpu.memory_space<hbm>>) target(%arg16 : memref<16xi32, #tpu.memory_space<vmem>>) target_semaphore(%run_scoped3A : memref<!tpu.dma_semaphore, #tpu.memory_space<semaphore_mem>>)
      %dma_wait3A_65 = tpu.memref_slice %arg2[%multiple_of3A_44] : memref<320000xi32, #tpu.memory_space<hbm>> -> memref<16xi32, #tpu.memory_space<hbm>>
      %dma_wait3A_66 = tpu.memref_slice %arg2[%multiple_of3A_44] : memref<320000xi32, #tpu.memory_space<hbm>> -> memref<16xi32, #tpu.memory_space<hbm>>
      tpu.wait_dma2 semaphore(%run_scoped3A : memref<!tpu.dma_semaphore, #tpu.memory_space<semaphore_mem>>) src(%dma_wait3A_66 : memref<16xi32, #tpu.memory_space<hbm>>) dst(%arg16 : memref<16xi32, #tpu.memory_space<vmem>>)
      tpu.yield
    }) : () -> ()
    "tpu.region"() ({
      %run_scoped3A = tpu.sem_alloc : memref<!tpu.dma_semaphore, #tpu.memory_space<semaphore_mem>>
      %dma_start3A_63 = tpu.memref_slice %arg3[%multiple_of3A_44] : memref<320000xi32, #tpu.memory_space<hbm>> -> memref<16xi32, #tpu.memory_space<hbm>>
      %dma_start3A_64 = tpu.memref_slice %arg3[%multiple_of3A_44] : memref<320000xi32, #tpu.memory_space<hbm>> -> memref<16xi32, #tpu.memory_space<hbm>>
      tpu.enqueue_dma source(%dma_start3A_64 : memref<16xi32, #tpu.memory_space<hbm>>) target(%arg17 : memref<16xi32, #tpu.memory_space<vmem>>) target_semaphore(%run_scoped3A : memref<!tpu.dma_semaphore, #tpu.memory_space<semaphore_mem>>)
      %dma_wait3A_65 = tpu.memref_slice %arg3[%multiple_of3A_44] : memref<320000xi32, #tpu.memory_space<hbm>> -> memref<16xi32, #tpu.memory_space<hbm>>
      %dma_wait3A_66 = tpu.memref_slice %arg3[%multiple_of3A_44] : memref<320000xi32, #tpu.memory_space<hbm>> -> memref<16xi32, #tpu.memory_space<hbm>>
      tpu.wait_dma2 semaphore(%run_scoped3A : memref<!tpu.dma_semaphore, #tpu.memory_space<semaphore_mem>>) src(%dma_wait3A_66 : memref<16xi32, #tpu.memory_space<hbm>>) dst(%arg17 : memref<16xi32, #tpu.memory_space<vmem>>)
      tpu.yield
    }) : () -> ()
    %dma_start3A_45 = arith.constant 0 : i32
    %dma_start3A_46 = arith.constant 0 : i32
    %dma_start3A_47 = tpu.memref_slice %arg13[%dma_start3A_45, %dma_start3A_46] : memref<128x128xf32, #tpu.memory_space<vmem>> -> memref<16x128xf32, #tpu.memory_space<vmem>>
    %dma_start3A_48 = arith.constant 0 : i32
    %dma_start3A_49 = arith.constant 0 : i32
    %dma_start3A_50 = tpu.memref_slice %arg4[%dma_start3A_48, %dma_start3A_49] : memref<10000x128xf32, #tpu.memory_space<hbm>> -> memref<10000x128xf32, #tpu.memory_space<hbm>>
    tpu.enqueue_indirect_dma source(%dma_start3A_50 : memref<10000x128xf32, #tpu.memory_space<hbm>>) target(%dma_start3A_47 : memref<16x128xf32, #tpu.memory_space<vmem>>) offsets(%arg16 : memref<16xi32, #tpu.memory_space<vmem>>) semaphore(%arg22 : memref<!tpu.dma_semaphore, #tpu.memory_space<semaphore_mem>>)
    %dma_wait3A_51 = arith.constant 0 : i32
    %dma_wait3A_52 = arith.constant 0 : i32
    %dma_wait3A_53 = tpu.memref_slice %arg13[%dma_wait3A_51, %dma_wait3A_52] : memref<128x128xf32, #tpu.memory_space<vmem>> -> memref<16x128xf32, #tpu.memory_space<vmem>>
    %dma_wait3A_54 = arith.constant 0 : i32
    %dma_wait3A_55 = arith.constant 0 : i32
    %dma_wait3A_56 = tpu.memref_slice %arg4[%dma_wait3A_54, %dma_wait3A_55] : memref<10000x128xf32, #tpu.memory_space<hbm>> -> memref<10000x128xf32, #tpu.memory_space<hbm>>
    tpu.wait_indirect_dma semaphore(%arg22 : memref<!tpu.dma_semaphore, #tpu.memory_space<semaphore_mem>>) src(%dma_wait3A_56 : memref<10000x128xf32, #tpu.memory_space<hbm>>) dst(%dma_wait3A_53 : memref<16x128xf32, #tpu.memory_space<vmem>>)
    "tpu.region"() ({
      %run_scoped3A = tpu.sem_alloc : memref<!tpu.dma_semaphore, #tpu.memory_space<semaphore_mem>>
      %dma_start3A_63 = arith.constant 0 : i32
      %dma_start3A_64 = arith.constant 0 : i32
      %dma_start3A_65 = tpu.memref_slice %arg13[%dma_start3A_63, %dma_start3A_64] : memref<128x128xf32, #tpu.memory_space<vmem>> -> memref<16x128xf32, #tpu.memory_space<vmem>>
      %dma_start3A_66 = arith.constant 0 : i32
      %dma_start3A_67 = arith.constant 0 : i32
      %dma_start3A_68 = tpu.memref_slice %arg18[%dma_start3A_66, %dma_start3A_67] : memref<10000x128xf32, #tpu.memory_space<vmem_shared>> -> memref<10000x128xf32, #tpu.memory_space<vmem_shared>>
      tpu.enqueue_indirect_dma source(%dma_start3A_65 : memref<16x128xf32, #tpu.memory_space<vmem>>) target(%dma_start3A_68 : memref<10000x128xf32, #tpu.memory_space<vmem_shared>>) offsets(%arg17 : memref<16xi32, #tpu.memory_space<vmem>>) semaphore(%run_scoped3A : memref<!tpu.dma_semaphore, #tpu.memory_space<semaphore_mem>>) {add = true}
      %dma_wait3A_69 = arith.constant 0 : i32
      %dma_wait3A_70 = arith.constant 0 : i32
      %dma_wait3A_71 = tpu.memref_slice %arg13[%dma_wait3A_69, %dma_wait3A_70] : memref<128x128xf32, #tpu.memory_space<vmem>> -> memref<16x128xf32, #tpu.memory_space<vmem>>
      %dma_wait3A_72 = arith.constant 0 : i32
      %dma_wait3A_73 = arith.constant 0 : i32
      %dma_wait3A_74 = tpu.memref_slice %arg18[%dma_wait3A_72, %dma_wait3A_73] : memref<10000x128xf32, #tpu.memory_space<vmem_shared>> -> memref<10000x128xf32, #tpu.memory_space<vmem_shared>>
      tpu.wait_indirect_dma semaphore(%run_scoped3A : memref<!tpu.dma_semaphore, #tpu.memory_space<semaphore_mem>>) src(%dma_wait3A_71 : memref<16x128xf32, #tpu.memory_space<vmem>>) dst(%dma_wait3A_74 : memref<10000x128xf32, #tpu.memory_space<vmem_shared>>)
      tpu.yield
    }) : () -> ()
    %barrier3A_57 = arith.constant 0 : index
    tpu.barrier barrier_id(%barrier3A_57)
    "tpu.region"() ({
      %run_scoped3A = tpu.sem_alloc : memref<!tpu.dma_semaphore, #tpu.memory_space<semaphore_mem>>
      %dma_start3A_63 = arith.constant 0 : i32
      %dma_start3A_64 = tpu.memref_slice %arg6[%arg0, %mul3A_4, %dma_start3A_63] : memref<2x10000x128xf32, #tpu.memory_space<hbm>> -> memref<1x624x128xf32, #tpu.memory_space<hbm>>
      %dma_start3A_65 = tpu.memref_squeeze %dma_start3A_64 : memref<1x624x128xf32, #tpu.memory_space<hbm>> -> memref<624x128xf32, #tpu.memory_space<hbm>>
      %dma_start3A_66 = arith.constant 0 : i32
      %dma_start3A_67 = tpu.memref_slice %arg18[%mul3A_4, %dma_start3A_66] : memref<10000x128xf32, #tpu.memory_space<vmem_shared>> -> memref<624x128xf32, #tpu.memory_space<vmem_shared>>
      tpu.enqueue_dma source(%dma_start3A_67 : memref<624x128xf32, #tpu.memory_space<vmem_shared>>) target(%dma_start3A_65 : memref<624x128xf32, #tpu.memory_space<hbm>>) target_semaphore(%run_scoped3A : memref<!tpu.dma_semaphore, #tpu.memory_space<semaphore_mem>>)
      %dma_wait3A_68 = arith.constant 0 : i32
      %dma_wait3A_69 = tpu.memref_slice %arg6[%arg0, %mul3A_4, %dma_wait3A_68] : memref<2x10000x128xf32, #tpu.memory_space<hbm>> -> memref<1x624x128xf32, #tpu.memory_space<hbm>>
      %dma_wait3A_70 = tpu.memref_squeeze %dma_wait3A_69 : memref<1x624x128xf32, #tpu.memory_space<hbm>> -> memref<624x128xf32, #tpu.memory_space<hbm>>
      %dma_wait3A_71 = arith.constant 0 : i32
      %dma_wait3A_72 = tpu.memref_slice %arg18[%mul3A_4, %dma_wait3A_71] : memref<10000x128xf32, #tpu.memory_space<vmem_shared>> -> memref<624x128xf32, #tpu.memory_space<vmem_shared>>
      tpu.wait_dma2 semaphore(%run_scoped3A : memref<!tpu.dma_semaphore, #tpu.memory_space<semaphore_mem>>) src(%dma_wait3A_72 : memref<624x128xf32, #tpu.memory_space<vmem_shared>>) dst(%dma_wait3A_70 : memref<624x128xf32, #tpu.memory_space<hbm>>)
      tpu.yield
    }) : () -> ()
    %eq3A_58 = arith.constant 15 : i32
    %eq3A_59 = arith.cmpi eq, %arg1, %eq3A_58 : i32
    %convert_element_type3A_60 = arith.extui %eq3A_59 : i1 to i32
    %cond3A_61 = arith.constant 0 : i32
    %cond3A_62 = arith.cmpi ne, %convert_element_type3A_60, %cond3A_61 : i32
    scf.if %cond3A_62 {
      "tpu.region"() ({
        %run_scoped3A = tpu.sem_alloc : memref<!tpu.dma_semaphore, #tpu.memory_space<semaphore_mem>>
        %dma_start3A_63 = arith.constant 9984 : i32
        %dma_start3A_64 = arith.constant 0 : i32
        %dma_start3A_65 = tpu.memref_slice %arg6[%arg0, %dma_start3A_63, %dma_start3A_64] : memref<2x10000x128xf32, #tpu.memory_space<hbm>> -> memref<1x16x128xf32, #tpu.memory_space<hbm>>
        %dma_start3A_66 = tpu.memref_squeeze %dma_start3A_65 : memref<1x16x128xf32, #tpu.memory_space<hbm>> -> memref<16x128xf32, #tpu.memory_space<hbm>>
        %dma_start3A_67 = arith.constant 9984 : i32
        %dma_start3A_68 = arith.constant 0 : i32
        %dma_start3A_69 = tpu.memref_slice %arg18[%dma_start3A_67, %dma_start3A_68] : memref<10000x128xf32, #tpu.memory_space<vmem_shared>> -> memref<16x128xf32, #tpu.memory_space<vmem_shared>>
        tpu.enqueue_dma source(%dma_start3A_69 : memref<16x128xf32, #tpu.memory_space<vmem_shared>>) target(%dma_start3A_66 : memref<16x128xf32, #tpu.memory_space<hbm>>) target_semaphore(%run_scoped3A : memref<!tpu.dma_semaphore, #tpu.memory_space<semaphore_mem>>)
        %dma_wait3A_70 = arith.constant 9984 : i32
        %dma_wait3A_71 = arith.constant 0 : i32
        %dma_wait3A_72 = tpu.memref_slice %arg6[%arg0, %dma_wait3A_70, %dma_wait3A_71] : memref<2x10000x128xf32, #tpu.memory_space<hbm>> -> memref<1x16x128xf32, #tpu.memory_space<hbm>>
        %dma_wait3A_73 = tpu.memref_squeeze %dma_wait3A_72 : memref<1x16x128xf32, #tpu.memory_space<hbm>> -> memref<16x128xf32, #tpu.memory_space<hbm>>
        %dma_wait3A_74 = arith.constant 9984 : i32
        %dma_wait3A_75 = arith.constant 0 : i32
        %dma_wait3A_76 = tpu.memref_slice %arg18[%dma_wait3A_74, %dma_wait3A_75] : memref<10000x128xf32, #tpu.memory_space<vmem_shared>> -> memref<16x128xf32, #tpu.memory_space<vmem_shared>>
        tpu.wait_dma2 semaphore(%run_scoped3A : memref<!tpu.dma_semaphore, #tpu.memory_space<semaphore_mem>>) src(%dma_wait3A_76 : memref<16x128xf32, #tpu.memory_space<vmem_shared>>) dst(%dma_wait3A_73 : memref<16x128xf32, #tpu.memory_space<hbm>>)
        tpu.yield
      }) : () -> ()
    } else {
    }
    return
  }
}

#map = affine_map<(d0, d1) -> (0)>
module attributes {stable_mosaic.version = 14 : i64} {
  func.func @_sc_deg(%arg0: i32, %arg1: i32, %arg2: memref<320000xi32, #tpu.memory_space<hbm>>, %arg3: memref<20000xf32, #tpu.memory_space<hbm>>, %arg4: memref<128xi32, #tpu.memory_space<vmem>>, %arg5: memref<128xi32, #tpu.memory_space<vmem>>, %arg6: memref<128xi32, #tpu.memory_space<vmem>>, %arg7: memref<128xf32, #tpu.memory_space<vmem>>, %arg8: memref<16xi32, #tpu.memory_space<vmem>>, %arg9: memref<16xf32, #tpu.memory_space<vmem>>, %arg10: memref<624xf32, #tpu.memory_space<vmem>>, %arg11: memref<10000xf32, #tpu.memory_space<vmem_shared>>, %arg12: memref<!tpu.dma_semaphore, #tpu.memory_space<semaphore_mem>>, %arg13: memref<!tpu.dma_semaphore, #tpu.memory_space<semaphore_mem>>, %arg14: memref<!tpu.dma_semaphore, #tpu.memory_space<semaphore_mem>>) attributes {dimension_semantics = [#tpu.dimension_semantics<core_parallel>, #tpu.dimension_semantics<subcore_parallel>], iteration_bounds = array<i64: 2, 16>, scalar_prefetch = 0 : i64, scratch_operands = 11 : i64, tpu.core_type = #tpu.core_type<sc_vector_subcore>, window_params = [{transform_indices = #map}, {transform_indices = #map}]} {
    %mul3A = arith.constant 2 : i32
    %mul3A_0 = arith.muli %arg1, %mul3A : i32
    %add3A = arith.addi %mul3A_0, %arg0 : i32
    %mul3A_1 = arith.constant 10000 : i32
    %mul3A_2 = arith.muli %add3A, %mul3A_1 : i32
    %multiple_of3A = tpu.assume_multiple %mul3A_2, 8 : i32
    %mul3A_3 = arith.constant 624 : i32
    %mul3A_4 = arith.muli %arg1, %mul3A_3 : i32
    %broadcast_in_dim3A = arith.constant 1.000000e+00 : f32
    %broadcast_in_dim3A_5 = vector.broadcast %broadcast_in_dim3A : f32 to vector<16xf32>
    %swap3A = arith.constant 0 : index
    %swap3A_6 = tpu.vector_load %arg7[%swap3A] {strides = array<i32>} : memref<128xf32, #tpu.memory_space<vmem>>, vector<16xf32>,
    %swap3A_7 = vector.shape_cast %swap3A_6 : vector<16xf32> to vector<16xf32>
    %swap3A_8 = vector.shape_cast %broadcast_in_dim3A_5 : vector<16xf32> to vector<16xf32>
    tpu.vector_store %arg7[%swap3A], %swap3A_8 {strides = array<i32>} : memref<128xf32, #tpu.memory_space<vmem>>, vector<16xf32>,
    %broadcast_in_dim3A_9 = arith.constant 1.000000e+00 : f32
    %broadcast_in_dim3A_10 = vector.broadcast %broadcast_in_dim3A_9 : f32 to vector<16xf32>
    %swap3A_11 = arith.constant 16 : index
    %swap3A_12 = tpu.vector_load %arg7[%swap3A_11] {strides = array<i32>} : memref<128xf32, #tpu.memory_space<vmem>>, vector<16xf32>,
    %swap3A_13 = vector.shape_cast %swap3A_12 : vector<16xf32> to vector<16xf32>
    %swap3A_14 = vector.shape_cast %broadcast_in_dim3A_10 : vector<16xf32> to vector<16xf32>
    tpu.vector_store %arg7[%swap3A_11], %swap3A_14 {strides = array<i32>} : memref<128xf32, #tpu.memory_space<vmem>>, vector<16xf32>,
    %broadcast_in_dim3A_15 = arith.constant 1.000000e+00 : f32
    %broadcast_in_dim3A_16 = vector.broadcast %broadcast_in_dim3A_15 : f32 to vector<16xf32>
    %swap3A_17 = arith.constant 32 : index
    %swap3A_18 = tpu.vector_load %arg7[%swap3A_17] {strides = array<i32>} : memref<128xf32, #tpu.memory_space<vmem>>, vector<16xf32>,
    %swap3A_19 = vector.shape_cast %swap3A_18 : vector<16xf32> to vector<16xf32>
    %swap3A_20 = vector.shape_cast %broadcast_in_dim3A_16 : vector<16xf32> to vector<16xf32>
    tpu.vector_store %arg7[%swap3A_17], %swap3A_20 {strides = array<i32>} : memref<128xf32, #tpu.memory_space<vmem>>, vector<16xf32>,
    %broadcast_in_dim3A_21 = arith.constant 1.000000e+00 : f32
    %broadcast_in_dim3A_22 = vector.broadcast %broadcast_in_dim3A_21 : f32 to vector<16xf32>
    %swap3A_23 = arith.constant 48 : index
    %swap3A_24 = tpu.vector_load %arg7[%swap3A_23] {strides = array<i32>} : memref<128xf32, #tpu.memory_space<vmem>>, vector<16xf32>,
    %swap3A_25 = vector.shape_cast %swap3A_24 : vector<16xf32> to vector<16xf32>
    %swap3A_26 = vector.shape_cast %broadcast_in_dim3A_22 : vector<16xf32> to vector<16xf32>
    tpu.vector_store %arg7[%swap3A_23], %swap3A_26 {strides = array<i32>} : memref<128xf32, #tpu.memory_space<vmem>>, vector<16xf32>,
    %broadcast_in_dim3A_27 = arith.constant 1.000000e+00 : f32
    %broadcast_in_dim3A_28 = vector.broadcast %broadcast_in_dim3A_27 : f32 to vector<16xf32>
    %swap3A_29 = arith.constant 64 : index
    %swap3A_30 = tpu.vector_load %arg7[%swap3A_29] {strides = array<i32>} : memref<128xf32, #tpu.memory_space<vmem>>, vector<16xf32>,
    %swap3A_31 = vector.shape_cast %swap3A_30 : vector<16xf32> to vector<16xf32>
    %swap3A_32 = vector.shape_cast %broadcast_in_dim3A_28 : vector<16xf32> to vector<16xf32>
    tpu.vector_store %arg7[%swap3A_29], %swap3A_32 {strides = array<i32>} : memref<128xf32, #tpu.memory_space<vmem>>, vector<16xf32>,
    %broadcast_in_dim3A_33 = arith.constant 1.000000e+00 : f32
    %broadcast_in_dim3A_34 = vector.broadcast %broadcast_in_dim3A_33 : f32 to vector<16xf32>
    %swap3A_35 = arith.constant 80 : index
    %swap3A_36 = tpu.vector_load %arg7[%swap3A_35] {strides = array<i32>} : memref<128xf32, #tpu.memory_space<vmem>>, vector<16xf32>,
    %swap3A_37 = vector.shape_cast %swap3A_36 : vector<16xf32> to vector<16xf32>
    %swap3A_38 = vector.shape_cast %broadcast_in_dim3A_34 : vector<16xf32> to vector<16xf32>
    tpu.vector_store %arg7[%swap3A_35], %swap3A_38 {strides = array<i32>} : memref<128xf32, #tpu.memory_space<vmem>>, vector<16xf32>,
    %broadcast_in_dim3A_39 = arith.constant 1.000000e+00 : f32
    %broadcast_in_dim3A_40 = vector.broadcast %broadcast_in_dim3A_39 : f32 to vector<16xf32>
    %swap3A_41 = arith.constant 96 : index
    %swap3A_42 = tpu.vector_load %arg7[%swap3A_41] {strides = array<i32>} : memref<128xf32, #tpu.memory_space<vmem>>, vector<16xf32>,
    %swap3A_43 = vector.shape_cast %swap3A_42 : vector<16xf32> to vector<16xf32>
    %swap3A_44 = vector.shape_cast %broadcast_in_dim3A_40 : vector<16xf32> to vector<16xf32>
    tpu.vector_store %arg7[%swap3A_41], %swap3A_44 {strides = array<i32>} : memref<128xf32, #tpu.memory_space<vmem>>, vector<16xf32>,
    %broadcast_in_dim3A_45 = arith.constant 1.000000e+00 : f32
    %broadcast_in_dim3A_46 = vector.broadcast %broadcast_in_dim3A_45 : f32 to vector<16xf32>
    %swap3A_47 = arith.constant 112 : index
    %swap3A_48 = tpu.vector_load %arg7[%swap3A_47] {strides = array<i32>} : memref<128xf32, #tpu.memory_space<vmem>>, vector<16xf32>,
    %swap3A_49 = vector.shape_cast %swap3A_48 : vector<16xf32> to vector<16xf32>
    %swap3A_50 = vector.shape_cast %broadcast_in_dim3A_46 : vector<16xf32> to vector<16xf32>
    tpu.vector_store %arg7[%swap3A_47], %swap3A_50 {strides = array<i32>} : memref<128xf32, #tpu.memory_space<vmem>>, vector<16xf32>,
    %broadcast_in_dim3A_51 = arith.constant 1.000000e+00 : f32
    %broadcast_in_dim3A_52 = vector.broadcast %broadcast_in_dim3A_51 : f32 to vector<16xf32>
    %swap3A_53 = arith.constant 0 : index
    %swap3A_54 = tpu.vector_load %arg9[%swap3A_53] {strides = array<i32>} : memref<16xf32, #tpu.memory_space<vmem>>, vector<16xf32>,
    %swap3A_55 = vector.shape_cast %swap3A_54 : vector<16xf32> to vector<16xf32>
    %swap3A_56 = vector.shape_cast %broadcast_in_dim3A_52 : vector<16xf32> to vector<16xf32>
    tpu.vector_store %arg9[%swap3A_53], %swap3A_56 {strides = array<i32>} : memref<16xf32, #tpu.memory_space<vmem>>, vector<16xf32>,
    %scan3A = arith.constant 0 : i32
    %scan3A_57 = arith.constant 0 : i32
    %scan3A_58 = arith.constant 39 : i32
    %scan3A_59 = arith.addi %scan3A_57, %scan3A_58 : i32
    %scan3A_60 = arith.constant 1 : i32
    scf.for %scan3A_97 = %scan3A_57 to %scan3A_59 step %scan3A_60  : i32 {
      %broadcast_in_dim3A_98 = arith.constant 0.000000e+00 : f32
      %broadcast_in_dim3A_99 = vector.broadcast %broadcast_in_dim3A_98 : f32 to vector<16xf32>
      %mul3A_100 = arith.constant 16 : i32
      %mul3A_101 = arith.muli %scan3A_97, %mul3A_100 : i32
      %swap3A_102 = arith.index_cast %mul3A_101 : i32 to index
      %swap3A_103 = tpu.vector_load %arg10[%swap3A_102] {strides = array<i32>} : memref<624xf32, #tpu.memory_space<vmem>>, vector<16xf32>,
      %swap3A_104 = vector.shape_cast %swap3A_103 : vector<16xf32> to vector<16xf32>
      %swap3A_105 = vector.shape_cast %broadcast_in_dim3A_99 : vector<16xf32> to vector<16xf32>
      tpu.vector_store %arg10[%swap3A_102], %swap3A_105 {strides = array<i32>} : memref<624xf32, #tpu.memory_space<vmem>>, vector<16xf32>,
    }
    %scan3A_61 = arith.constant 39 : i32
    "tpu.region"() ({
      %run_scoped3A = tpu.sem_alloc : memref<!tpu.dma_semaphore, #tpu.memory_space<semaphore_mem>>
      %dma_start3A_97 = tpu.memref_slice %arg11[%mul3A_4] : memref<10000xf32, #tpu.memory_space<vmem_shared>> -> memref<624xf32, #tpu.memory_space<vmem_shared>>
      %dma_start3A_98 = tpu.memref_slice %arg11[%mul3A_4] : memref<10000xf32, #tpu.memory_space<vmem_shared>> -> memref<624xf32, #tpu.memory_space<vmem_shared>>
      tpu.enqueue_dma source(%arg10 : memref<624xf32, #tpu.memory_space<vmem>>) target(%dma_start3A_98 : memref<624xf32, #tpu.memory_space<vmem_shared>>) target_semaphore(%run_scoped3A : memref<!tpu.dma_semaphore, #tpu.memory_space<semaphore_mem>>)
      %dma_wait3A = tpu.memref_slice %arg11[%mul3A_4] : memref<10000xf32, #tpu.memory_space<vmem_shared>> -> memref<624xf32, #tpu.memory_space<vmem_shared>>
      %dma_wait3A_99 = tpu.memref_slice %arg11[%mul3A_4] : memref<10000xf32, #tpu.memory_space<vmem_shared>> -> memref<624xf32, #tpu.memory_space<vmem_shared>>
      tpu.wait_dma2 semaphore(%run_scoped3A : memref<!tpu.dma_semaphore, #tpu.memory_space<semaphore_mem>>) src(%arg10 : memref<624xf32, #tpu.memory_space<vmem>>) dst(%dma_wait3A_99 : memref<624xf32, #tpu.memory_space<vmem_shared>>)
      tpu.yield
    }) : () -> ()
    %eq3A = arith.constant 15 : i32
    %eq3A_62 = arith.cmpi eq, %arg1, %eq3A : i32
    %convert_element_type3A = arith.extui %eq3A_62 : i1 to i32
    %cond3A = arith.constant 0 : i32
    %cond3A_63 = arith.cmpi ne, %convert_element_type3A, %cond3A : i32
    scf.if %cond3A_63 {
      "tpu.region"() ({
        %run_scoped3A = tpu.sem_alloc : memref<!tpu.dma_semaphore, #tpu.memory_space<semaphore_mem>>
        %dma_start3A_97 = arith.constant 0 : i32
        %dma_start3A_98 = tpu.memref_slice %arg10[%dma_start3A_97] : memref<624xf32, #tpu.memory_space<vmem>> -> memref<16xf32, #tpu.memory_space<vmem>>
        %dma_start3A_99 = arith.constant 9984 : i32
        %dma_start3A_100 = tpu.memref_slice %arg11[%dma_start3A_99] : memref<10000xf32, #tpu.memory_space<vmem_shared>> -> memref<16xf32, #tpu.memory_space<vmem_shared>>
        %dma_start3A_101 = arith.constant 9984 : i32
        %dma_start3A_102 = tpu.memref_slice %arg11[%dma_start3A_101] : memref<10000xf32, #tpu.memory_space<vmem_shared>> -> memref<16xf32, #tpu.memory_space<vmem_shared>>
        %dma_start3A_103 = arith.constant 0 : i32
        %dma_start3A_104 = tpu.memref_slice %arg10[%dma_start3A_103] : memref<624xf32, #tpu.memory_space<vmem>> -> memref<16xf32, #tpu.memory_space<vmem>>
        tpu.enqueue_dma source(%dma_start3A_104 : memref<16xf32, #tpu.memory_space<vmem>>) target(%dma_start3A_102 : memref<16xf32, #tpu.memory_space<vmem_shared>>) target_semaphore(%run_scoped3A : memref<!tpu.dma_semaphore, #tpu.memory_space<semaphore_mem>>)
        %dma_wait3A = arith.constant 0 : i32
        %dma_wait3A_105 = tpu.memref_slice %arg10[%dma_wait3A] : memref<624xf32, #tpu.memory_space<vmem>> -> memref<16xf32, #tpu.memory_space<vmem>>
        %dma_wait3A_106 = arith.constant 9984 : i32
        %dma_wait3A_107 = tpu.memref_slice %arg11[%dma_wait3A_106] : memref<10000xf32, #tpu.memory_space<vmem_shared>> -> memref<16xf32, #tpu.memory_space<vmem_shared>>
        %dma_wait3A_108 = arith.constant 9984 : i32
        %dma_wait3A_109 = tpu.memref_slice %arg11[%dma_wait3A_108] : memref<10000xf32, #tpu.memory_space<vmem_shared>> -> memref<16xf32, #tpu.memory_space<vmem_shared>>
        %dma_wait3A_110 = arith.constant 0 : i32
        %dma_wait3A_111 = tpu.memref_slice %arg10[%dma_wait3A_110] : memref<624xf32, #tpu.memory_space<vmem>> -> memref<16xf32, #tpu.memory_space<vmem>>
        tpu.wait_dma2 semaphore(%run_scoped3A : memref<!tpu.dma_semaphore, #tpu.memory_space<semaphore_mem>>) src(%dma_wait3A_111 : memref<16xf32, #tpu.memory_space<vmem>>) dst(%dma_wait3A_109 : memref<16xf32, #tpu.memory_space<vmem_shared>>)
        tpu.yield
      }) : () -> ()
    } else {
    }
    %barrier3A = arith.constant 0 : index
    tpu.barrier barrier_id(%barrier3A)
    %add3A_64 = arith.constant 0 : i32
    %add3A_65 = arith.addi %multiple_of3A, %add3A_64 : i32
    %multiple_of3A_66 = tpu.assume_multiple %add3A_65, 8 : i32
    %dma_start3A = tpu.memref_slice %arg2[%multiple_of3A_66] : memref<320000xi32, #tpu.memory_space<hbm>> -> memref<128xi32, #tpu.memory_space<hbm>>
    %dma_start3A_67 = tpu.memref_slice %arg2[%multiple_of3A_66] : memref<320000xi32, #tpu.memory_space<hbm>> -> memref<128xi32, #tpu.memory_space<hbm>>
    tpu.enqueue_dma source(%dma_start3A_67 : memref<128xi32, #tpu.memory_space<hbm>>) target(%arg4 : memref<128xi32, #tpu.memory_space<vmem>>) target_semaphore(%arg12 : memref<!tpu.dma_semaphore, #tpu.memory_space<semaphore_mem>>)
    %add3A_68 = arith.constant 128 : i32
    %add3A_69 = arith.addi %multiple_of3A, %add3A_68 : i32
    %multiple_of3A_70 = tpu.assume_multiple %add3A_69, 8 : i32
    %dma_start3A_71 = tpu.memref_slice %arg2[%multiple_of3A_70] : memref<320000xi32, #tpu.memory_space<hbm>> -> memref<128xi32, #tpu.memory_space<hbm>>
    %dma_start3A_72 = tpu.memref_slice %arg2[%multiple_of3A_70] : memref<320000xi32, #tpu.memory_space<hbm>> -> memref<128xi32, #tpu.memory_space<hbm>>
    tpu.enqueue_dma source(%dma_start3A_72 : memref<128xi32, #tpu.memory_space<hbm>>) target(%arg5 : memref<128xi32, #tpu.memory_space<vmem>>) target_semaphore(%arg13 : memref<!tpu.dma_semaphore, #tpu.memory_space<semaphore_mem>>)
    %add3A_73 = arith.constant 256 : i32
    %add3A_74 = arith.addi %multiple_of3A, %add3A_73 : i32
    %multiple_of3A_75 = tpu.assume_multiple %add3A_74, 8 : i32
    %dma_start3A_76 = tpu.memref_slice %arg2[%multiple_of3A_75] : memref<320000xi32, #tpu.memory_space<hbm>> -> memref<128xi32, #tpu.memory_space<hbm>>
    %dma_start3A_77 = tpu.memref_slice %arg2[%multiple_of3A_75] : memref<320000xi32, #tpu.memory_space<hbm>> -> memref<128xi32, #tpu.memory_space<hbm>>
    tpu.enqueue_dma source(%dma_start3A_77 : memref<128xi32, #tpu.memory_space<hbm>>) target(%arg6 : memref<128xi32, #tpu.memory_space<vmem>>) target_semaphore(%arg14 : memref<!tpu.dma_semaphore, #tpu.memory_space<semaphore_mem>>)
    %scan3A_78 = arith.constant 0 : i32
    %scan3A_79 = arith.constant 0 : i32
    %scan3A_80 = arith.constant 26 : i32
    %scan3A_81 = arith.addi %scan3A_79, %scan3A_80 : i32
    %scan3A_82 = arith.constant 1 : i32
    scf.for %scan3A_97 = %scan3A_79 to %scan3A_81 step %scan3A_82  : i32 {
      %mul3A_98 = arith.constant 3 : i32
      %mul3A_99 = arith.muli %scan3A_97, %mul3A_98 : i32
      %dma_wait3A = arith.constant 0 : i32
      %dma_wait3A_100 = tpu.memref_slice %arg2[%dma_wait3A] : memref<320000xi32, #tpu.memory_space<hbm>> -> memref<128xi32, #tpu.memory_space<hbm>>
      %dma_wait3A_101 = arith.constant 0 : i32
      %dma_wait3A_102 = tpu.memref_slice %arg2[%dma_wait3A_101] : memref<320000xi32, #tpu.memory_space<hbm>> -> memref<128xi32, #tpu.memory_space<hbm>>
      tpu.wait_dma2 semaphore(%arg12 : memref<!tpu.dma_semaphore, #tpu.memory_space<semaphore_mem>>) src(%dma_wait3A_102 : memref<128xi32, #tpu.memory_space<hbm>>) dst(%arg4 : memref<128xi32, #tpu.memory_space<vmem>>)
      "tpu.region"() ({
        %run_scoped3A = tpu.sem_alloc : memref<!tpu.dma_semaphore, #tpu.memory_space<semaphore_mem>>
        %dma_start3A_137 = arith.constant 0 : i32
        %dma_start3A_138 = tpu.memref_slice %arg11[%dma_start3A_137] : memref<10000xf32, #tpu.memory_space<vmem_shared>> -> memref<10000xf32, #tpu.memory_space<vmem_shared>>
        tpu.enqueue_indirect_dma source(%arg7 : memref<128xf32, #tpu.memory_space<vmem>>) target(%dma_start3A_138 : memref<10000xf32, #tpu.memory_space<vmem_shared>>) offsets(%arg4 : memref<128xi32, #tpu.memory_space<vmem>>) semaphore(%run_scoped3A : memref<!tpu.dma_semaphore, #tpu.memory_space<semaphore_mem>>) {add = true}
        %dma_wait3A_139 = arith.constant 0 : i32
        %dma_wait3A_140 = tpu.memref_slice %arg11[%dma_wait3A_139] : memref<10000xf32, #tpu.memory_space<vmem_shared>> -> memref<10000xf32, #tpu.memory_space<vmem_shared>>
        tpu.wait_indirect_dma semaphore(%run_scoped3A : memref<!tpu.dma_semaphore, #tpu.memory_space<semaphore_mem>>) src(%arg7 : memref<128xf32, #tpu.memory_space<vmem>>) dst(%dma_wait3A_140 : memref<10000xf32, #tpu.memory_space<vmem_shared>>)
        tpu.yield
      }) : () -> ()
      %add3A_103 = arith.constant 0 : i32
      %add3A_104 = arith.addi %mul3A_99, %add3A_103 : i32
      %add3A_105 = arith.constant 3 : i32
      %add3A_106 = arith.addi %add3A_104, %add3A_105 : i32
      %lt3A = arith.constant 78 : i32
      %lt3A_107 = arith.cmpi slt, %add3A_106, %lt3A : i32
      %convert_element_type3A_108 = arith.extui %lt3A_107 : i1 to i32
      %cond3A_109 = arith.constant 0 : i32
      %cond3A_110 = arith.cmpi ne, %convert_element_type3A_108, %cond3A_109 : i32
      scf.if %cond3A_110 {
        %add3A_137 = arith.constant 0 : i32
        %add3A_138 = arith.addi %mul3A_99, %add3A_137 : i32
        %add3A_139 = arith.constant 3 : i32
        %add3A_140 = arith.addi %add3A_138, %add3A_139 : i32
        %mul3A_141 = arith.constant 128 : i32
        %mul3A_142 = arith.muli %add3A_140, %mul3A_141 : i32
        %add3A_143 = arith.addi %multiple_of3A, %mul3A_142 : i32
        %multiple_of3A_144 = tpu.assume_multiple %add3A_143, 8 : i32
        %dma_start3A_145 = tpu.memref_slice %arg2[%multiple_of3A_144] : memref<320000xi32, #tpu.memory_space<hbm>> -> memref<128xi32, #tpu.memory_space<hbm>>
        %dma_start3A_146 = tpu.memref_slice %arg2[%multiple_of3A_144] : memref<320000xi32, #tpu.memory_space<hbm>> -> memref<128xi32, #tpu.memory_space<hbm>>
        tpu.enqueue_dma source(%dma_start3A_146 : memref<128xi32, #tpu.memory_space<hbm>>) target(%arg4 : memref<128xi32, #tpu.memory_space<vmem>>) target_semaphore(%arg12 : memref<!tpu.dma_semaphore, #tpu.memory_space<semaphore_mem>>)
      } else {
      }
      %dma_wait3A_111 = arith.constant 0 : i32
      %dma_wait3A_112 = tpu.memref_slice %arg2[%dma_wait3A_111] : memref<320000xi32, #tpu.memory_space<hbm>> -> memref<128xi32, #tpu.memory_space<hbm>>
      %dma_wait3A_113 = arith.constant 0 : i32
      %dma_wait3A_114 = tpu.memref_slice %arg2[%dma_wait3A_113] : memref<320000xi32, #tpu.memory_space<hbm>> -> memref<128xi32, #tpu.memory_space<hbm>>
      tpu.wait_dma2 semaphore(%arg13 : memref<!tpu.dma_semaphore, #tpu.memory_space<semaphore_mem>>) src(%dma_wait3A_114 : memref<128xi32, #tpu.memory_space<hbm>>) dst(%arg5 : memref<128xi32, #tpu.memory_space<vmem>>)
      "tpu.region"() ({
        %run_scoped3A = tpu.sem_alloc : memref<!tpu.dma_semaphore, #tpu.memory_space<semaphore_mem>>
        %dma_start3A_137 = arith.constant 0 : i32
        %dma_start3A_138 = tpu.memref_slice %arg11[%dma_start3A_137] : memref<10000xf32, #tpu.memory_space<vmem_shared>> -> memref<10000xf32, #tpu.memory_space<vmem_shared>>
        tpu.enqueue_indirect_dma source(%arg7 : memref<128xf32, #tpu.memory_space<vmem>>) target(%dma_start3A_138 : memref<10000xf32, #tpu.memory_space<vmem_shared>>) offsets(%arg5 : memref<128xi32, #tpu.memory_space<vmem>>) semaphore(%run_scoped3A : memref<!tpu.dma_semaphore, #tpu.memory_space<semaphore_mem>>) {add = true}
        %dma_wait3A_139 = arith.constant 0 : i32
        %dma_wait3A_140 = tpu.memref_slice %arg11[%dma_wait3A_139] : memref<10000xf32, #tpu.memory_space<vmem_shared>> -> memref<10000xf32, #tpu.memory_space<vmem_shared>>
        tpu.wait_indirect_dma semaphore(%run_scoped3A : memref<!tpu.dma_semaphore, #tpu.memory_space<semaphore_mem>>) src(%arg7 : memref<128xf32, #tpu.memory_space<vmem>>) dst(%dma_wait3A_140 : memref<10000xf32, #tpu.memory_space<vmem_shared>>)
        tpu.yield
      }) : () -> ()
      %add3A_115 = arith.constant 1 : i32
      %add3A_116 = arith.addi %mul3A_99, %add3A_115 : i32
      %add3A_117 = arith.constant 3 : i32
      %add3A_118 = arith.addi %add3A_116, %add3A_117 : i32
      %lt3A_119 = arith.constant 78 : i32
      %lt3A_120 = arith.cmpi slt, %add3A_118, %lt3A_119 : i32
      %convert_element_type3A_121 = arith.extui %lt3A_120 : i1 to i32
      %cond3A_122 = arith.constant 0 : i32
      %cond3A_123 = arith.cmpi ne, %convert_element_type3A_121, %cond3A_122 : i32
      scf.if %cond3A_123 {
        %add3A_137 = arith.constant 1 : i32
        %add3A_138 = arith.addi %mul3A_99, %add3A_137 : i32
        %add3A_139 = arith.constant 3 : i32
        %add3A_140 = arith.addi %add3A_138, %add3A_139 : i32
        %mul3A_141 = arith.constant 128 : i32
        %mul3A_142 = arith.muli %add3A_140, %mul3A_141 : i32
        %add3A_143 = arith.addi %multiple_of3A, %mul3A_142 : i32
        %multiple_of3A_144 = tpu.assume_multiple %add3A_143, 8 : i32
        %dma_start3A_145 = tpu.memref_slice %arg2[%multiple_of3A_144] : memref<320000xi32, #tpu.memory_space<hbm>> -> memref<128xi32, #tpu.memory_space<hbm>>
        %dma_start3A_146 = tpu.memref_slice %arg2[%multiple_of3A_144] : memref<320000xi32, #tpu.memory_space<hbm>> -> memref<128xi32, #tpu.memory_space<hbm>>
        tpu.enqueue_dma source(%dma_start3A_146 : memref<128xi32, #tpu.memory_space<hbm>>) target(%arg5 : memref<128xi32, #tpu.memory_space<vmem>>) target_semaphore(%arg13 : memref<!tpu.dma_semaphore, #tpu.memory_space<semaphore_mem>>)
      } else {
      }
      %dma_wait3A_124 = arith.constant 0 : i32
      %dma_wait3A_125 = tpu.memref_slice %arg2[%dma_wait3A_124] : memref<320000xi32, #tpu.memory_space<hbm>> -> memref<128xi32, #tpu.memory_space<hbm>>
      %dma_wait3A_126 = arith.constant 0 : i32
      %dma_wait3A_127 = tpu.memref_slice %arg2[%dma_wait3A_126] : memref<320000xi32, #tpu.memory_space<hbm>> -> memref<128xi32, #tpu.memory_space<hbm>>
      tpu.wait_dma2 semaphore(%arg14 : memref<!tpu.dma_semaphore, #tpu.memory_space<semaphore_mem>>) src(%dma_wait3A_127 : memref<128xi32, #tpu.memory_space<hbm>>) dst(%arg6 : memref<128xi32, #tpu.memory_space<vmem>>)
      "tpu.region"() ({
        %run_scoped3A = tpu.sem_alloc : memref<!tpu.dma_semaphore, #tpu.memory_space<semaphore_mem>>
        %dma_start3A_137 = arith.constant 0 : i32
        %dma_start3A_138 = tpu.memref_slice %arg11[%dma_start3A_137] : memref<10000xf32, #tpu.memory_space<vmem_shared>> -> memref<10000xf32, #tpu.memory_space<vmem_shared>>
        tpu.enqueue_indirect_dma source(%arg7 : memref<128xf32, #tpu.memory_space<vmem>>) target(%dma_start3A_138 : memref<10000xf32, #tpu.memory_space<vmem_shared>>) offsets(%arg6 : memref<128xi32, #tpu.memory_space<vmem>>) semaphore(%run_scoped3A : memref<!tpu.dma_semaphore, #tpu.memory_space<semaphore_mem>>) {add = true}
        %dma_wait3A_139 = arith.constant 0 : i32
        %dma_wait3A_140 = tpu.memref_slice %arg11[%dma_wait3A_139] : memref<10000xf32, #tpu.memory_space<vmem_shared>> -> memref<10000xf32, #tpu.memory_space<vmem_shared>>
        tpu.wait_indirect_dma semaphore(%run_scoped3A : memref<!tpu.dma_semaphore, #tpu.memory_space<semaphore_mem>>) src(%arg7 : memref<128xf32, #tpu.memory_space<vmem>>) dst(%dma_wait3A_140 : memref<10000xf32, #tpu.memory_space<vmem_shared>>)
        tpu.yield
      }) : () -> ()
      %add3A_128 = arith.constant 2 : i32
      %add3A_129 = arith.addi %mul3A_99, %add3A_128 : i32
      %add3A_130 = arith.constant 3 : i32
      %add3A_131 = arith.addi %add3A_129, %add3A_130 : i32
      %lt3A_132 = arith.constant 78 : i32
      %lt3A_133 = arith.cmpi slt, %add3A_131, %lt3A_132 : i32
      %convert_element_type3A_134 = arith.extui %lt3A_133 : i1 to i32
      %cond3A_135 = arith.constant 0 : i32
      %cond3A_136 = arith.cmpi ne, %convert_element_type3A_134, %cond3A_135 : i32
      scf.if %cond3A_136 {
        %add3A_137 = arith.constant 2 : i32
        %add3A_138 = arith.addi %mul3A_99, %add3A_137 : i32
        %add3A_139 = arith.constant 3 : i32
        %add3A_140 = arith.addi %add3A_138, %add3A_139 : i32
        %mul3A_141 = arith.constant 128 : i32
        %mul3A_142 = arith.muli %add3A_140, %mul3A_141 : i32
        %add3A_143 = arith.addi %multiple_of3A, %mul3A_142 : i32
        %multiple_of3A_144 = tpu.assume_multiple %add3A_143, 8 : i32
        %dma_start3A_145 = tpu.memref_slice %arg2[%multiple_of3A_144] : memref<320000xi32, #tpu.memory_space<hbm>> -> memref<128xi32, #tpu.memory_space<hbm>>
        %dma_start3A_146 = tpu.memref_slice %arg2[%multiple_of3A_144] : memref<320000xi32, #tpu.memory_space<hbm>> -> memref<128xi32, #tpu.memory_space<hbm>>
        tpu.enqueue_dma source(%dma_start3A_146 : memref<128xi32, #tpu.memory_space<hbm>>) target(%arg6 : memref<128xi32, #tpu.memory_space<vmem>>) target_semaphore(%arg14 : memref<!tpu.dma_semaphore, #tpu.memory_space<semaphore_mem>>)
      } else {
      }
    }
    %scan3A_83 = arith.constant 26 : i32
    %add3A_84 = arith.constant 9984 : i32
    %add3A_85 = arith.addi %multiple_of3A, %add3A_84 : i32
    %multiple_of3A_86 = tpu.assume_multiple %add3A_85, 8 : i32
    "tpu.region"() ({
      %run_scoped3A = tpu.sem_alloc : memref<!tpu.dma_semaphore, #tpu.memory_space<semaphore_mem>>
      %dma_start3A_97 = tpu.memref_slice %arg2[%multiple_of3A_86] : memref<320000xi32, #tpu.memory_space<hbm>> -> memref<16xi32, #tpu.memory_space<hbm>>
      %dma_start3A_98 = tpu.memref_slice %arg2[%multiple_of3A_86] : memref<320000xi32, #tpu.memory_space<hbm>> -> memref<16xi32, #tpu.memory_space<hbm>>
      tpu.enqueue_dma source(%dma_start3A_98 : memref<16xi32, #tpu.memory_space<hbm>>) target(%arg8 : memref<16xi32, #tpu.memory_space<vmem>>) target_semaphore(%run_scoped3A : memref<!tpu.dma_semaphore, #tpu.memory_space<semaphore_mem>>)
      %dma_wait3A = tpu.memref_slice %arg2[%multiple_of3A_86] : memref<320000xi32, #tpu.memory_space<hbm>> -> memref<16xi32, #tpu.memory_space<hbm>>
      %dma_wait3A_99 = tpu.memref_slice %arg2[%multiple_of3A_86] : memref<320000xi32, #tpu.memory_space<hbm>> -> memref<16xi32, #tpu.memory_space<hbm>>
      tpu.wait_dma2 semaphore(%run_scoped3A : memref<!tpu.dma_semaphore, #tpu.memory_space<semaphore_mem>>) src(%dma_wait3A_99 : memref<16xi32, #tpu.memory_space<hbm>>) dst(%arg8 : memref<16xi32, #tpu.memory_space<vmem>>)
      tpu.yield
    }) : () -> ()
    "tpu.region"() ({
      %run_scoped3A = tpu.sem_alloc : memref<!tpu.dma_semaphore, #tpu.memory_space<semaphore_mem>>
      %dma_start3A_97 = arith.constant 0 : i32
      %dma_start3A_98 = tpu.memref_slice %arg11[%dma_start3A_97] : memref<10000xf32, #tpu.memory_space<vmem_shared>> -> memref<10000xf32, #tpu.memory_space<vmem_shared>>
      tpu.enqueue_indirect_dma source(%arg9 : memref<16xf32, #tpu.memory_space<vmem>>) target(%dma_start3A_98 : memref<10000xf32, #tpu.memory_space<vmem_shared>>) offsets(%arg8 : memref<16xi32, #tpu.memory_space<vmem>>) semaphore(%run_scoped3A : memref<!tpu.dma_semaphore, #tpu.memory_space<semaphore_mem>>) {add = true}
      %dma_wait3A = arith.constant 0 : i32
      %dma_wait3A_99 = tpu.memref_slice %arg11[%dma_wait3A] : memref<10000xf32, #tpu.memory_space<vmem_shared>> -> memref<10000xf32, #tpu.memory_space<vmem_shared>>
      tpu.wait_indirect_dma semaphore(%run_scoped3A : memref<!tpu.dma_semaphore, #tpu.memory_space<semaphore_mem>>) src(%arg9 : memref<16xf32, #tpu.memory_space<vmem>>) dst(%dma_wait3A_99 : memref<10000xf32, #tpu.memory_space<vmem_shared>>)
      tpu.yield
    }) : () -> ()
    %barrier3A_87 = arith.constant 0 : index
    tpu.barrier barrier_id(%barrier3A_87)
    "tpu.region"() ({
      %run_scoped3A = tpu.sem_alloc : memref<!tpu.dma_semaphore, #tpu.memory_space<semaphore_mem>>
      %dma_start3A_97 = tpu.memref_slice %arg11[%mul3A_4] : memref<10000xf32, #tpu.memory_space<vmem_shared>> -> memref<624xf32, #tpu.memory_space<vmem_shared>>
      %dma_start3A_98 = tpu.memref_slice %arg11[%mul3A_4] : memref<10000xf32, #tpu.memory_space<vmem_shared>> -> memref<624xf32, #tpu.memory_space<vmem_shared>>
      tpu.enqueue_dma source(%dma_start3A_98 : memref<624xf32, #tpu.memory_space<vmem_shared>>) target(%arg10 : memref<624xf32, #tpu.memory_space<vmem>>) target_semaphore(%run_scoped3A : memref<!tpu.dma_semaphore, #tpu.memory_space<semaphore_mem>>)
      %dma_wait3A = tpu.memref_slice %arg11[%mul3A_4] : memref<10000xf32, #tpu.memory_space<vmem_shared>> -> memref<624xf32, #tpu.memory_space<vmem_shared>>
      %dma_wait3A_99 = tpu.memref_slice %arg11[%mul3A_4] : memref<10000xf32, #tpu.memory_space<vmem_shared>> -> memref<624xf32, #tpu.memory_space<vmem_shared>>
      tpu.wait_dma2 semaphore(%run_scoped3A : memref<!tpu.dma_semaphore, #tpu.memory_space<semaphore_mem>>) src(%dma_wait3A_99 : memref<624xf32, #tpu.memory_space<vmem_shared>>) dst(%arg10 : memref<624xf32, #tpu.memory_space<vmem>>)
      tpu.yield
    }) : () -> ()
    %mul3A_88 = arith.constant 10000 : i32
    %mul3A_89 = arith.muli %arg0, %mul3A_88 : i32
    %add3A_90 = arith.addi %mul3A_89, %mul3A_4 : i32
    %multiple_of3A_91 = tpu.assume_multiple %add3A_90, 8 : i32
    "tpu.region"() ({
      %run_scoped3A = tpu.sem_alloc : memref<!tpu.dma_semaphore, #tpu.memory_space<semaphore_mem>>
      %dma_start3A_97 = tpu.memref_slice %arg3[%multiple_of3A_91] : memref<20000xf32, #tpu.memory_space<hbm>> -> memref<624xf32, #tpu.memory_space<hbm>>
      %dma_start3A_98 = tpu.memref_slice %arg3[%multiple_of3A_91] : memref<20000xf32, #tpu.memory_space<hbm>> -> memref<624xf32, #tpu.memory_space<hbm>>
      tpu.enqueue_dma source(%arg10 : memref<624xf32, #tpu.memory_space<vmem>>) target(%dma_start3A_98 : memref<624xf32, #tpu.memory_space<hbm>>) target_semaphore(%run_scoped3A : memref<!tpu.dma_semaphore, #tpu.memory_space<semaphore_mem>>)
      %dma_wait3A = tpu.memref_slice %arg3[%multiple_of3A_91] : memref<20000xf32, #tpu.memory_space<hbm>> -> memref<624xf32, #tpu.memory_space<hbm>>
      %dma_wait3A_99 = tpu.memref_slice %arg3[%multiple_of3A_91] : memref<20000xf32, #tpu.memory_space<hbm>> -> memref<624xf32, #tpu.memory_space<hbm>>
      tpu.wait_dma2 semaphore(%run_scoped3A : memref<!tpu.dma_semaphore, #tpu.memory_space<semaphore_mem>>) src(%arg10 : memref<624xf32, #tpu.memory_space<vmem>>) dst(%dma_wait3A_99 : memref<624xf32, #tpu.memory_space<hbm>>)
      tpu.yield
    }) : () -> ()
    %eq3A_92 = arith.constant 15 : i32
    %eq3A_93 = arith.cmpi eq, %arg1, %eq3A_92 : i32
    %convert_element_type3A_94 = arith.extui %eq3A_93 : i1 to i32
    %cond3A_95 = arith.constant 0 : i32
    %cond3A_96 = arith.cmpi ne, %convert_element_type3A_94, %cond3A_95 : i32
    scf.if %cond3A_96 {
      "tpu.region"() ({
        %run_scoped3A = tpu.sem_alloc : memref<!tpu.dma_semaphore, #tpu.memory_space<semaphore_mem>>
        %dma_start3A_102 = arith.constant 9984 : i32
        %dma_start3A_103 = tpu.memref_slice %arg11[%dma_start3A_102] : memref<10000xf32, #tpu.memory_space<vmem_shared>> -> memref<16xf32, #tpu.memory_space<vmem_shared>>
        %dma_start3A_104 = arith.constant 9984 : i32
        %dma_start3A_105 = tpu.memref_slice %arg11[%dma_start3A_104] : memref<10000xf32, #tpu.memory_space<vmem_shared>> -> memref<16xf32, #tpu.memory_space<vmem_shared>>
        tpu.enqueue_dma source(%dma_start3A_105 : memref<16xf32, #tpu.memory_space<vmem_shared>>) target(%arg9 : memref<16xf32, #tpu.memory_space<vmem>>) target_semaphore(%run_scoped3A : memref<!tpu.dma_semaphore, #tpu.memory_space<semaphore_mem>>)
        %dma_wait3A = arith.constant 9984 : i32
        %dma_wait3A_106 = tpu.memref_slice %arg11[%dma_wait3A] : memref<10000xf32, #tpu.memory_space<vmem_shared>> -> memref<16xf32, #tpu.memory_space<vmem_shared>>
        %dma_wait3A_107 = arith.constant 9984 : i32
        %dma_wait3A_108 = tpu.memref_slice %arg11[%dma_wait3A_107] : memref<10000xf32, #tpu.memory_space<vmem_shared>> -> memref<16xf32, #tpu.memory_space<vmem_shared>>
        tpu.wait_dma2 semaphore(%run_scoped3A : memref<!tpu.dma_semaphore, #tpu.memory_space<semaphore_mem>>) src(%dma_wait3A_108 : memref<16xf32, #tpu.memory_space<vmem_shared>>) dst(%arg9 : memref<16xf32, #tpu.memory_space<vmem>>)
        tpu.yield
      }) : () -> ()
      %mul3A_97 = arith.constant 10000 : i32
      %mul3A_98 = arith.muli %arg0, %mul3A_97 : i32
      %add3A_99 = arith.constant 9984 : i32
      %add3A_100 = arith.addi %mul3A_98, %add3A_99 : i32
      %multiple_of3A_101 = tpu.assume_multiple %add3A_100, 8 : i32
      "tpu.region"() ({
        %run_scoped3A = tpu.sem_alloc : memref<!tpu.dma_semaphore, #tpu.memory_space<semaphore_mem>>
        %dma_start3A_102 = tpu.memref_slice %arg3[%multiple_of3A_101] : memref<20000xf32, #tpu.memory_space<hbm>> -> memref<16xf32, #tpu.memory_space<hbm>>
        %dma_start3A_103 = tpu.memref_slice %arg3[%multiple_of3A_101] : memref<20000xf32, #tpu.memory_space<hbm>> -> memref<16xf32, #tpu.memory_space<hbm>>
        tpu.enqueue_dma source(%arg9 : memref<16xf32, #tpu.memory_space<vmem>>) target(%dma_start3A_103 : memref<16xf32, #tpu.memory_space<hbm>>) target_semaphore(%run_scoped3A : memref<!tpu.dma_semaphore, #tpu.memory_space<semaphore_mem>>)
        %dma_wait3A = tpu.memref_slice %arg3[%multiple_of3A_101] : memref<20000xf32, #tpu.memory_space<hbm>> -> memref<16xf32, #tpu.memory_space<hbm>>
        %dma_wait3A_104 = tpu.memref_slice %arg3[%multiple_of3A_101] : memref<20000xf32, #tpu.memory_space<hbm>> -> memref<16xf32, #tpu.memory_space<hbm>>
        tpu.wait_dma2 semaphore(%run_scoped3A : memref<!tpu.dma_semaphore, #tpu.memory_space<semaphore_mem>>) src(%arg9 : memref<16xf32, #tpu.memory_space<vmem>>) dst(%dma_wait3A_104 : memref<16xf32, #tpu.memory_space<hbm>>)
        tpu.yield
      }) : () -> ()
    } else {
    }
    return
  }
}

#map = affine_map<(d0, d1) -> (0)>
#map1 = affine_map<(d0, d1) -> (0, 0)>
#map2 = affine_map<(d0, d1) -> (0, 0, 0)>
module attributes {stable_mosaic.version = 14 : i64} {
  func.func @_sc_scatter(%arg0: i32, %arg1: i32, %arg2: memref<320000xi32, #tpu.memory_space<hbm>>, %arg3: memref<320000xi32, #tpu.memory_space<hbm>>, %arg4: memref<10000x128xf32, #tpu.memory_space<hbm>>, %arg5: memref<10000x128xf32, #tpu.memory_space<hbm>>, %arg6: memref<2x10000x128xf32, #tpu.memory_space<hbm>>, %arg7: memref<128xi32, #tpu.memory_space<vmem>>, %arg8: memref<128xi32, #tpu.memory_space<vmem>>, %arg9: memref<128xi32, #tpu.memory_space<vmem>>, %arg10: memref<128xi32, #tpu.memory_space<vmem>>, %arg11: memref<128xi32, #tpu.memory_space<vmem>>, %arg12: memref<128xi32, #tpu.memory_space<vmem>>, %arg13: memref<128x128xf32, #tpu.memory_space<vmem>>, %arg14: memref<128x128xf32, #tpu.memory_space<vmem>>, %arg15: memref<128x128xf32, #tpu.memory_space<vmem>>, %arg16: memref<16xi32, #tpu.memory_space<vmem>>, %arg17: memref<16xi32, #tpu.memory_space<vmem>>, %arg18: memref<10000x128xf32, #tpu.memory_space<vmem_shared>>, %arg19: memref<!tpu.dma_semaphore, #tpu.memory_space<semaphore_mem>>, %arg20: memref<!tpu.dma_semaphore, #tpu.memory_space<semaphore_mem>>, %arg21: memref<!tpu.dma_semaphore, #tpu.memory_space<semaphore_mem>>, %arg22: memref<!tpu.dma_semaphore, #tpu.memory_space<semaphore_mem>>, %arg23: memref<!tpu.dma_semaphore, #tpu.memory_space<semaphore_mem>>, %arg24: memref<!tpu.dma_semaphore, #tpu.memory_space<semaphore_mem>>) attributes {dimension_semantics = [#tpu.dimension_semantics<core_parallel>, #tpu.dimension_semantics<subcore_parallel>], iteration_bounds = array<i64: 2, 16>, scalar_prefetch = 0 : i64, scratch_operands = 18 : i64, tpu.core_type = #tpu.core_type<sc_vector_subcore>, window_params = [{transform_indices = #map}, {transform_indices = #map}, {transform_indices = #map1}, {transform_indices = #map1}, {transform_indices = #map2}]} {
    %mul3A = arith.constant 2 : i32
    %mul3A_0 = arith.muli %arg1, %mul3A : i32
    %add3A = arith.addi %mul3A_0, %arg0 : i32
    %mul3A_1 = arith.constant 10000 : i32
    %mul3A_2 = arith.muli %add3A, %mul3A_1 : i32
    %multiple_of3A = tpu.assume_multiple %mul3A_2, 8 : i32
    %mul3A_3 = arith.constant 624 : i32
    %mul3A_4 = arith.muli %arg1, %mul3A_3 : i32
    "tpu.region"() ({
      %run_scoped3A = tpu.sem_alloc : memref<!tpu.dma_semaphore, #tpu.memory_space<semaphore_mem>>
      %dma_start3A_63 = arith.constant 0 : i32
      %dma_start3A_64 = tpu.memref_slice %arg18[%mul3A_4, %dma_start3A_63] : memref<10000x128xf32, #tpu.memory_space<vmem_shared>> -> memref<624x128xf32, #tpu.memory_space<vmem_shared>>
      %dma_start3A_65 = arith.constant 0 : i32
      %dma_start3A_66 = tpu.memref_slice %arg5[%mul3A_4, %dma_start3A_65] : memref<10000x128xf32, #tpu.memory_space<hbm>> -> memref<624x128xf32, #tpu.memory_space<hbm>>
      tpu.enqueue_dma source(%dma_start3A_66 : memref<624x128xf32, #tpu.memory_space<hbm>>) target(%dma_start3A_64 : memref<624x128xf32, #tpu.memory_space<vmem_shared>>) target_semaphore(%run_scoped3A : memref<!tpu.dma_semaphore, #tpu.memory_space<semaphore_mem>>)
      %dma_wait3A_67 = arith.constant 0 : i32
      %dma_wait3A_68 = tpu.memref_slice %arg18[%mul3A_4, %dma_wait3A_67] : memref<10000x128xf32, #tpu.memory_space<vmem_shared>> -> memref<624x128xf32, #tpu.memory_space<vmem_shared>>
      %dma_wait3A_69 = arith.constant 0 : i32
      %dma_wait3A_70 = tpu.memref_slice %arg5[%mul3A_4, %dma_wait3A_69] : memref<10000x128xf32, #tpu.memory_space<hbm>> -> memref<624x128xf32, #tpu.memory_space<hbm>>
      tpu.wait_dma2 semaphore(%run_scoped3A : memref<!tpu.dma_semaphore, #tpu.memory_space<semaphore_mem>>) src(%dma_wait3A_70 : memref<624x128xf32, #tpu.memory_space<hbm>>) dst(%dma_wait3A_68 : memref<624x128xf32, #tpu.memory_space<vmem_shared>>)
      tpu.yield
    }) : () -> ()
    %eq3A = arith.constant 15 : i32
    %eq3A_5 = arith.cmpi eq, %arg1, %eq3A : i32
    %convert_element_type3A = arith.extui %eq3A_5 : i1 to i32
    %cond3A = arith.constant 0 : i32
    %cond3A_6 = arith.cmpi ne, %convert_element_type3A, %cond3A : i32
    scf.if %cond3A_6 {
      "tpu.region"() ({
        %run_scoped3A = tpu.sem_alloc : memref<!tpu.dma_semaphore, #tpu.memory_space<semaphore_mem>>
        %dma_start3A_63 = arith.constant 9984 : i32
        %dma_start3A_64 = arith.constant 0 : i32
        %dma_start3A_65 = tpu.memref_slice %arg18[%dma_start3A_63, %dma_start3A_64] : memref<10000x128xf32, #tpu.memory_space<vmem_shared>> -> memref<16x128xf32, #tpu.memory_space<vmem_shared>>
        %dma_start3A_66 = arith.constant 9984 : i32
        %dma_start3A_67 = arith.constant 0 : i32
        %dma_start3A_68 = tpu.memref_slice %arg5[%dma_start3A_66, %dma_start3A_67] : memref<10000x128xf32, #tpu.memory_space<hbm>> -> memref<16x128xf32, #tpu.memory_space<hbm>>
        tpu.enqueue_dma source(%dma_start3A_68 : memref<16x128xf32, #tpu.memory_space<hbm>>) target(%dma_start3A_65 : memref<16x128xf32, #tpu.memory_space<vmem_shared>>) target_semaphore(%run_scoped3A : memref<!tpu.dma_semaphore, #tpu.memory_space<semaphore_mem>>)
        %dma_wait3A_69 = arith.constant 9984 : i32
        %dma_wait3A_70 = arith.constant 0 : i32
        %dma_wait3A_71 = tpu.memref_slice %arg18[%dma_wait3A_69, %dma_wait3A_70] : memref<10000x128xf32, #tpu.memory_space<vmem_shared>> -> memref<16x128xf32, #tpu.memory_space<vmem_shared>>
        %dma_wait3A_72 = arith.constant 9984 : i32
        %dma_wait3A_73 = arith.constant 0 : i32
        %dma_wait3A_74 = tpu.memref_slice %arg5[%dma_wait3A_72, %dma_wait3A_73] : memref<10000x128xf32, #tpu.memory_space<hbm>> -> memref<16x128xf32, #tpu.memory_space<hbm>>
        tpu.wait_dma2 semaphore(%run_scoped3A : memref<!tpu.dma_semaphore, #tpu.memory_space<semaphore_mem>>) src(%dma_wait3A_74 : memref<16x128xf32, #tpu.memory_space<hbm>>) dst(%dma_wait3A_71 : memref<16x128xf32, #tpu.memory_space<vmem_shared>>)
        tpu.yield
      }) : () -> ()
    } else {
    }
    %barrier3A = arith.constant 0 : index
    tpu.barrier barrier_id(%barrier3A)
    %add3A_7 = arith.constant 0 : i32
    %add3A_8 = arith.addi %multiple_of3A, %add3A_7 : i32
    %multiple_of3A_9 = tpu.assume_multiple %add3A_8, 8 : i32
    %dma_start3A = tpu.memref_slice %arg2[%multiple_of3A_9] : memref<320000xi32, #tpu.memory_space<hbm>> -> memref<128xi32, #tpu.memory_space<hbm>>
    %dma_start3A_10 = tpu.memref_slice %arg2[%multiple_of3A_9] : memref<320000xi32, #tpu.memory_space<hbm>> -> memref<128xi32, #tpu.memory_space<hbm>>
    tpu.enqueue_dma source(%dma_start3A_10 : memref<128xi32, #tpu.memory_space<hbm>>) target(%arg7 : memref<128xi32, #tpu.memory_space<vmem>>) target_semaphore(%arg19 : memref<!tpu.dma_semaphore, #tpu.memory_space<semaphore_mem>>)
    %dma_start3A_11 = tpu.memref_slice %arg3[%multiple_of3A_9] : memref<320000xi32, #tpu.memory_space<hbm>> -> memref<128xi32, #tpu.memory_space<hbm>>
    %dma_start3A_12 = tpu.memref_slice %arg3[%multiple_of3A_9] : memref<320000xi32, #tpu.memory_space<hbm>> -> memref<128xi32, #tpu.memory_space<hbm>>
    tpu.enqueue_dma source(%dma_start3A_12 : memref<128xi32, #tpu.memory_space<hbm>>) target(%arg10 : memref<128xi32, #tpu.memory_space<vmem>>) target_semaphore(%arg19 : memref<!tpu.dma_semaphore, #tpu.memory_space<semaphore_mem>>)
    %add3A_13 = arith.constant 128 : i32
    %add3A_14 = arith.addi %multiple_of3A, %add3A_13 : i32
    %multiple_of3A_15 = tpu.assume_multiple %add3A_14, 8 : i32
    %dma_start3A_16 = tpu.memref_slice %arg2[%multiple_of3A_15] : memref<320000xi32, #tpu.memory_space<hbm>> -> memref<128xi32, #tpu.memory_space<hbm>>
    %dma_start3A_17 = tpu.memref_slice %arg2[%multiple_of3A_15] : memref<320000xi32, #tpu.memory_space<hbm>> -> memref<128xi32, #tpu.memory_space<hbm>>
    tpu.enqueue_dma source(%dma_start3A_17 : memref<128xi32, #tpu.memory_space<hbm>>) target(%arg8 : memref<128xi32, #tpu.memory_space<vmem>>) target_semaphore(%arg20 : memref<!tpu.dma_semaphore, #tpu.memory_space<semaphore_mem>>)
    %dma_start3A_18 = tpu.memref_slice %arg3[%multiple_of3A_15] : memref<320000xi32, #tpu.memory_space<hbm>> -> memref<128xi32, #tpu.memory_space<hbm>>
    %dma_start3A_19 = tpu.memref_slice %arg3[%multiple_of3A_15] : memref<320000xi32, #tpu.memory_space<hbm>> -> memref<128xi32, #tpu.memory_space<hbm>>
    tpu.enqueue_dma source(%dma_start3A_19 : memref<128xi32, #tpu.memory_space<hbm>>) target(%arg11 : memref<128xi32, #tpu.memory_space<vmem>>) target_semaphore(%arg20 : memref<!tpu.dma_semaphore, #tpu.memory_space<semaphore_mem>>)
    %add3A_20 = arith.constant 256 : i32
    %add3A_21 = arith.addi %multiple_of3A, %add3A_20 : i32
    %multiple_of3A_22 = tpu.assume_multiple %add3A_21, 8 : i32
    %dma_start3A_23 = tpu.memref_slice %arg2[%multiple_of3A_22] : memref<320000xi32, #tpu.memory_space<hbm>> -> memref<128xi32, #tpu.memory_space<hbm>>
    %dma_start3A_24 = tpu.memref_slice %arg2[%multiple_of3A_22] : memref<320000xi32, #tpu.memory_space<hbm>> -> memref<128xi32, #tpu.memory_space<hbm>>
    tpu.enqueue_dma source(%dma_start3A_24 : memref<128xi32, #tpu.memory_space<hbm>>) target(%arg9 : memref<128xi32, #tpu.memory_space<vmem>>) target_semaphore(%arg21 : memref<!tpu.dma_semaphore, #tpu.memory_space<semaphore_mem>>)
    %dma_start3A_25 = tpu.memref_slice %arg3[%multiple_of3A_22] : memref<320000xi32, #tpu.memory_space<hbm>> -> memref<128xi32, #tpu.memory_space<hbm>>
    %dma_start3A_26 = tpu.memref_slice %arg3[%multiple_of3A_22] : memref<320000xi32, #tpu.memory_space<hbm>> -> memref<128xi32, #tpu.memory_space<hbm>>
    tpu.enqueue_dma source(%dma_start3A_26 : memref<128xi32, #tpu.memory_space<hbm>>) target(%arg12 : memref<128xi32, #tpu.memory_space<vmem>>) target_semaphore(%arg21 : memref<!tpu.dma_semaphore, #tpu.memory_space<semaphore_mem>>)
    %dma_wait3A = arith.constant 0 : i32
    %dma_wait3A_27 = tpu.memref_slice %arg2[%dma_wait3A] : memref<320000xi32, #tpu.memory_space<hbm>> -> memref<128xi32, #tpu.memory_space<hbm>>
    %dma_wait3A_28 = arith.constant 0 : i32
    %dma_wait3A_29 = tpu.memref_slice %arg2[%dma_wait3A_28] : memref<320000xi32, #tpu.memory_space<hbm>> -> memref<128xi32, #tpu.memory_space<hbm>>
    tpu.wait_dma2 semaphore(%arg19 : memref<!tpu.dma_semaphore, #tpu.memory_space<semaphore_mem>>) src(%dma_wait3A_29 : memref<128xi32, #tpu.memory_space<hbm>>) dst(%arg7 : memref<128xi32, #tpu.memory_space<vmem>>)
    %dma_wait3A_30 = arith.constant 0 : i32
    %dma_wait3A_31 = tpu.memref_slice %arg3[%dma_wait3A_30] : memref<320000xi32, #tpu.memory_space<hbm>> -> memref<128xi32, #tpu.memory_space<hbm>>
    %dma_wait3A_32 = arith.constant 0 : i32
    %dma_wait3A_33 = tpu.memref_slice %arg3[%dma_wait3A_32] : memref<320000xi32, #tpu.memory_space<hbm>> -> memref<128xi32, #tpu.memory_space<hbm>>
    tpu.wait_dma2 semaphore(%arg19 : memref<!tpu.dma_semaphore, #tpu.memory_space<semaphore_mem>>) src(%dma_wait3A_33 : memref<128xi32, #tpu.memory_space<hbm>>) dst(%arg10 : memref<128xi32, #tpu.memory_space<vmem>>)
    %dma_start3A_34 = arith.constant 0 : i32
    %dma_start3A_35 = arith.constant 0 : i32
    %dma_start3A_36 = tpu.memref_slice %arg4[%dma_start3A_34, %dma_start3A_35] : memref<10000x128xf32, #tpu.memory_space<hbm>> -> memref<10000x128xf32, #tpu.memory_space<hbm>>
    tpu.enqueue_indirect_dma source(%dma_start3A_36 : memref<10000x128xf32, #tpu.memory_space<hbm>>) target(%arg13 : memref<128x128xf32, #tpu.memory_space<vmem>>) offsets(%arg7 : memref<128xi32, #tpu.memory_space<vmem>>) semaphore(%arg22 : memref<!tpu.dma_semaphore, #tpu.memory_space<semaphore_mem>>)
    %scan3A = arith.constant 0 : i32
    %scan3A_37 = arith.constant 0 : i32
    %scan3A_38 = arith.constant 26 : i32
    %scan3A_39 = arith.addi %scan3A_37, %scan3A_38 : i32
    %scan3A_40 = arith.constant 1 : i32
    scf.for %scan3A_63 = %scan3A_37 to %scan3A_39 step %scan3A_40  : i32 {
      %mul3A_64 = arith.constant 3 : i32
      %mul3A_65 = arith.muli %scan3A_63, %mul3A_64 : i32
      %add3A_66 = arith.constant 0 : i32
      %add3A_67 = arith.addi %mul3A_65, %add3A_66 : i32
      %dma_wait3A_68 = arith.constant 0 : i32
      %dma_wait3A_69 = arith.constant 0 : i32
      %dma_wait3A_70 = tpu.memref_slice %arg4[%dma_wait3A_68, %dma_wait3A_69] : memref<10000x128xf32, #tpu.memory_space<hbm>> -> memref<10000x128xf32, #tpu.memory_space<hbm>>
      tpu.wait_indirect_dma semaphore(%arg22 : memref<!tpu.dma_semaphore, #tpu.memory_space<semaphore_mem>>) src(%dma_wait3A_70 : memref<10000x128xf32, #tpu.memory_space<hbm>>) dst(%arg13 : memref<128x128xf32, #tpu.memory_space<vmem>>)
      %add3A_71 = arith.constant 1 : i32
      %add3A_72 = arith.addi %add3A_67, %add3A_71 : i32
      %lt3A = arith.constant 78 : i32
      %lt3A_73 = arith.cmpi slt, %add3A_72, %lt3A : i32
      %convert_element_type3A_74 = arith.extui %lt3A_73 : i1 to i32
      %cond3A_75 = arith.constant 0 : i32
      %cond3A_76 = arith.cmpi ne, %convert_element_type3A_74, %cond3A_75 : i32
      scf.if %cond3A_76 {
        %dma_wait3A_122 = arith.constant 0 : i32
        %dma_wait3A_123 = tpu.memref_slice %arg2[%dma_wait3A_122] : memref<320000xi32, #tpu.memory_space<hbm>> -> memref<128xi32, #tpu.memory_space<hbm>>
        %dma_wait3A_124 = arith.constant 0 : i32
        %dma_wait3A_125 = tpu.memref_slice %arg2[%dma_wait3A_124] : memref<320000xi32, #tpu.memory_space<hbm>> -> memref<128xi32, #tpu.memory_space<hbm>>
        tpu.wait_dma2 semaphore(%arg20 : memref<!tpu.dma_semaphore, #tpu.memory_space<semaphore_mem>>) src(%dma_wait3A_125 : memref<128xi32, #tpu.memory_space<hbm>>) dst(%arg8 : memref<128xi32, #tpu.memory_space<vmem>>)
        %dma_wait3A_126 = arith.constant 0 : i32
        %dma_wait3A_127 = tpu.memref_slice %arg3[%dma_wait3A_126] : memref<320000xi32, #tpu.memory_space<hbm>> -> memref<128xi32, #tpu.memory_space<hbm>>
        %dma_wait3A_128 = arith.constant 0 : i32
        %dma_wait3A_129 = tpu.memref_slice %arg3[%dma_wait3A_128] : memref<320000xi32, #tpu.memory_space<hbm>> -> memref<128xi32, #tpu.memory_space<hbm>>
        tpu.wait_dma2 semaphore(%arg20 : memref<!tpu.dma_semaphore, #tpu.memory_space<semaphore_mem>>) src(%dma_wait3A_129 : memref<128xi32, #tpu.memory_space<hbm>>) dst(%arg11 : memref<128xi32, #tpu.memory_space<vmem>>)
        %dma_start3A_130 = arith.constant 0 : i32
        %dma_start3A_131 = arith.constant 0 : i32
        %dma_start3A_132 = tpu.memref_slice %arg4[%dma_start3A_130, %dma_start3A_131] : memref<10000x128xf32, #tpu.memory_space<hbm>> -> memref<10000x128xf32, #tpu.memory_space<hbm>>
        tpu.enqueue_indirect_dma source(%dma_start3A_132 : memref<10000x128xf32, #tpu.memory_space<hbm>>) target(%arg14 : memref<128x128xf32, #tpu.memory_space<vmem>>) offsets(%arg8 : memref<128xi32, #tpu.memory_space<vmem>>) semaphore(%arg23 : memref<!tpu.dma_semaphore, #tpu.memory_space<semaphore_mem>>)
      } else {
      }
      "tpu.region"() ({
        %run_scoped3A = tpu.sem_alloc : memref<!tpu.dma_semaphore, #tpu.memory_space<semaphore_mem>>
        %dma_start3A_122 = arith.constant 0 : i32
        %dma_start3A_123 = arith.constant 0 : i32
        %dma_start3A_124 = tpu.memref_slice %arg18[%dma_start3A_122, %dma_start3A_123] : memref<10000x128xf32, #tpu.memory_space<vmem_shared>> -> memref<10000x128xf32, #tpu.memory_space<vmem_shared>>
        tpu.enqueue_indirect_dma source(%arg13 : memref<128x128xf32, #tpu.memory_space<vmem>>) target(%dma_start3A_124 : memref<10000x128xf32, #tpu.memory_space<vmem_shared>>) offsets(%arg10 : memref<128xi32, #tpu.memory_space<vmem>>) semaphore(%run_scoped3A : memref<!tpu.dma_semaphore, #tpu.memory_space<semaphore_mem>>) {add = true}
        %dma_wait3A_125 = arith.constant 0 : i32
        %dma_wait3A_126 = arith.constant 0 : i32
        %dma_wait3A_127 = tpu.memref_slice %arg18[%dma_wait3A_125, %dma_wait3A_126] : memref<10000x128xf32, #tpu.memory_space<vmem_shared>> -> memref<10000x128xf32, #tpu.memory_space<vmem_shared>>
        tpu.wait_indirect_dma semaphore(%run_scoped3A : memref<!tpu.dma_semaphore, #tpu.memory_space<semaphore_mem>>) src(%arg13 : memref<128x128xf32, #tpu.memory_space<vmem>>) dst(%dma_wait3A_127 : memref<10000x128xf32, #tpu.memory_space<vmem_shared>>)
        tpu.yield
      }) : () -> ()
      %add3A_77 = arith.constant 3 : i32
      %add3A_78 = arith.addi %add3A_67, %add3A_77 : i32
      %lt3A_79 = arith.constant 78 : i32
      %lt3A_80 = arith.cmpi slt, %add3A_78, %lt3A_79 : i32
      %convert_element_type3A_81 = arith.extui %lt3A_80 : i1 to i32
      %cond3A_82 = arith.constant 0 : i32
      %cond3A_83 = arith.cmpi ne, %convert_element_type3A_81, %cond3A_82 : i32
      scf.if %cond3A_83 {
        %add3A_122 = arith.constant 3 : i32
        %add3A_123 = arith.addi %add3A_67, %add3A_122 : i32
        %mul3A_124 = arith.constant 128 : i32
        %mul3A_125 = arith.muli %add3A_123, %mul3A_124 : i32
        %add3A_126 = arith.addi %multiple_of3A, %mul3A_125 : i32
        %multiple_of3A_127 = tpu.assume_multiple %add3A_126, 8 : i32
        %dma_start3A_128 = tpu.memref_slice %arg2[%multiple_of3A_127] : memref<320000xi32, #tpu.memory_space<hbm>> -> memref<128xi32, #tpu.memory_space<hbm>>
        %dma_start3A_129 = tpu.memref_slice %arg2[%multiple_of3A_127] : memref<320000xi32, #tpu.memory_space<hbm>> -> memref<128xi32, #tpu.memory_space<hbm>>
        tpu.enqueue_dma source(%dma_start3A_129 : memref<128xi32, #tpu.memory_space<hbm>>) target(%arg7 : memref<128xi32, #tpu.memory_space<vmem>>) target_semaphore(%arg19 : memref<!tpu.dma_semaphore, #tpu.memory_space<semaphore_mem>>)
        %dma_start3A_130 = tpu.memref_slice %arg3[%multiple_of3A_127] : memref<320000xi32, #tpu.memory_space<hbm>> -> memref<128xi32, #tpu.memory_space<hbm>>
        %dma_start3A_131 = tpu.memref_slice %arg3[%multiple_of3A_127] : memref<320000xi32, #tpu.memory_space<hbm>> -> memref<128xi32, #tpu.memory_space<hbm>>
        tpu.enqueue_dma source(%dma_start3A_131 : memref<128xi32, #tpu.memory_space<hbm>>) target(%arg10 : memref<128xi32, #tpu.memory_space<vmem>>) target_semaphore(%arg19 : memref<!tpu.dma_semaphore, #tpu.memory_space<semaphore_mem>>)
      } else {
      }
      %add3A_84 = arith.constant 1 : i32
      %add3A_85 = arith.addi %mul3A_65, %add3A_84 : i32
      %dma_wait3A_86 = arith.constant 0 : i32
      %dma_wait3A_87 = arith.constant 0 : i32
      %dma_wait3A_88 = tpu.memref_slice %arg4[%dma_wait3A_86, %dma_wait3A_87] : memref<10000x128xf32, #tpu.memory_space<hbm>> -> memref<10000x128xf32, #tpu.memory_space<hbm>>
      tpu.wait_indirect_dma semaphore(%arg23 : memref<!tpu.dma_semaphore, #tpu.memory_space<semaphore_mem>>) src(%dma_wait3A_88 : memref<10000x128xf32, #tpu.memory_space<hbm>>) dst(%arg14 : memref<128x128xf32, #tpu.memory_space<vmem>>)
      %add3A_89 = arith.constant 1 : i32
      %add3A_90 = arith.addi %add3A_85, %add3A_89 : i32
      %lt3A_91 = arith.constant 78 : i32
      %lt3A_92 = arith.cmpi slt, %add3A_90, %lt3A_91 : i32
      %convert_element_type3A_93 = arith.extui %lt3A_92 : i1 to i32
      %cond3A_94 = arith.constant 0 : i32
      %cond3A_95 = arith.cmpi ne, %convert_element_type3A_93, %cond3A_94 : i32
      scf.if %cond3A_95 {
        %dma_wait3A_122 = arith.constant 0 : i32
        %dma_wait3A_123 = tpu.memref_slice %arg2[%dma_wait3A_122] : memref<320000xi32, #tpu.memory_space<hbm>> -> memref<128xi32, #tpu.memory_space<hbm>>
        %dma_wait3A_124 = arith.constant 0 : i32
        %dma_wait3A_125 = tpu.memref_slice %arg2[%dma_wait3A_124] : memref<320000xi32, #tpu.memory_space<hbm>> -> memref<128xi32, #tpu.memory_space<hbm>>
        tpu.wait_dma2 semaphore(%arg21 : memref<!tpu.dma_semaphore, #tpu.memory_space<semaphore_mem>>) src(%dma_wait3A_125 : memref<128xi32, #tpu.memory_space<hbm>>) dst(%arg9 : memref<128xi32, #tpu.memory_space<vmem>>)
        %dma_wait3A_126 = arith.constant 0 : i32
        %dma_wait3A_127 = tpu.memref_slice %arg3[%dma_wait3A_126] : memref<320000xi32, #tpu.memory_space<hbm>> -> memref<128xi32, #tpu.memory_space<hbm>>
        %dma_wait3A_128 = arith.constant 0 : i32
        %dma_wait3A_129 = tpu.memref_slice %arg3[%dma_wait3A_128] : memref<320000xi32, #tpu.memory_space<hbm>> -> memref<128xi32, #tpu.memory_space<hbm>>
        tpu.wait_dma2 semaphore(%arg21 : memref<!tpu.dma_semaphore, #tpu.memory_space<semaphore_mem>>) src(%dma_wait3A_129 : memref<128xi32, #tpu.memory_space<hbm>>) dst(%arg12 : memref<128xi32, #tpu.memory_space<vmem>>)
        %dma_start3A_130 = arith.constant 0 : i32
        %dma_start3A_131 = arith.constant 0 : i32
        %dma_start3A_132 = tpu.memref_slice %arg4[%dma_start3A_130, %dma_start3A_131] : memref<10000x128xf32, #tpu.memory_space<hbm>> -> memref<10000x128xf32, #tpu.memory_space<hbm>>
        tpu.enqueue_indirect_dma source(%dma_start3A_132 : memref<10000x128xf32, #tpu.memory_space<hbm>>) target(%arg15 : memref<128x128xf32, #tpu.memory_space<vmem>>) offsets(%arg9 : memref<128xi32, #tpu.memory_space<vmem>>) semaphore(%arg24 : memref<!tpu.dma_semaphore, #tpu.memory_space<semaphore_mem>>)
      } else {
      }
      "tpu.region"() ({
        %run_scoped3A = tpu.sem_alloc : memref<!tpu.dma_semaphore, #tpu.memory_space<semaphore_mem>>
        %dma_start3A_122 = arith.constant 0 : i32
        %dma_start3A_123 = arith.constant 0 : i32
        %dma_start3A_124 = tpu.memref_slice %arg18[%dma_start3A_122, %dma_start3A_123] : memref<10000x128xf32, #tpu.memory_space<vmem_shared>> -> memref<10000x128xf32, #tpu.memory_space<vmem_shared>>
        tpu.enqueue_indirect_dma source(%arg14 : memref<128x128xf32, #tpu.memory_space<vmem>>) target(%dma_start3A_124 : memref<10000x128xf32, #tpu.memory_space<vmem_shared>>) offsets(%arg11 : memref<128xi32, #tpu.memory_space<vmem>>) semaphore(%run_scoped3A : memref<!tpu.dma_semaphore, #tpu.memory_space<semaphore_mem>>) {add = true}
        %dma_wait3A_125 = arith.constant 0 : i32
        %dma_wait3A_126 = arith.constant 0 : i32
        %dma_wait3A_127 = tpu.memref_slice %arg18[%dma_wait3A_125, %dma_wait3A_126] : memref<10000x128xf32, #tpu.memory_space<vmem_shared>> -> memref<10000x128xf32, #tpu.memory_space<vmem_shared>>
        tpu.wait_indirect_dma semaphore(%run_scoped3A : memref<!tpu.dma_semaphore, #tpu.memory_space<semaphore_mem>>) src(%arg14 : memref<128x128xf32, #tpu.memory_space<vmem>>) dst(%dma_wait3A_127 : memref<10000x128xf32, #tpu.memory_space<vmem_shared>>)
        tpu.yield
      }) : () -> ()
      %add3A_96 = arith.constant 3 : i32
      %add3A_97 = arith.addi %add3A_85, %add3A_96 : i32
      %lt3A_98 = arith.constant 78 : i32
      %lt3A_99 = arith.cmpi slt, %add3A_97, %lt3A_98 : i32
      %convert_element_type3A_100 = arith.extui %lt3A_99 : i1 to i32
      %cond3A_101 = arith.constant 0 : i32
      %cond3A_102 = arith.cmpi ne, %convert_element_type3A_100, %cond3A_101 : i32
      scf.if %cond3A_102 {
        %add3A_122 = arith.constant 3 : i32
        %add3A_123 = arith.addi %add3A_85, %add3A_122 : i32
        %mul3A_124 = arith.constant 128 : i32
        %mul3A_125 = arith.muli %add3A_123, %mul3A_124 : i32
        %add3A_126 = arith.addi %multiple_of3A, %mul3A_125 : i32
        %multiple_of3A_127 = tpu.assume_multiple %add3A_126, 8 : i32
        %dma_start3A_128 = tpu.memref_slice %arg2[%multiple_of3A_127] : memref<320000xi32, #tpu.memory_space<hbm>> -> memref<128xi32, #tpu.memory_space<hbm>>
        %dma_start3A_129 = tpu.memref_slice %arg2[%multiple_of3A_127] : memref<320000xi32, #tpu.memory_space<hbm>> -> memref<128xi32, #tpu.memory_space<hbm>>
        tpu.enqueue_dma source(%dma_start3A_129 : memref<128xi32, #tpu.memory_space<hbm>>) target(%arg8 : memref<128xi32, #tpu.memory_space<vmem>>) target_semaphore(%arg20 : memref<!tpu.dma_semaphore, #tpu.memory_space<semaphore_mem>>)
        %dma_start3A_130 = tpu.memref_slice %arg3[%multiple_of3A_127] : memref<320000xi32, #tpu.memory_space<hbm>> -> memref<128xi32, #tpu.memory_space<hbm>>
        %dma_start3A_131 = tpu.memref_slice %arg3[%multiple_of3A_127] : memref<320000xi32, #tpu.memory_space<hbm>> -> memref<128xi32, #tpu.memory_space<hbm>>
        tpu.enqueue_dma source(%dma_start3A_131 : memref<128xi32, #tpu.memory_space<hbm>>) target(%arg11 : memref<128xi32, #tpu.memory_space<vmem>>) target_semaphore(%arg20 : memref<!tpu.dma_semaphore, #tpu.memory_space<semaphore_mem>>)
      } else {
      }
      %add3A_103 = arith.constant 2 : i32
      %add3A_104 = arith.addi %mul3A_65, %add3A_103 : i32
      %dma_wait3A_105 = arith.constant 0 : i32
      %dma_wait3A_106 = arith.constant 0 : i32
      %dma_wait3A_107 = tpu.memref_slice %arg4[%dma_wait3A_105, %dma_wait3A_106] : memref<10000x128xf32, #tpu.memory_space<hbm>> -> memref<10000x128xf32, #tpu.memory_space<hbm>>
      tpu.wait_indirect_dma semaphore(%arg24 : memref<!tpu.dma_semaphore, #tpu.memory_space<semaphore_mem>>) src(%dma_wait3A_107 : memref<10000x128xf32, #tpu.memory_space<hbm>>) dst(%arg15 : memref<128x128xf32, #tpu.memory_space<vmem>>)
      %add3A_108 = arith.constant 1 : i32
      %add3A_109 = arith.addi %add3A_104, %add3A_108 : i32
      %lt3A_110 = arith.constant 78 : i32
      %lt3A_111 = arith.cmpi slt, %add3A_109, %lt3A_110 : i32
      %convert_element_type3A_112 = arith.extui %lt3A_111 : i1 to i32
      %cond3A_113 = arith.constant 0 : i32
      %cond3A_114 = arith.cmpi ne, %convert_element_type3A_112, %cond3A_113 : i32
      scf.if %cond3A_114 {
        %dma_wait3A_122 = arith.constant 0 : i32
        %dma_wait3A_123 = tpu.memref_slice %arg2[%dma_wait3A_122] : memref<320000xi32, #tpu.memory_space<hbm>> -> memref<128xi32, #tpu.memory_space<hbm>>
        %dma_wait3A_124 = arith.constant 0 : i32
        %dma_wait3A_125 = tpu.memref_slice %arg2[%dma_wait3A_124] : memref<320000xi32, #tpu.memory_space<hbm>> -> memref<128xi32, #tpu.memory_space<hbm>>
        tpu.wait_dma2 semaphore(%arg19 : memref<!tpu.dma_semaphore, #tpu.memory_space<semaphore_mem>>) src(%dma_wait3A_125 : memref<128xi32, #tpu.memory_space<hbm>>) dst(%arg7 : memref<128xi32, #tpu.memory_space<vmem>>)
        %dma_wait3A_126 = arith.constant 0 : i32
        %dma_wait3A_127 = tpu.memref_slice %arg3[%dma_wait3A_126] : memref<320000xi32, #tpu.memory_space<hbm>> -> memref<128xi32, #tpu.memory_space<hbm>>
        %dma_wait3A_128 = arith.constant 0 : i32
        %dma_wait3A_129 = tpu.memref_slice %arg3[%dma_wait3A_128] : memref<320000xi32, #tpu.memory_space<hbm>> -> memref<128xi32, #tpu.memory_space<hbm>>
        tpu.wait_dma2 semaphore(%arg19 : memref<!tpu.dma_semaphore, #tpu.memory_space<semaphore_mem>>) src(%dma_wait3A_129 : memref<128xi32, #tpu.memory_space<hbm>>) dst(%arg10 : memref<128xi32, #tpu.memory_space<vmem>>)
        %dma_start3A_130 = arith.constant 0 : i32
        %dma_start3A_131 = arith.constant 0 : i32
        %dma_start3A_132 = tpu.memref_slice %arg4[%dma_start3A_130, %dma_start3A_131] : memref<10000x128xf32, #tpu.memory_space<hbm>> -> memref<10000x128xf32, #tpu.memory_space<hbm>>
        tpu.enqueue_indirect_dma source(%dma_start3A_132 : memref<10000x128xf32, #tpu.memory_space<hbm>>) target(%arg13 : memref<128x128xf32, #tpu.memory_space<vmem>>) offsets(%arg7 : memref<128xi32, #tpu.memory_space<vmem>>) semaphore(%arg22 : memref<!tpu.dma_semaphore, #tpu.memory_space<semaphore_mem>>)
      } else {
      }
      "tpu.region"() ({
        %run_scoped3A = tpu.sem_alloc : memref<!tpu.dma_semaphore, #tpu.memory_space<semaphore_mem>>
        %dma_start3A_122 = arith.constant 0 : i32
        %dma_start3A_123 = arith.constant 0 : i32
        %dma_start3A_124 = tpu.memref_slice %arg18[%dma_start3A_122, %dma_start3A_123] : memref<10000x128xf32, #tpu.memory_space<vmem_shared>> -> memref<10000x128xf32, #tpu.memory_space<vmem_shared>>
        tpu.enqueue_indirect_dma source(%arg15 : memref<128x128xf32, #tpu.memory_space<vmem>>) target(%dma_start3A_124 : memref<10000x128xf32, #tpu.memory_space<vmem_shared>>) offsets(%arg12 : memref<128xi32, #tpu.memory_space<vmem>>) semaphore(%run_scoped3A : memref<!tpu.dma_semaphore, #tpu.memory_space<semaphore_mem>>) {add = true}
        %dma_wait3A_125 = arith.constant 0 : i32
        %dma_wait3A_126 = arith.constant 0 : i32
        %dma_wait3A_127 = tpu.memref_slice %arg18[%dma_wait3A_125, %dma_wait3A_126] : memref<10000x128xf32, #tpu.memory_space<vmem_shared>> -> memref<10000x128xf32, #tpu.memory_space<vmem_shared>>
        tpu.wait_indirect_dma semaphore(%run_scoped3A : memref<!tpu.dma_semaphore, #tpu.memory_space<semaphore_mem>>) src(%arg15 : memref<128x128xf32, #tpu.memory_space<vmem>>) dst(%dma_wait3A_127 : memref<10000x128xf32, #tpu.memory_space<vmem_shared>>)
        tpu.yield
      }) : () -> ()
      %add3A_115 = arith.constant 3 : i32
      %add3A_116 = arith.addi %add3A_104, %add3A_115 : i32
      %lt3A_117 = arith.constant 78 : i32
      %lt3A_118 = arith.cmpi slt, %add3A_116, %lt3A_117 : i32
      %convert_element_type3A_119 = arith.extui %lt3A_118 : i1 to i32
      %cond3A_120 = arith.constant 0 : i32
      %cond3A_121 = arith.cmpi ne, %convert_element_type3A_119, %cond3A_120 : i32
      scf.if %cond3A_121 {
        %add3A_122 = arith.constant 3 : i32
        %add3A_123 = arith.addi %add3A_104, %add3A_122 : i32
        %mul3A_124 = arith.constant 128 : i32
        %mul3A_125 = arith.muli %add3A_123, %mul3A_124 : i32
        %add3A_126 = arith.addi %multiple_of3A, %mul3A_125 : i32
        %multiple_of3A_127 = tpu.assume_multiple %add3A_126, 8 : i32
        %dma_start3A_128 = tpu.memref_slice %arg2[%multiple_of3A_127] : memref<320000xi32, #tpu.memory_space<hbm>> -> memref<128xi32, #tpu.memory_space<hbm>>
        %dma_start3A_129 = tpu.memref_slice %arg2[%multiple_of3A_127] : memref<320000xi32, #tpu.memory_space<hbm>> -> memref<128xi32, #tpu.memory_space<hbm>>
        tpu.enqueue_dma source(%dma_start3A_129 : memref<128xi32, #tpu.memory_space<hbm>>) target(%arg9 : memref<128xi32, #tpu.memory_space<vmem>>) target_semaphore(%arg21 : memref<!tpu.dma_semaphore, #tpu.memory_space<semaphore_mem>>)
        %dma_start3A_130 = tpu.memref_slice %arg3[%multiple_of3A_127] : memref<320000xi32, #tpu.memory_space<hbm>> -> memref<128xi32, #tpu.memory_space<hbm>>
        %dma_start3A_131 = tpu.memref_slice %arg3[%multiple_of3A_127] : memref<320000xi32, #tpu.memory_space<hbm>> -> memref<128xi32, #tpu.memory_space<hbm>>
        tpu.enqueue_dma source(%dma_start3A_131 : memref<128xi32, #tpu.memory_space<hbm>>) target(%arg12 : memref<128xi32, #tpu.memory_space<vmem>>) target_semaphore(%arg21 : memref<!tpu.dma_semaphore, #tpu.memory_space<semaphore_mem>>)
      } else {
      }
    }
    %scan3A_41 = arith.constant 26 : i32
    %add3A_42 = arith.constant 9984 : i32
    %add3A_43 = arith.addi %multiple_of3A, %add3A_42 : i32
    %multiple_of3A_44 = tpu.assume_multiple %add3A_43, 8 : i32
    "tpu.region"() ({
      %run_scoped3A = tpu.sem_alloc : memref<!tpu.dma_semaphore, #tpu.memory_space<semaphore_mem>>
      %dma_start3A_63 = tpu.memref_slice %arg2[%multiple_of3A_44] : memref<320000xi32, #tpu.memory_space<hbm>> -> memref<16xi32, #tpu.memory_space<hbm>>
      %dma_start3A_64 = tpu.memref_slice %arg2[%multiple_of3A_44] : memref<320000xi32, #tpu.memory_space<hbm>> -> memref<16xi32, #tpu.memory_space<hbm>>
      tpu.enqueue_dma source(%dma_start3A_64 : memref<16xi32, #tpu.memory_space<hbm>>) target(%arg16 : memref<16xi32, #tpu.memory_space<vmem>>) target_semaphore(%run_scoped3A : memref<!tpu.dma_semaphore, #tpu.memory_space<semaphore_mem>>)
      %dma_wait3A_65 = tpu.memref_slice %arg2[%multiple_of3A_44] : memref<320000xi32, #tpu.memory_space<hbm>> -> memref<16xi32, #tpu.memory_space<hbm>>
      %dma_wait3A_66 = tpu.memref_slice %arg2[%multiple_of3A_44] : memref<320000xi32, #tpu.memory_space<hbm>> -> memref<16xi32, #tpu.memory_space<hbm>>
      tpu.wait_dma2 semaphore(%run_scoped3A : memref<!tpu.dma_semaphore, #tpu.memory_space<semaphore_mem>>) src(%dma_wait3A_66 : memref<16xi32, #tpu.memory_space<hbm>>) dst(%arg16 : memref<16xi32, #tpu.memory_space<vmem>>)
      tpu.yield
    }) : () -> ()
    "tpu.region"() ({
      %run_scoped3A = tpu.sem_alloc : memref<!tpu.dma_semaphore, #tpu.memory_space<semaphore_mem>>
      %dma_start3A_63 = tpu.memref_slice %arg3[%multiple_of3A_44] : memref<320000xi32, #tpu.memory_space<hbm>> -> memref<16xi32, #tpu.memory_space<hbm>>
      %dma_start3A_64 = tpu.memref_slice %arg3[%multiple_of3A_44] : memref<320000xi32, #tpu.memory_space<hbm>> -> memref<16xi32, #tpu.memory_space<hbm>>
      tpu.enqueue_dma source(%dma_start3A_64 : memref<16xi32, #tpu.memory_space<hbm>>) target(%arg17 : memref<16xi32, #tpu.memory_space<vmem>>) target_semaphore(%run_scoped3A : memref<!tpu.dma_semaphore, #tpu.memory_space<semaphore_mem>>)
      %dma_wait3A_65 = tpu.memref_slice %arg3[%multiple_of3A_44] : memref<320000xi32, #tpu.memory_space<hbm>> -> memref<16xi32, #tpu.memory_space<hbm>>
      %dma_wait3A_66 = tpu.memref_slice %arg3[%multiple_of3A_44] : memref<320000xi32, #tpu.memory_space<hbm>> -> memref<16xi32, #tpu.memory_space<hbm>>
      tpu.wait_dma2 semaphore(%run_scoped3A : memref<!tpu.dma_semaphore, #tpu.memory_space<semaphore_mem>>) src(%dma_wait3A_66 : memref<16xi32, #tpu.memory_space<hbm>>) dst(%arg17 : memref<16xi32, #tpu.memory_space<vmem>>)
      tpu.yield
    }) : () -> ()
    %dma_start3A_45 = arith.constant 0 : i32
    %dma_start3A_46 = arith.constant 0 : i32
    %dma_start3A_47 = tpu.memref_slice %arg13[%dma_start3A_45, %dma_start3A_46] : memref<128x128xf32, #tpu.memory_space<vmem>> -> memref<16x128xf32, #tpu.memory_space<vmem>>
    %dma_start3A_48 = arith.constant 0 : i32
    %dma_start3A_49 = arith.constant 0 : i32
    %dma_start3A_50 = tpu.memref_slice %arg4[%dma_start3A_48, %dma_start3A_49] : memref<10000x128xf32, #tpu.memory_space<hbm>> -> memref<10000x128xf32, #tpu.memory_space<hbm>>
    tpu.enqueue_indirect_dma source(%dma_start3A_50 : memref<10000x128xf32, #tpu.memory_space<hbm>>) target(%dma_start3A_47 : memref<16x128xf32, #tpu.memory_space<vmem>>) offsets(%arg16 : memref<16xi32, #tpu.memory_space<vmem>>) semaphore(%arg22 : memref<!tpu.dma_semaphore, #tpu.memory_space<semaphore_mem>>)
    %dma_wait3A_51 = arith.constant 0 : i32
    %dma_wait3A_52 = arith.constant 0 : i32
    %dma_wait3A_53 = tpu.memref_slice %arg13[%dma_wait3A_51, %dma_wait3A_52] : memref<128x128xf32, #tpu.memory_space<vmem>> -> memref<16x128xf32, #tpu.memory_space<vmem>>
    %dma_wait3A_54 = arith.constant 0 : i32
    %dma_wait3A_55 = arith.constant 0 : i32
    %dma_wait3A_56 = tpu.memref_slice %arg4[%dma_wait3A_54, %dma_wait3A_55] : memref<10000x128xf32, #tpu.memory_space<hbm>> -> memref<10000x128xf32, #tpu.memory_space<hbm>>
    tpu.wait_indirect_dma semaphore(%arg22 : memref<!tpu.dma_semaphore, #tpu.memory_space<semaphore_mem>>) src(%dma_wait3A_56 : memref<10000x128xf32, #tpu.memory_space<hbm>>) dst(%dma_wait3A_53 : memref<16x128xf32, #tpu.memory_space<vmem>>)
    "tpu.region"() ({
      %run_scoped3A = tpu.sem_alloc : memref<!tpu.dma_semaphore, #tpu.memory_space<semaphore_mem>>
      %dma_start3A_63 = arith.constant 0 : i32
      %dma_start3A_64 = arith.constant 0 : i32
      %dma_start3A_65 = tpu.memref_slice %arg13[%dma_start3A_63, %dma_start3A_64] : memref<128x128xf32, #tpu.memory_space<vmem>> -> memref<16x128xf32, #tpu.memory_space<vmem>>
      %dma_start3A_66 = arith.constant 0 : i32
      %dma_start3A_67 = arith.constant 0 : i32
      %dma_start3A_68 = tpu.memref_slice %arg18[%dma_start3A_66, %dma_start3A_67] : memref<10000x128xf32, #tpu.memory_space<vmem_shared>> -> memref<10000x128xf32, #tpu.memory_space<vmem_shared>>
      tpu.enqueue_indirect_dma source(%dma_start3A_65 : memref<16x128xf32, #tpu.memory_space<vmem>>) target(%dma_start3A_68 : memref<10000x128xf32, #tpu.memory_space<vmem_shared>>) offsets(%arg17 : memref<16xi32, #tpu.memory_space<vmem>>) semaphore(%run_scoped3A : memref<!tpu.dma_semaphore, #tpu.memory_space<semaphore_mem>>) {add = true}
      %dma_wait3A_69 = arith.constant 0 : i32
      %dma_wait3A_70 = arith.constant 0 : i32
      %dma_wait3A_71 = tpu.memref_slice %arg13[%dma_wait3A_69, %dma_wait3A_70] : memref<128x128xf32, #tpu.memory_space<vmem>> -> memref<16x128xf32, #tpu.memory_space<vmem>>
      %dma_wait3A_72 = arith.constant 0 : i32
      %dma_wait3A_73 = arith.constant 0 : i32
      %dma_wait3A_74 = tpu.memref_slice %arg18[%dma_wait3A_72, %dma_wait3A_73] : memref<10000x128xf32, #tpu.memory_space<vmem_shared>> -> memref<10000x128xf32, #tpu.memory_space<vmem_shared>>
      tpu.wait_indirect_dma semaphore(%run_scoped3A : memref<!tpu.dma_semaphore, #tpu.memory_space<semaphore_mem>>) src(%dma_wait3A_71 : memref<16x128xf32, #tpu.memory_space<vmem>>) dst(%dma_wait3A_74 : memref<10000x128xf32, #tpu.memory_space<vmem_shared>>)
      tpu.yield
    }) : () -> ()
    %barrier3A_57 = arith.constant 0 : index
    tpu.barrier barrier_id(%barrier3A_57)
    "tpu.region"() ({
      %run_scoped3A = tpu.sem_alloc : memref<!tpu.dma_semaphore, #tpu.memory_space<semaphore_mem>>
      %dma_start3A_63 = arith.constant 0 : i32
      %dma_start3A_64 = tpu.memref_slice %arg6[%arg0, %mul3A_4, %dma_start3A_63] : memref<2x10000x128xf32, #tpu.memory_space<hbm>> -> memref<1x624x128xf32, #tpu.memory_space<hbm>>
      %dma_start3A_65 = tpu.memref_squeeze %dma_start3A_64 : memref<1x624x128xf32, #tpu.memory_space<hbm>> -> memref<624x128xf32, #tpu.memory_space<hbm>>
      %dma_start3A_66 = arith.constant 0 : i32
      %dma_start3A_67 = tpu.memref_slice %arg18[%mul3A_4, %dma_start3A_66] : memref<10000x128xf32, #tpu.memory_space<vmem_shared>> -> memref<624x128xf32, #tpu.memory_space<vmem_shared>>
      tpu.enqueue_dma source(%dma_start3A_67 : memref<624x128xf32, #tpu.memory_space<vmem_shared>>) target(%dma_start3A_65 : memref<624x128xf32, #tpu.memory_space<hbm>>) target_semaphore(%run_scoped3A : memref<!tpu.dma_semaphore, #tpu.memory_space<semaphore_mem>>)
      %dma_wait3A_68 = arith.constant 0 : i32
      %dma_wait3A_69 = tpu.memref_slice %arg6[%arg0, %mul3A_4, %dma_wait3A_68] : memref<2x10000x128xf32, #tpu.memory_space<hbm>> -> memref<1x624x128xf32, #tpu.memory_space<hbm>>
      %dma_wait3A_70 = tpu.memref_squeeze %dma_wait3A_69 : memref<1x624x128xf32, #tpu.memory_space<hbm>> -> memref<624x128xf32, #tpu.memory_space<hbm>>
      %dma_wait3A_71 = arith.constant 0 : i32
      %dma_wait3A_72 = tpu.memref_slice %arg18[%mul3A_4, %dma_wait3A_71] : memref<10000x128xf32, #tpu.memory_space<vmem_shared>> -> memref<624x128xf32, #tpu.memory_space<vmem_shared>>
      tpu.wait_dma2 semaphore(%run_scoped3A : memref<!tpu.dma_semaphore, #tpu.memory_space<semaphore_mem>>) src(%dma_wait3A_72 : memref<624x128xf32, #tpu.memory_space<vmem_shared>>) dst(%dma_wait3A_70 : memref<624x128xf32, #tpu.memory_space<hbm>>)
      tpu.yield
    }) : () -> ()
    %eq3A_58 = arith.constant 15 : i32
    %eq3A_59 = arith.cmpi eq, %arg1, %eq3A_58 : i32
    %convert_element_type3A_60 = arith.extui %eq3A_59 : i1 to i32
    %cond3A_61 = arith.constant 0 : i32
    %cond3A_62 = arith.cmpi ne, %convert_element_type3A_60, %cond3A_61 : i32
    scf.if %cond3A_62 {
      "tpu.region"() ({
        %run_scoped3A = tpu.sem_alloc : memref<!tpu.dma_semaphore, #tpu.memory_space<semaphore_mem>>
        %dma_start3A_63 = arith.constant 9984 : i32
        %dma_start3A_64 = arith.constant 0 : i32
        %dma_start3A_65 = tpu.memref_slice %arg6[%arg0, %dma_start3A_63, %dma_start3A_64] : memref<2x10000x128xf32, #tpu.memory_space<hbm>> -> memref<1x16x128xf32, #tpu.memory_space<hbm>>
        %dma_start3A_66 = tpu.memref_squeeze %dma_start3A_65 : memref<1x16x128xf32, #tpu.memory_space<hbm>> -> memref<16x128xf32, #tpu.memory_space<hbm>>
        %dma_start3A_67 = arith.constant 9984 : i32
        %dma_start3A_68 = arith.constant 0 : i32
        %dma_start3A_69 = tpu.memref_slice %arg18[%dma_start3A_67, %dma_start3A_68] : memref<10000x128xf32, #tpu.memory_space<vmem_shared>> -> memref<16x128xf32, #tpu.memory_space<vmem_shared>>
        tpu.enqueue_dma source(%dma_start3A_69 : memref<16x128xf32, #tpu.memory_space<vmem_shared>>) target(%dma_start3A_66 : memref<16x128xf32, #tpu.memory_space<hbm>>) target_semaphore(%run_scoped3A : memref<!tpu.dma_semaphore, #tpu.memory_space<semaphore_mem>>)
        %dma_wait3A_70 = arith.constant 9984 : i32
        %dma_wait3A_71 = arith.constant 0 : i32
        %dma_wait3A_72 = tpu.memref_slice %arg6[%arg0, %dma_wait3A_70, %dma_wait3A_71] : memref<2x10000x128xf32, #tpu.memory_space<hbm>> -> memref<1x16x128xf32, #tpu.memory_space<hbm>>
        %dma_wait3A_73 = tpu.memref_squeeze %dma_wait3A_72 : memref<1x16x128xf32, #tpu.memory_space<hbm>> -> memref<16x128xf32, #tpu.memory_space<hbm>>
        %dma_wait3A_74 = arith.constant 9984 : i32
        %dma_wait3A_75 = arith.constant 0 : i32
        %dma_wait3A_76 = tpu.memref_slice %arg18[%dma_wait3A_74, %dma_wait3A_75] : memref<10000x128xf32, #tpu.memory_space<vmem_shared>> -> memref<16x128xf32, #tpu.memory_space<vmem_shared>>
        tpu.wait_dma2 semaphore(%run_scoped3A : memref<!tpu.dma_semaphore, #tpu.memory_space<semaphore_mem>>) src(%dma_wait3A_76 : memref<16x128xf32, #tpu.memory_space<vmem_shared>>) dst(%dma_wait3A_73 : memref<16x128xf32, #tpu.memory_space<hbm>>)
        tpu.yield
      }) : () -> ()
    } else {
    }
    return
  }
}

module attributes {stable_mosaic.version = 14 : i64} {
  func.func @_tc1_body(%arg0: i32, %arg1: memref<1000x128xf32, #tpu.memory_space<vmem>>, %arg2: memref<128x128xf32, #tpu.memory_space<vmem>>, %arg3: memref<2x1000x1xf32, #tpu.memory_space<vmem>>, %arg4: memref<1000x128xf32, #tpu.memory_space<vmem>>, %arg5: memref<1000x1xf32, #tpu.memory_space<vmem>>) attributes {dimension_semantics = [#tpu.dimension_semantics<arbitrary>], iteration_bounds = array<i64: 10>, scalar_prefetch = 0 : i64, scratch_operands = 0 : i64, tpu.core_type = #tpu.core_type<tc>, window_params = [{transform_indices = @transform_0, window_bounds = array<i64: 1000, 128>}, {pipeline_mode = #tpu.pipeline_mode<synchronous>, transform_indices = @transform_1, window_bounds = array<i64: 128, 128>}, {transform_indices = @transform_2, window_bounds = array<i64: 2, 1000, 1>}, {transform_indices = @transform_3, window_bounds = array<i64: 1000, 128>}, {transform_indices = @transform_4, window_bounds = array<i64: 1000, 1>}]} {
    %get3A = arith.constant 0 : index
    %get3A_0 = arith.constant 0 : index
    %get3A_1 = arith.constant 0 : index
    %get3A_2 = vector.load %arg3[%get3A, %get3A_0, %get3A_1] : memref<2x1000x1xf32, #tpu.memory_space<vmem>>, vector<1x1000x1xf32>
    %get3A_3 = vector.shape_cast %get3A_2 : vector<1x1000x1xf32> to vector<1000x1xf32>
    %get3A_4 = arith.constant 1 : index
    %get3A_5 = arith.constant 0 : index
    %get3A_6 = arith.constant 0 : index
    %get3A_7 = vector.load %arg3[%get3A_4, %get3A_5, %get3A_6] : memref<2x1000x1xf32, #tpu.memory_space<vmem>>, vector<1x1000x1xf32>
    %get3A_8 = vector.shape_cast %get3A_7 : vector<1x1000x1xf32> to vector<1000x1xf32>
    %add3A = arith.addf %get3A_3, %get3A_8 : vector<1000x1xf32>
    %add3A_9 = arith.constant 1.000000e+00 : f32
    %add3A_10 = vector.broadcast %add3A_9 : f32 to vector<1000x1xf32>
    %add3A_11 = arith.addf %add3A, %add3A_10 : vector<1000x1xf32>
    %rsqrt3A = math.rsqrt %add3A_11 : vector<1000x1xf32>
    %swap3A = arith.constant 0 : index
    %swap3A_12 = arith.constant 0 : index
    %swap3A_13 = vector.load %arg5[%swap3A, %swap3A_12] : memref<1000x1xf32, #tpu.memory_space<vmem>>, vector<1000x1xf32>
    tpu.vector_store %arg5[%swap3A, %swap3A_12], %rsqrt3A {strides = array<i32>} : memref<1000x1xf32, #tpu.memory_space<vmem>>, vector<1000x1xf32>,
    %get3A_14 = arith.constant 0 : index
    %get3A_15 = arith.constant 0 : index
    %get3A_16 = vector.load %arg1[%get3A_14, %get3A_15] : memref<1000x128xf32, #tpu.memory_space<vmem>>, vector<1000x128xf32>
    %get3A_17 = arith.constant 0 : index
    %get3A_18 = arith.constant 0 : index
    %get3A_19 = vector.load %arg2[%get3A_17, %get3A_18] : memref<128x128xf32, #tpu.memory_space<vmem>>, vector<128x128xf32>
    %dot_general3A = arith.constant dense<0.000000e+00> : vector<1000x128xf32>
    %dot_general3A_20 = tpu.matmul %get3A_16, %get3A_19, %dot_general3A {dimension_numbers = #tpu.dot_dimension_numbers<[1], [0], [0], [1], [0, 0, 1, 1], [], []>, transpose_lhs_hint = false} : vector<1000x128xf32>, vector<128x128xf32>, vector<1000x128xf32> -> vector<1000x128xf32>
    %mul3A = vector.broadcast %rsqrt3A : vector<1000x1xf32> to vector<1000x128xf32>
    %mul3A_21 = arith.mulf %dot_general3A_20, %mul3A : vector<1000x128xf32>
    %swap3A_22 = arith.constant 0 : index
    %swap3A_23 = arith.constant 0 : index
    %swap3A_24 = vector.load %arg4[%swap3A_22, %swap3A_23] : memref<1000x128xf32, #tpu.memory_space<vmem>>, vector<1000x128xf32>
    tpu.vector_store %arg4[%swap3A_22, %swap3A_23], %mul3A_21 {strides = array<i32>} : memref<1000x128xf32, #tpu.memory_space<vmem>>, vector<1000x128xf32>,
    return
  }
  func.func @transform_0(%arg0: i32) -> (i32, i32) {
    %c0_i32 = arith.constant 0 : i32
    %c0_i32_0 = arith.constant 0 : i32
    return %arg0, %c0_i32 : i32, i32
  }
  func.func @transform_1(%arg0: i32) -> (i32, i32) {
    %c0_i32 = arith.constant 0 : i32
    %c0_i32_0 = arith.constant 0 : i32
    %c0_i32_1 = arith.constant 0 : i32
    return %c0_i32, %c0_i32_0 : i32, i32
  }
  func.func @transform_2(%arg0: i32) -> (i32, i32, i32) {
    %c0_i32 = arith.constant 0 : i32
    %c0_i32_0 = arith.constant 0 : i32
    %c0_i32_1 = arith.constant 0 : i32
    return %c0_i32, %arg0, %c0_i32_0 : i32, i32, i32
  }
  func.func @transform_3(%arg0: i32) -> (i32, i32) {
    %c0_i32 = arith.constant 0 : i32
    %c0_i32_0 = arith.constant 0 : i32
    return %arg0, %c0_i32 : i32, i32
  }
  func.func @transform_4(%arg0: i32) -> (i32, i32) {
    %c0_i32 = arith.constant 0 : i32
    %c0_i32_0 = arith.constant 0 : i32
    return %arg0, %c0_i32 : i32, i32
  }
}

module attributes {stable_mosaic.version = 14 : i64} {
  func.func @_tc2_body(%arg0: i32, %arg1: memref<2x1000x128xf32, #tpu.memory_space<vmem>>, %arg2: memref<1000x128xf32, #tpu.memory_space<vmem>>, %arg3: memref<1000x1xf32, #tpu.memory_space<vmem>>, %arg4: memref<128xf32, #tpu.memory_space<vmem>>, %arg5: memref<128x128xf32, #tpu.memory_space<vmem>>, %arg6: memref<1000x128xf32, #tpu.memory_space<vmem>>) attributes {dimension_semantics = [#tpu.dimension_semantics<arbitrary>], iteration_bounds = array<i64: 10>, scalar_prefetch = 0 : i64, scratch_operands = 0 : i64, tpu.core_type = #tpu.core_type<tc>, window_params = [{transform_indices = @transform_0, window_bounds = array<i64: 2, 1000, 128>}, {transform_indices = @transform_1, window_bounds = array<i64: 1000, 128>}, {transform_indices = @transform_2, window_bounds = array<i64: 1000, 1>}, {pipeline_mode = #tpu.pipeline_mode<synchronous>, transform_indices = @transform_3, window_bounds = array<i64: 128>}, {pipeline_mode = #tpu.pipeline_mode<synchronous>, transform_indices = @transform_4, window_bounds = array<i64: 128, 128>}, {transform_indices = @transform_5, window_bounds = array<i64: 1000, 128>}]} {
    %get3A = arith.constant 0 : index
    %get3A_0 = arith.constant 0 : index
    %get3A_1 = vector.load %arg3[%get3A, %get3A_0] : memref<1000x1xf32, #tpu.memory_space<vmem>>, vector<1000x1xf32>
    %get3A_2 = arith.constant 0 : index
    %get3A_3 = arith.constant 0 : index
    %get3A_4 = arith.constant 0 : index
    %get3A_5 = vector.load %arg1[%get3A_2, %get3A_3, %get3A_4] : memref<2x1000x128xf32, #tpu.memory_space<vmem>>, vector<1x1000x128xf32>
    %get3A_6 = vector.shape_cast %get3A_5 : vector<1x1000x128xf32> to vector<1000x128xf32>
    %get3A_7 = arith.constant 1 : index
    %get3A_8 = arith.constant 0 : index
    %get3A_9 = arith.constant 0 : index
    %get3A_10 = vector.load %arg1[%get3A_7, %get3A_8, %get3A_9] : memref<2x1000x128xf32, #tpu.memory_space<vmem>>, vector<1x1000x128xf32>
    %get3A_11 = vector.shape_cast %get3A_10 : vector<1x1000x128xf32> to vector<1000x128xf32>
    %add3A = arith.addf %get3A_6, %get3A_11 : vector<1000x128xf32>
    %get3A_12 = arith.constant 0 : index
    %get3A_13 = arith.constant 0 : index
    %get3A_14 = vector.load %arg2[%get3A_12, %get3A_13] : memref<1000x128xf32, #tpu.memory_space<vmem>>, vector<1000x128xf32>
    %add3A_15 = arith.addf %add3A, %get3A_14 : vector<1000x128xf32>
    %mul3A = vector.broadcast %get3A_1 : vector<1000x1xf32> to vector<1000x128xf32>
    %mul3A_16 = arith.mulf %mul3A, %add3A_15 : vector<1000x128xf32>
    %get3A_17 = arith.constant 0 : index
    %get3A_18 = vector.load %arg4[%get3A_17] : memref<128xf32, #tpu.memory_space<vmem>>, vector<128xf32>
    %broadcast_in_dim3A = vector.shape_cast %get3A_18 : vector<128xf32> to vector<1x128xf32>
    %add3A_19 = vector.broadcast %broadcast_in_dim3A : vector<1x128xf32> to vector<1000x128xf32>
    %add3A_20 = arith.addf %mul3A_16, %add3A_19 : vector<1000x128xf32>
    %max3A = arith.constant 0.000000e+00 : f32
    %max3A_21 = vector.broadcast %max3A : f32 to vector<1000x128xf32>
    %max3A_22 = arith.maximumf %add3A_20, %max3A_21 : vector<1000x128xf32>
    %get3A_23 = arith.constant 0 : index
    %get3A_24 = arith.constant 0 : index
    %get3A_25 = vector.load %arg5[%get3A_23, %get3A_24] : memref<128x128xf32, #tpu.memory_space<vmem>>, vector<128x128xf32>
    %dot_general3A = arith.constant dense<0.000000e+00> : vector<1000x128xf32>
    %dot_general3A_26 = tpu.matmul %max3A_22, %get3A_25, %dot_general3A {dimension_numbers = #tpu.dot_dimension_numbers<[1], [0], [0], [1], [0, 0, 1, 1], [], []>, transpose_lhs_hint = false} : vector<1000x128xf32>, vector<128x128xf32>, vector<1000x128xf32> -> vector<1000x128xf32>
    %mul3A_27 = vector.broadcast %get3A_1 : vector<1000x1xf32> to vector<1000x128xf32>
    %mul3A_28 = arith.mulf %mul3A_27, %dot_general3A_26 : vector<1000x128xf32>
    %swap3A = arith.constant 0 : index
    %swap3A_29 = arith.constant 0 : index
    %swap3A_30 = vector.load %arg6[%swap3A, %swap3A_29] : memref<1000x128xf32, #tpu.memory_space<vmem>>, vector<1000x128xf32>
    tpu.vector_store %arg6[%swap3A, %swap3A_29], %mul3A_28 {strides = array<i32>} : memref<1000x128xf32, #tpu.memory_space<vmem>>, vector<1000x128xf32>,
    return
  }
  func.func @transform_0(%arg0: i32) -> (i32, i32, i32) {
    %c0_i32 = arith.constant 0 : i32
    %c0_i32_0 = arith.constant 0 : i32
    %c0_i32_1 = arith.constant 0 : i32
    return %c0_i32, %arg0, %c0_i32_0 : i32, i32, i32
  }
  func.func @transform_1(%arg0: i32) -> (i32, i32) {
    %c0_i32 = arith.constant 0 : i32
    %c0_i32_0 = arith.constant 0 : i32
    return %arg0, %c0_i32 : i32, i32
  }
  func.func @transform_2(%arg0: i32) -> (i32, i32) {
    %c0_i32 = arith.constant 0 : i32
    %c0_i32_0 = arith.constant 0 : i32
    return %arg0, %c0_i32 : i32, i32
  }
  func.func @transform_3(%arg0: i32) -> i32 {
    %c0_i32 = arith.constant 0 : i32
    %c0_i32_0 = arith.constant 0 : i32
    return %c0_i32 : i32
  }
  func.func @transform_4(%arg0: i32) -> (i32, i32) {
    %c0_i32 = arith.constant 0 : i32
    %c0_i32_0 = arith.constant 0 : i32
    %c0_i32_1 = arith.constant 0 : i32
    return %c0_i32, %c0_i32_0 : i32, i32
  }
  func.func @transform_5(%arg0: i32) -> (i32, i32) {
    %c0_i32 = arith.constant 0 : i32
    %c0_i32_0 = arith.constant 0 : i32
    return %arg0, %c0_i32 : i32, i32
  }
}

module attributes {stable_mosaic.version = 14 : i64} {
  func.func @_tc3_body(%arg0: i32, %arg1: memref<2x1000x128xf32, #tpu.memory_space<vmem>>, %arg2: memref<1000x128xf32, #tpu.memory_space<vmem>>, %arg3: memref<1000x1xf32, #tpu.memory_space<vmem>>, %arg4: memref<128xf32, #tpu.memory_space<vmem>>, %arg5: memref<1x1x1000xi32, #tpu.memory_space<vmem>>, %arg6: memref<128x2xf32, #tpu.memory_space<vmem>>, %arg7: memref<2xf32, #tpu.memory_space<vmem>>, %arg8: memref<64x2xf32, #tpu.memory_space<vmem>>, %arg9: memref<64x128xf32, #tpu.memory_space<vmem>>) attributes {dimension_semantics = [#tpu.dimension_semantics<arbitrary>], iteration_bounds = array<i64: 10>, scalar_prefetch = 0 : i64, scratch_operands = 1 : i64, tpu.core_type = #tpu.core_type<tc>, window_params = [{transform_indices = @transform_0, window_bounds = array<i64: 2, 1000, 128>}, {transform_indices = @transform_1, window_bounds = array<i64: 1000, 128>}, {transform_indices = @transform_2, window_bounds = array<i64: 1000, 1>}, {pipeline_mode = #tpu.pipeline_mode<synchronous>, transform_indices = @transform_3, window_bounds = array<i64: 128>}, {transform_indices = @transform_4, window_bounds = array<i64: 1, 1, 1000>}, {pipeline_mode = #tpu.pipeline_mode<synchronous>, transform_indices = @transform_5, window_bounds = array<i64: 128, 2>}, {pipeline_mode = #tpu.pipeline_mode<synchronous>, transform_indices = @transform_6, window_bounds = array<i64: 2>}, {pipeline_mode = #tpu.pipeline_mode<synchronous>, transform_indices = @transform_7, window_bounds = array<i64: 64, 2>}]} {
    %eq3A = arith.constant 0 : i32
    %eq3A_0 = arith.cmpi eq, %arg0, %eq3A : i32
    %convert_element_type3A = arith.extui %eq3A_0 : i1 to i32
    %cond3A = arith.constant 0 : i32
    %cond3A_1 = arith.cmpi ne, %convert_element_type3A, %cond3A : i32
    scf.if %cond3A_1 {
      %broadcast_in_dim3A_45 = arith.constant 0.000000e+00 : f32
      %broadcast_in_dim3A_46 = vector.broadcast %broadcast_in_dim3A_45 : f32 to vector<64x128xf32>
      %swap3A_47 = arith.constant 0 : index
      %swap3A_48 = arith.constant 0 : index
      %swap3A_49 = vector.load %arg9[%swap3A_47, %swap3A_48] : memref<64x128xf32, #tpu.memory_space<vmem>>, vector<64x128xf32>
      tpu.vector_store %arg9[%swap3A_47, %swap3A_48], %broadcast_in_dim3A_46 {strides = array<i32>} : memref<64x128xf32, #tpu.memory_space<vmem>>, vector<64x128xf32>,
    } else {
    }
    %get3A = arith.constant 0 : index
    %get3A_2 = arith.constant 0 : index
    %get3A_3 = vector.load %arg3[%get3A, %get3A_2] : memref<1000x1xf32, #tpu.memory_space<vmem>>, vector<1000x1xf32>
    %get3A_4 = arith.constant 0 : index
    %get3A_5 = arith.constant 0 : index
    %get3A_6 = arith.constant 0 : index
    %get3A_7 = vector.load %arg1[%get3A_4, %get3A_5, %get3A_6] : memref<2x1000x128xf32, #tpu.memory_space<vmem>>, vector<1x1000x128xf32>
    %get3A_8 = vector.shape_cast %get3A_7 : vector<1x1000x128xf32> to vector<1000x128xf32>
    %get3A_9 = arith.constant 1 : index
    %get3A_10 = arith.constant 0 : index
    %get3A_11 = arith.constant 0 : index
    %get3A_12 = vector.load %arg1[%get3A_9, %get3A_10, %get3A_11] : memref<2x1000x128xf32, #tpu.memory_space<vmem>>, vector<1x1000x128xf32>
    %get3A_13 = vector.shape_cast %get3A_12 : vector<1x1000x128xf32> to vector<1000x128xf32>
    %add3A = arith.addf %get3A_8, %get3A_13 : vector<1000x128xf32>
    %get3A_14 = arith.constant 0 : index
    %get3A_15 = arith.constant 0 : index
    %get3A_16 = vector.load %arg2[%get3A_14, %get3A_15] : memref<1000x128xf32, #tpu.memory_space<vmem>>, vector<1000x128xf32>
    %add3A_17 = arith.addf %add3A, %get3A_16 : vector<1000x128xf32>
    %mul3A = vector.broadcast %get3A_3 : vector<1000x1xf32> to vector<1000x128xf32>
    %mul3A_18 = arith.mulf %mul3A, %add3A_17 : vector<1000x128xf32>
    %get3A_19 = arith.constant 0 : index
    %get3A_20 = vector.load %arg4[%get3A_19] : memref<128xf32, #tpu.memory_space<vmem>>, vector<128xf32>
    %broadcast_in_dim3A = vector.shape_cast %get3A_20 : vector<128xf32> to vector<1x128xf32>
    %add3A_21 = vector.broadcast %broadcast_in_dim3A : vector<1x128xf32> to vector<1000x128xf32>
    %add3A_22 = arith.addf %mul3A_18, %add3A_21 : vector<1000x128xf32>
    %get3A_23 = arith.constant 0 : index
    %get3A_24 = arith.constant 0 : index
    %get3A_25 = arith.constant 0 : index
    %get3A_26 = vector.load %arg5[%get3A_23, %get3A_24, %get3A_25] : memref<1x1x1000xi32, #tpu.memory_space<vmem>>, vector<1x1x1000xi32>
    %get3A_27 = vector.shape_cast %get3A_26 : vector<1x1x1000xi32> to vector<1000xi32>
    %broadcast_in_dim3A_28 = vector.shape_cast %get3A_27 : vector<1000xi32> to vector<1x1000xi32>
    %iota3A = tpu.iota {dimensions = array<i32: 0>} : vector<64x1000xi32>
    %eq3A_29 = vector.broadcast %broadcast_in_dim3A_28 : vector<1x1000xi32> to vector<64x1000xi32>
    %eq3A_30 = arith.cmpi eq, %eq3A_29, %iota3A : vector<64x1000xi32>
    %get3A_31 = arith.constant 0 : index
    %get3A_32 = arith.constant 0 : index
    %get3A_33 = vector.load %arg9[%get3A_31, %get3A_32] : memref<64x128xf32, #tpu.memory_space<vmem>>, vector<64x128xf32>
    %convert_element_type3A_34 = arith.extui %eq3A_30 : vector<64x1000xi1> to vector<64x1000xi32>
    %convert_element_type3A_35 = arith.sitofp %convert_element_type3A_34 : vector<64x1000xi32> to vector<64x1000xf32>
    %dot_general3A = arith.constant dense<0.000000e+00> : vector<64x128xf32>
    %dot_general3A_36 = tpu.matmul %convert_element_type3A_35, %add3A_22, %dot_general3A {dimension_numbers = #tpu.dot_dimension_numbers<[1], [0], [0], [1], [0, 0, 1, 1], [], []>, precision = #tpu.contract_precision<fp32>, transpose_lhs_hint = false} : vector<64x1000xf32>, vector<1000x128xf32>, vector<64x128xf32> -> vector<64x128xf32>
    %add3A_37 = arith.addf %get3A_33, %dot_general3A_36 : vector<64x128xf32>
    %swap3A = arith.constant 0 : index
    %swap3A_38 = arith.constant 0 : index
    %swap3A_39 = vector.load %arg9[%swap3A, %swap3A_38] : memref<64x128xf32, #tpu.memory_space<vmem>>, vector<64x128xf32>
    tpu.vector_store %arg9[%swap3A, %swap3A_38], %add3A_37 {strides = array<i32>} : memref<64x128xf32, #tpu.memory_space<vmem>>, vector<64x128xf32>,
    %eq3A_40 = arith.constant 9 : i32
    %eq3A_41 = arith.cmpi eq, %arg0, %eq3A_40 : i32
    %convert_element_type3A_42 = arith.extui %eq3A_41 : i1 to i32
    %cond3A_43 = arith.constant 0 : i32
    %cond3A_44 = arith.cmpi ne, %convert_element_type3A_42, %cond3A_43 : i32
    scf.if %cond3A_44 {
      %get3A_45 = arith.constant 0 : index
      %get3A_46 = arith.constant 0 : index
      %get3A_47 = vector.load %arg9[%get3A_45, %get3A_46] : memref<64x128xf32, #tpu.memory_space<vmem>>, vector<64x128xf32>
      %get3A_48 = arith.constant 0 : index
      %get3A_49 = arith.constant 0 : index
      %get3A_50 = vector.load %arg6[%get3A_48, %get3A_49] : memref<128x2xf32, #tpu.memory_space<vmem>>, vector<128x2xf32>
      %dot_general3A_51 = arith.constant dense<0.000000e+00> : vector<64x2xf32>
      %dot_general3A_52 = tpu.matmul %get3A_47, %get3A_50, %dot_general3A_51 {dimension_numbers = #tpu.dot_dimension_numbers<[1], [0], [0], [1], [0, 0, 1, 1], [], []>, transpose_lhs_hint = false} : vector<64x128xf32>, vector<128x2xf32>, vector<64x2xf32> -> vector<64x2xf32>
      %get3A_53 = arith.constant 0 : index
      %get3A_54 = vector.load %arg7[%get3A_53] : memref<2xf32, #tpu.memory_space<vmem>>, vector<2xf32>
      %broadcast_in_dim3A_55 = vector.shape_cast %get3A_54 : vector<2xf32> to vector<1x2xf32>
      %add3A_56 = vector.broadcast %broadcast_in_dim3A_55 : vector<1x2xf32> to vector<64x2xf32>
      %add3A_57 = arith.addf %dot_general3A_52, %add3A_56 : vector<64x2xf32>
      %swap3A_58 = arith.constant 0 : index
      %swap3A_59 = arith.constant 0 : index
      %swap3A_60 = vector.load %arg8[%swap3A_58, %swap3A_59] : memref<64x2xf32, #tpu.memory_space<vmem>>, vector<64x2xf32>
      tpu.vector_store %arg8[%swap3A_58, %swap3A_59], %add3A_57 {strides = array<i32>} : memref<64x2xf32, #tpu.memory_space<vmem>>, vector<64x2xf32>,
    } else {
    }
    return
  }
  func.func @transform_0(%arg0: i32) -> (i32, i32, i32) {
    %c0_i32 = arith.constant 0 : i32
    %c0_i32_0 = arith.constant 0 : i32
    %c0_i32_1 = arith.constant 0 : i32
    return %c0_i32, %arg0, %c0_i32_0 : i32, i32, i32
  }
  func.func @transform_1(%arg0: i32) -> (i32, i32) {
    %c0_i32 = arith.constant 0 : i32
    %c0_i32_0 = arith.constant 0 : i32
    return %arg0, %c0_i32 : i32, i32
  }
  func.func @transform_2(%arg0: i32) -> (i32, i32) {
    %c0_i32 = arith.constant 0 : i32
    %c0_i32_0 = arith.constant 0 : i32
    return %arg0, %c0_i32 : i32, i32
  }
  func.func @transform_3(%arg0: i32) -> i32 {
    %c0_i32 = arith.constant 0 : i32
    %c0_i32_0 = arith.constant 0 : i32
    return %c0_i32 : i32
  }
  func.func @transform_4(%arg0: i32) -> (i32, i32, i32) {
    %c0_i32 = arith.constant 0 : i32
    %c0_i32_0 = arith.constant 0 : i32
    %c0_i32_1 = arith.constant 0 : i32
    return %arg0, %c0_i32, %c0_i32_0 : i32, i32, i32
  }
  func.func @transform_5(%arg0: i32) -> (i32, i32) {
    %c0_i32 = arith.constant 0 : i32
    %c0_i32_0 = arith.constant 0 : i32
    %c0_i32_1 = arith.constant 0 : i32
    return %c0_i32, %c0_i32_0 : i32, i32
  }
  func.func @transform_6(%arg0: i32) -> i32 {
    %c0_i32 = arith.constant 0 : i32
    %c0_i32_0 = arith.constant 0 : i32
    return %c0_i32 : i32
  }
  func.func @transform_7(%arg0: i32) -> (i32, i32) {
    %c0_i32 = arith.constant 0 : i32
    %c0_i32_0 = arith.constant 0 : i32
    %c0_i32_1 = arith.constant 0 : i32
    return %c0_i32, %c0_i32_0 : i32, i32
  }
}

</mosaic_0001>

<sc_bundles>
// kernel: kernel.11.cloned.1.call-start
scs
__scs_entry_jumppad:
0x0: {  	(pc) =	sbr.rel $0x88, $3  }
0x1: {  	(tag) =	ssettag $0x0;
	lr =	simm.s32 $0x1  }
0x2: {  	[smem:$0x3F98] =	sst lr;
	_ =	strace $0xD0000000  }
0x3: {  	_ = 	snop  }
0x4: {  	_ = 	snop  }
0x5: {  	_ = 	snop  }
0x6: {  	_ = 	snop  }
0x7: {  	_ = 	snop  }
__scs_overlays_trampoline_lowered:
0x8: {  	[smem:$0x3FA7] =	sst s0  }
0x9: {  	[smem:$0x3FA8] =	sst s1  }
0xa: {  	[smem:$0x3FA9] =	sst s2  }
0xb: {  	[smem:$0x3FAA] =	sst s3  }
0xc: {  	[smem:$0x3FAB] =	sst s4  }
0xd: {  	[smem:$0x3FAC] =	sst s5  }
0xe: {  	[smem:$0x3FAD] =	sst s6  }
0xf: {  	[smem:$0x3FAE] =	sst s7  }
0x10: {  	[smem:$0x3FAF] =	sst s8  }
0x11: {  	[smem:$0x3FB0] =	sst s9;
	s0 =	simm.s32 @!p0 $0x0  }
0x12: {  	s1 =	sld [smem:$0x3F96];
	s0 =	simm.s32 @p0 $0x1  }
0x13: {  	[smem:$0x3FB1] =	sst s0;
	s0 =	simm.s32 @!p1 $0x0  }
0x14: {  	s2 =	sld [smem:$0x3F95];
	s0 =	simm.s32 @p1 $0x1  }
0x15: {  	[smem:$0x3FB2] =	sst s0;
	s0 =	simm.s32 @!p2 $0x0  }
0x16: {  	s3 =	sld [smem:$0x3FDB];
	s0 =	simm.s32 @p2 $0x1  }
0x17: {  	s4 =	simm.s32 $0x1BF5;
	[smem:$0x3FB4] =	sst s0  }
0x18: {  	s0 =	sld [smem:$0x3F97];
	_ =	swait.ge [sflag:s4], $0x0  }
0x19: {  	s7 =	sld [smem:$0x3F98]  }
0x1a: {  	s8 =	sadd.s32 $0xFFFFE003, lr  }
0x1b: {  	s9 =	sadd.s32 $0xFFFFFEF7, lr;
	s5 =	simm.s32 $0xFFFFFFFF;
	p2 =	slt.u32 s8, $0xFFFFF086  }
0x1c: {  	p1 =	slt.u32 s9, $0xF7A;
	s5 =	simm.s32 @!p2 $0x0  }
0x1d: {  	s5 =	simm.s32 @p1 $0x1;
	p0 =	seq.s32 s7, s2  }
0x1e: {  	s7 =	smul.u32 @!p0 $0xF7A, s2;
	p2 =	seq.s32 @!p0 s5, $0x0  }
0x1f: {  	s9 =	smul.u32 $0xF7A, s1;
	s8 =	simm.s32 @!p0 $0x1BF5;
	p2 =	por !p2, p0  }
0x20: {  	[sflag:s8] =	ssyncset.s32 @!p0 $0xFFFFF086;
	s6 =	sadd.s32 @!p0 s3, s7;
	s7 =	simm.s32 @!p0 $0x108  }
0x21: {  	s3 =	sadd.s32 s3, s9;
	s6 =	sadd.s32 @!p0 $0x88, s6;
	s7 =	simm.s32 @p2 $0x1082  }
0x22: {  	[simem:s7], [sflag:s8] =	dma.local @!p0 [hbm:s6], $0xF7A  }
0x23: {  	s9 =	sor.u32 $0xD0000000, s2;
	s6 =	simm.s32 $0x108;
	_ =	swait.ge @!p0 [sflag:s8], $0x0  }
0x24: {  	s3 =	sadd.s32 $0x88, s3;
	s6 =	simm.s32 @!p1 $0x1082;
	[sflag:s4] =	ssyncset.s32 $0xFFFFF086  }
0x25: {  	[simem:s6], [sflag:s4] =	dma.local [hbm:s3], $0xF7A  }
0x26: {  	[smem:$0x3F98] =	sst s1;
	(tag) =	ssettag s2;
	_ =	strace s9  }
0x27: {  	s1 =	sld [smem:$0x3FA8]  }
0x28: {  	s2 =	sld [smem:$0x3FA9]  }
0x29: {  	s4 =	sld [smem:$0x3FAB]  }
0x2a: {  	p0 =	seq.s32 s5, $0x0;
	s5 =	sld [smem:$0x3FAC]  }
0x2b: {  	s6 =	sld [smem:$0x3FAD]  }
0x2c: {  	s7 =	sld [smem:$0x3FAE]  }
0x2d: {  	s3 =	simm.s32 $0x108;
	s8 =	sld [smem:$0x3FAF]  }
0x2e: {  	s3 =	simm.s32 @!p0 $0x1082;
	s9 =	sld [smem:$0x3FB0]  }
0x2f: {  	lr =	sadd.s32 s0, s3;
	s0 =	sld [smem:$0x3FA7]  }
0x30: {  	s3 =	sld [smem:$0x3FAA]  }
0x31: {  	[smem:$0x3FB3] =	sst s10  }
0x32: {  	s10 =	sld [smem:$0x3FB1];
	_ =	sdelay $0x3  }
0x33: {  	p0 =	seq.s32 s10, $0x1;
	s10 =	sld [smem:$0x3FB3];
	_ =	sdelay $0x3  }
0x34: {  	[smem:$0x3FB3] =	sst s10  }
0x35: {  	s10 =	sld [smem:$0x3FB2];
	_ =	sdelay $0x3  }
0x36: {  	p1 =	seq.s32 s10, $0x1;
	s10 =	sld [smem:$0x3FB3];
	_ =	sdelay $0x3  }
0x37: {  	[smem:$0x3FB3] =	sst s10  }
0x38: {  	s10 =	sld [smem:$0x3FB4]  }
0x39: {  	_ = 	snop;
	(pc) =	sbr.ind lr, $3  }
0x3a: {  	_ = 	snop  }
0x3b: {  	_ = 	snop  }
0x3c: {  	p2 =	seq.s32 s10, $0x1;
	s10 =	sld [smem:$0x3FB3]  }
0x3d: {  	_ =	shalt  }
0x3e: {  	_ =	shalt  }
0x3f: {  	_ =	shalt  }
0x40: {  	_ =	shalt  }
0x41: {  	_ =	shalt  }
0x42: {  	_ =	shalt  }
0x43: {  	_ =	shalt  }
0x44: {  	_ =	shalt  }
0x45: {  	_ =	shalt  }
0x46: {  	_ =	shalt  }
0x47: {  	_ =	shalt  }
0x48: {  	_ =	shalt  }
0x49: {  	_ =	shalt  }
0x4a: {  	_ =	shalt  }
0x4b: {  	_ =	shalt  }
0x4c: {  	_ =	shalt  }
0x4d: {  	_ =	shalt  }
0x4e: {  	_ =	shalt  }
0x4f: {  	_ =	shalt  }
0x50: {  	_ =	shalt  }
0x51: {  	_ =	shalt  }
0x52: {  	_ =	shalt  }
0x53: {  	_ =	shalt  }
0x54: {  	_ =	shalt  }
0x55: {  	_ =	shalt  }
0x56: {  	_ =	shalt  }
0x57: {  	_ =	shalt  }
0x58: {  	_ =	shalt  }
0x59: {  	_ =	shalt  }
0x5a: {  	_ =	shalt  }
0x5b: {  	_ =	shalt  }
0x5c: {  	_ =	shalt  }
0x5d: {  	_ =	shalt  }
0x5e: {  	_ =	shalt  }
0x5f: {  	_ =	shalt  }
0x60: {  	_ =	shalt  }
0x61: {  	_ =	shalt  }
0x62: {  	_ =	shalt  }
0x63: {  	_ =	shalt  }
0x64: {  	_ =	shalt  }
0x65: {  	_ =	shalt  }
0x66: {  	_ =	shalt  }
0x67: {  	_ =	shalt  }
0x68: {  	_ =	shalt  }
0x69: {  	_ =	shalt  }
0x6a: {  	_ =	shalt  }
0x6b: {  	_ =	shalt  }
0x6c: {  	_ =	shalt  }
0x6d: {  	_ =	shalt  }
0x6e: {  	_ =	shalt  }
0x6f: {  	_ =	shalt  }
0x70: {  	_ =	shalt  }
0x71: {  	_ =	shalt  }
0x72: {  	_ =	shalt  }
0x73: {  	_ =	shalt  }
0x74: {  	_ =	shalt  }
0x75: {  	_ =	shalt  }
0x76: {  	_ =	shalt  }
0x77: {  	_ =	shalt  }
0x78: {  	_ =	shalt  }
0x79: {  	_ =	shalt  }
0x7a: {  	_ =	shalt  }
0x7b: {  	_ =	shalt  }
0x7c: {  	_ =	shalt  }
0x7d: {  	_ =	shalt  }
0x7e: {  	_ =	shalt  }
0x7f: {  	_ =	shalt  }
0x80: {  	_ =	shalt  }
0x81: {  	_ =	shalt  }
0x82: {  	_ =	shalt  }
0x83: {  	_ =	shalt  }
0x84: {  	_ =	shalt  }
0x85: {  	_ =	shalt  }
0x86: {  	_ =	shalt  }
0x87: {  	_ =	shalt  }
.Lfunc_end0:
.L_simem_size_0:
called_computation.1_lowered:
.L_overlay_start_0:
0x88: {  	s2 =	sld [smem:$0x3FD9]  }
0x89: {  	s3 =	sld [smem:$0x3FFE];
	_ =	sdelay $0x1  }
0x8a: {  	s1 =	srdreg.scid  }
0x8b: {  	s0 =	sand.u32 $0x1, s1  }
0x8c: {  	s16 =	sshll.u32 s0, $0xA;
	s2 =	sadd.s32 s3, s2  }
0x8d: {  	s2 =	sadd.s32 s2, s16  }
0x8e: {  	[smem:$0x3FBF] =	sst s2  }
0x8f: {  	_ = 	snop  }
0x90: {  	(tm) =	ssettm $0x1  }
0x91: {  	s17 =	sld [smem:$0x3FFB];
	_ =	sdelay $0x3  }
0x92: {  	_ =	strace s17  }
0x93: {  	s2 =	sld [smem:$0x3FFC];
	_ =	sdelay $0x3  }
0x94: {  	_ =	strace s2  }
0x95: {  	s2 =	sld [smem:$0x3FFD];
	_ =	sdelay $0x3  }
0x96: {  	_ =	strace s2  }
0x97: {  	_ =	strace $0x8FFFFFFF  }
0x98: {  	s18 =	sld [smem:$0x3FDB];
	_ =	sdelay $0x1  }
0x99: {  	s19 =	simm.s32 $_scs_section_size  }
0x9a: {  	s4 =	simm.s32 $_size__tile_overlayer_lowered;
	s5 =	simm.s32 $_tile_overlayer_lowered  }
0x9b: {  	s22 =	simm.s32 $0x1BFF;
	s21 =	sshll.u32 s5, $0x1;
	s2 =	sadd.s32 s19, s18  }
0x9c: {  	s6 =	simm.s32 $0x0;
	s20 =	sshll.u32 s4, $0x1;
	s4 =	sadd.s32 s21, s2  }
0x9d: {  	[timem:s6], [sflag:s22] =	dma.local [hbm:s4], s20  }
0x9e: {  	_ =	swait.ge [sflag:s22], s20  }
0x9f: {  	s3 =	ssub.s32 $0x0, s20;
	[sflag:s22] =	ssyncset.done $0x0  }
0xa0: {  	[sflag:s22] =	ssyncadd.s32 s3;
	_ =	sdelay $0x1  }
0xa1: {  	s23 =	simm.s32 $0x1B8B  }
0xa2: {  	_ =	swait.ge [sflag:s23], $0x1  }
0xa3: {  	[sflag:s23] =	ssyncset.done $0x0  }
0xa4: {  	s25 =	simm.s32 $0x1B8E;
	s24 =	sld [smem:$0x3FFE];
	[sflag:s23] =	ssyncadd.s32 $0xFFFFFFFF  }
0xa5: {  	s26 =	simm.s32 $execute0_lowered;
	[smem:$0x3FD2] =	sst s25  }
0xa6: {  	s4 =	sshll.u32 s26, $0x1;
	_ =	strace $0x80000049;
	[dreg:$0x1] =	wrdreg $0xFFFFFFFF  }
0xa7: {  	s28 =	simm.s32 $_size_execute0_lowered;
	s2 =	sadd.s32 s2, s4;
	[dreg:$0x0] =	wrdreg $0x0  }
0xa8: {  	s4 =	sshll.u32 s28, $0x1;
	[dreg:$0x2] =	wrdreg s2  }
0xa9: {  	[dreg:$0x3] =	wrdreg s4  }
0xaa: {  	[dreg:$0x4] =	wrdreg $0xC0  }
0xab: {  	_ =	task [dreg:s6], $0x5FFFF  }
0xac: {  	[dreg:$0x1] =	wrdreg $0xFFFFFFFF  }
0xad: {  	[dreg:$0x0] =	wrdreg $0x60  }
0xae: {  	[dreg:$0x2] =	wrdreg s24  }
0xaf: {  	[dreg:$0x3] =	wrdreg $0xC4000  }
0xb0: {  	[dreg:$0x4] =	wrdreg $0x9  }
0xb1: {  	_ =	task.clear_ibuf [dreg:s6], $0x5FFFF;
	_ =	strace $0x90000049  }
0xb2: {  	s29 =	simm.s32 $0x9;
	_ =	strace $0x8000004B  }
0xb3: {  	_ =	swait.ge [sflag:s29], $0x1  }
0xb4: {  	[sflag:s29] =	ssyncadd.s32 $0xFFFFFFFF  }
0xb5: {  	_ =	strace $0x9000004B  }
0xb6: {  	_ =	sfence  }
0xb7: {  	s30 =	sld [smem:$0x0];
	_ =	sdelay $0x2  }
0xb8: {  	s31 =	sshll.u32 s1, $0xD;
	s1 =	sshrl.u32 s1, $0x2  }
0xb9: {  	s3 =	sand.u32 $0x4000, s31;
	s1 =	sadd.s32 s1, s30  }
0xba: {  	s0 =	sor.u32 s3, s0;
	s1 =	sshll.u32 s1, $0x11  }
0xbb: {  	s0 =	sor.u32 s1, s0  }
0xbc: {  	s0 =	sadd.s32 $0x8F2B, s0  }
0xbd: {  	[sflag:s0] =	ssyncadd.remote.s32 $0x1  }
0xbe: {  	_ =	sfence.sel $0xFFFF  }
0xbf: {  	[dreg:$0x0] =	wrdreg $0xFFFFFFFF;
	(pc) =	sbr.abs _section_cstart, $3  }
0xc0: {  	[dreg:$0x1] =	wrdreg $0xFFFFFFFF  }
0xc1: {  	_ =	task.clear_ibuf [dreg:s6], $0x2FFFF;
	_ =	strace $0x9FFFFFFF  }
0xc2: {  	(tm) =	ssettm $0x7FFFFFFF  }
0xc3: {  	_ =	shalt  }
tec
execute0_lowered:
.L_overlay_start_1:
0x0: {  	(tag) =	ssettag $0x1  }
0x1: {  	s0 =	rddreg [dreg:$0x0]  }
0x2: {  	s2 =	rddreg [dreg:$0x1];
	s3 =	simm.s32 $0x0;
	s14 =	stileid.u32  }
0x3: {  	s8 =	srdreg.scid;
	s29 =	simm.s32 $0x7;
	s30 =	simm.s32 $0x180  }
0x4: {  	s31 =	simm.s32 $0x80;
	[smem:$0x7FF] =	sst s3;
	s1 =	smul.u32 $0x13800, s14  }
0x5: {  	s4 =	sadd.s32 $0xC400, s0;
	s5 =	sadd.s32 $0x2600, s0;
	s6 =	sadd.s32 $0x16200, s0  }
0x6: {  	s8 =	sand.u32 $0x1, s8;
	s10 =	sshll.u32 s14, $0x1;
	s11 =	smul.u32 $0x4E000, s14  }
0x7: {  	s12 =	sadd.s32 $0x64600, s0;
	s22 =	sshll.u32 s14, $0x6;
	s17 =	smul.u32 $0x4E20, s14  }
0x8: {  	p0 =	sne.s32 s14, $0xF;
	s14 =	simm.s32 $0x5;
	_ =	strace $0x8000004A  }
0x9: {  	s9 =	ssub.s32 $0x2, s8;
	s10 =	sor.u32 s8, s10;
	s15 =	smul.u32 $0x138800, s8  }
0xa: {  	s8 =	smul.u32 $0x2710, s8;
	s7 =	sshrl.u32 s1, $0x3;
	s13 =	sshrl.u32 s9, $0x1  }
0xb: {  	s10 =	smul.u32 $0x2710, s10;
	s21 =	sshrl.u32 s11, $0x2;
	s7 =	sadd.s32 s7, s0  }
0xc: {  	s13 =	ssub.s32 s9, s13;
	s9 =	sadd.s32 s21, s2;
	s0 =	sadd.s32 $0x64400, s0  }
0xd: {  	s19 =	sadd.s32 s1, s15;
	s20 =	sshrl.u32 s15, $0x3;
	[dreg:$0x3] =	wrdreg s9  }
0xe: {  	s15 =	simm.s32 $0x3;
	s7 =	sadd.s32 $0x3D400, s7;
	[dreg:$0x6] =	wrdreg s0  }
0xf: {  	s9 =	sor.u32 $0x1C07, s22;
	s23 =	sshrl.u32 s10, $0x3;
	[dreg:$0x4] =	wrdreg s7  }
0x10: {  	s21 =	sadd.s32 s12, s20;
	s24 =	sadd.s32 s4, s23;
	[dreg:$0x5] =	wrdreg s9  }
0x11: {  	s25 =	sadd.s32 s5, s23;
	s26 =	sadd.s32 $0x10, s23;
	[dreg:$0x7] =	wrdreg s24  }
0x12: {  	s20 =	simm.s32 $0x0;
	[dreg:$0x8] =	wrdreg s25;
	s28 =	sadd.s32 s4, s26  }
0x13: {  	s11 =	sadd.s32 $0x20, s23;
	s7 =	sadd.s32 s5, s26;
	[dreg:$0x9] =	wrdreg s28  }
0x14: {  	s0 =	sadd.s32 $0x4E0, s23;
	s16 =	sadd.s32 s4, s11;
	[dreg:$0xa] =	wrdreg s7  }
0x15: {  	s10 =	sadd.s32 s5, s11;
	s18 =	sadd.s32 s4, s0;
	[dreg:$0xb] =	wrdreg s16  }
0x16: {  	s0 =	sadd.s32 s5, s0;
	s25 =	smax.u32 s13, $0x1;
	[dreg:$0xc] =	wrdreg s10  }
0x17: {  	s11 =	simm.s32 $0x4;
	s13 =	simm.s32 $0x4300;
	[dreg:$0xd] =	wrdreg s18  }
0x18: {  	[dreg:$0xe] =	wrdreg s0;
	s0 =	sshrl.u32 s19, $0x3;
	s7 =	sadd.s32 s8, s17  }
0x19: {  	[dreg:$0x11] =	wrdreg s25;
	s28 =	sadd.s32 $0x138000, s2;
	s10 =	simm.s32 $0x300  }
0x1a: {  	s16 =	simm.s32 $0x8300;
	s0 =	sadd.s32 s12, s0;
	s22 =	sadd.s32 $0x280, s7  }
0x1b: {  	s24 =	sadd.s32 $0x200, s7;
	s26 =	sadd.s32 $0x180, s7;
	[dreg:$0x13] =	wrdreg s28  }
.Ltmp0:
0x1c: {  	s7 =	simm.s32 $0x280;
	[dreg:$0xf] =	wrdreg s0;
	(pc) =	sbr.rel .LBB2_1-.Ltmp0, $4  }
0x1d: {  	s12 =	simm.s32 $0x2;
	s0 =	sadd.s32 $0x27000, s21;
	[dreg:$0x12] =	wrdreg s26  }
0x1e: {  	s23 =	sshrl.u32 s22, $0x3;
	s1 =	sshrl.u32 s24, $0x3;
	[dreg:$0x10] =	wrdreg s0  }
0x1f: {  	s22 =	sadd.s32 s23, s5;
	s23 =	sadd.s32 s23, s4;
	s24 =	sadd.s32 s1, s5  }
0x20: {  	s25 =	sadd.s32 s1, s4;
	s0 =	simm.s32 $0x200;
	s1 =	simm.s32 $0x100  }
.LBB2_4:
0x21: {  	s8 =	rddreg [dreg:$0xd];
	s9 =	simm.s32 $0xC300  }
0x22: {  	[tilespmem:s9], [sflag:$0x7] =	stream.linear.gather [hbm4b:s8+s3], $0x10, $0x38;
	[tilespmem:$0x1FC80] =	vst v63  }
0x23: {  	_ =	swait.ge [sflag:s29], $0x10  }
0x24: {  	[sflag:s29] =	ssyncset.done $0x0  }
0x25: {  	s17 =	simm.s32 $0xC380;
	s28 =	rddreg [dreg:$0xe];
	[sflag:s29] =	ssyncadd.s32 $0xFFFFFFF0  }
0x26: {  	[tilespmem:s17], [sflag:$0x7] =	stream.linear.gather [hbm4b:s28+s3], $0x10, $0x38;
	[tilespmem:$0x1FC80] =	vst v63  }
0x27: {  	_ =	swait.ge [sflag:s29], $0x10  }
0x28: {  	[sflag:s29] =	ssyncset.done $0x0  }
0x29: {  	s18 =	simm.s32 $0x10;
	[sflag:s29] =	ssyncadd.s32 $0xFFFFFFF0  }
0x2a: {  	[tilespmem:s10], [sflag:$0x4] =	stream.indirect.gather [hbm4b:s6+s18], $0x80, s9, s18, $0xb8;
	[tilespmem:$0x1FC80] =	vst v63  }
0x2b: {  	_ =	swait.ge [sflag:s11], $0x800  }
0x2c: {  	[sflag:s11] =	ssyncset.done $0x0  }
0x2d: {  	[sflag:s11] =	ssyncadd.s32 $0xFFFFF800  }
0x2e: {  	[spmem:s2] =	stream.indirect.scatter.add.f32 [tilespmem:s10], [sflag:$0x7], $0x80, s17, s18, $0xb8;
	[tilespmem:$0x1FC80] =	vst v63  }
0x2f: {  	_ =	swait.ge [sflag:s29], $0x800  }
0x30: {  	[sflag:s29] =	ssyncset.done $0x0  }
0x31: {  	[sflag:s29] =	ssyncadd.s32 $0xFFFFF800  }
0x32: {  	[bflag:$0x0] =	sbarrier.arrive $0xFFFF  }
0x33: {  	s9 =	rddreg [dreg:$0x5]  }
0x34: {  	s19 =	rddreg [dreg:$0xf]  }
0x35: {  	[hbm:s19], [sflag:s9] =	dma.local [spmem:s21], $0x2700  }
0x36: {  	_ =	swait.ge [sflag:s29], $0x2700  }
0x37: {  	[sflag:s29] =	ssyncset.done $0x0  }
0x38: {  	s8 =	rddreg [dreg:$0x10];
	[sflag:s29] =	ssyncadd.s32 $0xFFFFD900  }
0x39: {  	[hbm:s8], [sflag:s9] =	dma.local @!p0 [spmem:s26], $0x100  }
0x3a: {  	s8 =	simm.s32 @!p0 $0x7  }
0x3b: {  	_ =	swait.ge @!p0 [sflag:s8], $0x100  }
0x3c: {  	s20 =	sadd.s32 $0x1, s20;
	s28 =	rddreg [dreg:$0x11]  }
0x3d: {  	p1 =	sne.s32 s20, s28  }
.Ltmp1:
0x3e: {  	_ = 	snop;
	(pc) =	sbr.rel @!p1 .LBB2_5-.Ltmp1, $3  }
0x3f: {  	_ =	sdelay $0x1  }
0x40: {  	[sflag:s8] =	ssyncset.done @!p0 $0x0  }
0x41: {  	[sflag:s8] =	ssyncadd.s32 @!p0 $0xFFFFFF00  }
.LBB2_1:
0x42: {  	s8 =	rddreg [dreg:$0x3]  }
0x43: {  	s26 =	rddreg [dreg:$0x4];
	s21 =	sshrl.u32 s8, $0x3  }
0x44: {  	[spmem:s21], [sflag:s9] =	dma.local [hbm:s26], $0x2700  }
0x45: {  	_ =	swait.ge [sflag:s29], $0x2700  }
0x46: {  	s17 =	simm.s32 @!p0 $0x7;
	[sflag:s29] =	ssyncset.done $0x0;
	s8 =	rddreg [dreg:$0x13]  }
0x47: {  	[sflag:s29] =	ssyncadd.s32 $0xFFFFD900;
	s26 =	sshrl.u32 @!p0 s8, $0x3;
	s8 =	rddreg [dreg:$0x6]  }
0x48: {  	[spmem:s26], [sflag:s9] =	dma.local @!p0 [hbm:s8], $0x100  }
0x49: {  	_ =	swait.ge @!p0 [sflag:s17], $0x100  }
0x4a: {  	[sflag:s17] =	ssyncset.done @!p0 $0x0  }
0x4b: {  	[sflag:s17] =	ssyncadd.s32 @!p0 $0xFFFFFF00  }
0x4c: {  	[bflag:$0x0] =	sbarrier.arrive $0xFFFF  }
0x4d: {  	s17 =	rddreg [dreg:$0x7]  }
0x4e: {  	[tilespmem:s3], [sflag:$0x1] =	stream.linear.gather [hbm4b:s17+s3], $0x80, $0x38;
	[tilespmem:$0x1FC80] =	vst v63  }
0x4f: {  	s18 =	rddreg [dreg:$0x8]  }
0x50: {  	[tilespmem:s30], [sflag:$0x1] =	stream.linear.gather [hbm4b:s18+s3], $0x80, $0x38;
	[tilespmem:$0x1FC80] =	vst v63  }
0x51: {  	s19 =	rddreg [dreg:$0x9]  }
0x52: {  	[tilespmem:s31], [sflag:$0x2] =	stream.linear.gather [hbm4b:s19+s3], $0x80, $0x38;
	[tilespmem:$0x1FC80] =	vst v63  }
0x53: {  	s9 =	rddreg [dreg:$0xa]  }
0x54: {  	[tilespmem:s0], [sflag:$0x2] =	stream.linear.gather [hbm4b:s9+s3], $0x80, $0x38;
	[tilespmem:$0x1FC80] =	vst v63  }
0x55: {  	s17 =	rddreg [dreg:$0xb]  }
0x56: {  	[tilespmem:s1], [sflag:$0x3] =	stream.linear.gather [hbm4b:s17+s3], $0x80, $0x38;
	[tilespmem:$0x1FC80] =	vst v63  }
0x57: {  	s18 =	rddreg [dreg:$0xc];
	s19 =	simm.s32 $0x1  }
0x58: {  	[tilespmem:s7], [sflag:$0x3] =	stream.linear.gather [hbm4b:s18+s3], $0x80, $0x38;
	[tilespmem:$0x1FC80] =	vst v63  }
0x59: {  	_ =	swait.ge [sflag:s19], $0x80  }
0x5a: {  	[sflag:s19] =	ssyncset.done $0x0  }
0x5b: {  	[sflag:s19] =	ssyncadd.s32 $0xFFFFFF80  }
0x5c: {  	_ =	swait.ge [sflag:s19], $0x80  }
0x5d: {  	[sflag:s19] =	ssyncset.done $0x0  }
0x5e: {  	s17 =	simm.s32 $0x0;
	s28 =	rddreg [dreg:$0x12];
	[sflag:s19] =	ssyncadd.s32 $0xFFFFFF80  }
0x5f: {  	[tilespmem:s10], [sflag:$0x4] =	stream.indirect.gather [hbm4b:s6+s31], $0x80, s3, s31, $0xb8;
	[tilespmem:$0x1FC80] =	vst v63  }
.LBB2_2:
0x60: {  	_ =	swait.ge [sflag:s11], $0x4000  }
0x61: {  	[sflag:s11] =	ssyncset.done $0x0  }
0x62: {  	[sflag:s11] =	ssyncadd.s32 $0xFFFFC000  }
0x63: {  	_ =	swait.ge [sflag:s12], $0x80  }
0x64: {  	[sflag:s12] =	ssyncset.done $0x0  }
0x65: {  	[sflag:s12] =	ssyncadd.s32 $0xFFFFFF80  }
0x66: {  	_ =	swait.ge [sflag:s12], $0x80  }
0x67: {  	[sflag:s12] =	ssyncset.done $0x0  }
0x68: {  	[sflag:s12] =	ssyncadd.s32 $0xFFFFFF80  }
0x69: {  	[tilespmem:s13], [sflag:$0x5] =	stream.indirect.gather [hbm4b:s6+s31], $0x80, s31, s31, $0xb8;
	[tilespmem:$0x1FC80] =	vst v63  }
0x6a: {  	_ = 	snop  }
0x6b: {  	[spmem:s2] =	stream.indirect.scatter.add.f32 [tilespmem:s10], [sflag:$0x7], $0x80, s30, s31, $0xb8;
	[tilespmem:$0x1FC80] =	vst v63  }
0x6c: {  	p1 =	seq.s32 s17, $0x4B0;
	_ =	swait.ge [sflag:s29], $0x4000  }
0x6d: {  	s18 =	sshrl.u32 @!p1 s28, $0x3;
	[sflag:s29] =	ssyncset.done $0x0  }
0x6e: {  	s8 =	simm.s32 @!p1 $0x0;
	s19 =	sadd.s32 @!p1 s4, s18;
	[sflag:s29] =	ssyncadd.s32 $0xFFFFC000  }
0x6f: {  	[tilespmem:s8], [sflag:$0x1] =	stream.linear.gather @!p1 [hbm4b:s19+s8], $0x80, $0x38;
	[tilespmem:$0x1FC80] =	vst v63  }
0x70: {  	s18 =	sadd.s32 @!p1 s5, s18;
	s19 =	simm.s32 @!p1 $0x180  }
0x71: {  	[tilespmem:s19], [sflag:$0x1] =	stream.linear.gather @!p1 [hbm4b:s18+s8], $0x80, $0x38;
	[tilespmem:$0x1FC80] =	vst v63  }
0x72: {  	_ =	swait.ge [sflag:s14], $0x4000  }
0x73: {  	[sflag:s14] =	ssyncset.done $0x0  }
0x74: {  	[sflag:s14] =	ssyncadd.s32 $0xFFFFC000  }
0x75: {  	_ =	swait.ge [sflag:s15], $0x80  }
0x76: {  	[sflag:s15] =	ssyncset.done $0x0  }
0x77: {  	[sflag:s15] =	ssyncadd.s32 $0xFFFFFF80  }
0x78: {  	_ =	swait.ge [sflag:s15], $0x80  }
0x79: {  	[sflag:s15] =	ssyncset.done $0x0  }
0x7a: {  	[sflag:s15] =	ssyncadd.s32 $0xFFFFFF80  }
0x7b: {  	[tilespmem:s16], [sflag:$0x6] =	stream.indirect.gather [hbm4b:s6+s31], $0x80, s1, s31, $0xb8;
	[tilespmem:$0x1FC80] =	vst v63  }
0x7c: {  	_ = 	snop  }
0x7d: {  	[spmem:s2] =	stream.indirect.scatter.add.f32 [tilespmem:s13], [sflag:$0x7], $0x80, s0, s31, $0xb8;
	[tilespmem:$0x1FC80] =	vst v63  }
0x7e: {  	p2 =	sne.s32 s17, $0x4B0;
	_ =	swait.ge [sflag:s29], $0x4000  }
0x7f: {  	s8 =	sadd.s32 @p2 s17, s25;
	[sflag:s29] =	ssyncset.done $0x0  }
0x80: {  	s18 =	simm.s32 @p2 $0x0;
	s19 =	simm.s32 @p2 $0x80;
	[sflag:s29] =	ssyncadd.s32 $0xFFFFC000  }
0x81: {  	[tilespmem:s19], [sflag:$0x2] =	stream.linear.gather @p2 [hbm4b:s8+s18], $0x80, $0x38;
	[tilespmem:$0x1FC80] =	vst v63  }
0x82: {  	s9 =	simm.s32 @p2 $0x200;
	s8 =	sadd.s32 @p2 s17, s24  }
0x83: {  	[tilespmem:s9], [sflag:$0x2] =	stream.linear.gather @p2 [hbm4b:s8+s18], $0x80, $0x38;
	[tilespmem:$0x1FC80] =	vst v63  }
0x84: {  	s8 =	simm.s32 @p2 $0x6  }
0x85: {  	_ =	swait.ge @p2 [sflag:s8], $0x4000  }
0x86: {  	[sflag:s8] =	ssyncset.done @p2 $0x0  }
0x87: {  	[sflag:s8] =	ssyncadd.s32 @p2 $0xFFFFC000;
	s8 =	simm.s32 @p2 $0x1  }
0x88: {  	_ =	swait.ge @p2 [sflag:s8], $0x80  }
0x89: {  	[sflag:s8] =	ssyncset.done @p2 $0x0  }
0x8a: {  	[sflag:s8] =	ssyncadd.s32 @p2 $0xFFFFFF80  }
0x8b: {  	_ =	swait.ge @p2 [sflag:s8], $0x80  }
0x8c: {  	[sflag:s8] =	ssyncset.done @p2 $0x0  }
0x8d: {  	[sflag:s8] =	ssyncadd.s32 @p2 $0xFFFFFF80;
	s8 =	simm.s32 @p2 $0x300  }
0x8e: {  	[tilespmem:s8], [sflag:$0x4] =	stream.indirect.gather @p2 [hbm4b:s6+s19], $0x80, s18, s19, $0xb8;
	[tilespmem:$0x1FC80] =	vst v63  }
0x8f: {  	s8 =	simm.s32 @!p2 $0x6  }
0x90: {  	_ =	swait.ge @!p2 [sflag:s8], $0x4000  }
0x91: {  	[sflag:s8] =	ssyncset.done @!p2 $0x0  }
.Ltmp2:
0x92: {  	[sflag:s8] =	ssyncadd.s32 @!p2 $0xFFFFC000;
	(pc) =	sbr.rel @p1 .LBB2_4-.Ltmp2, $4  }
0x93: {  	[spmem:s2] =	stream.indirect.scatter.add.f32 [tilespmem:s16], [sflag:$0x7], $0x80, s7, s31, $0xb8;
	[tilespmem:$0x1FC80] =	vst v63  }
0x94: {  	_ =	swait.ge [sflag:s29], $0x4000  }
0x95: {  	[sflag:s29] =	ssyncset.done $0x0  }
0x96: {  	[sflag:s29] =	ssyncadd.s32 $0xFFFFC000  }
.Ltmp3:
0x97: {  	(pc) =	sbr.rel .LBB2_2-.Ltmp3, $4  }
0x98: {  	s8 =	sadd.s32 s17, s23  }
0x99: {  	[tilespmem:s1], [sflag:$0x3] =	stream.linear.gather [hbm4b:s8+s3], $0x80, $0x38;
	[tilespmem:$0x1FC80] =	vst v63  }
0x9a: {  	s19 =	sadd.s32 s17, s22;
	s17 =	sadd.s32 $0x30, s17;
	s28 =	sadd.s32 $0x180, s28  }
0x9b: {  	[tilespmem:s7], [sflag:$0x3] =	stream.linear.gather [hbm4b:s19+s3], $0x80, $0x38;
	[tilespmem:$0x1FC80] =	vst v63  }
.LBB2_5:
0x9c: {  	_ =	sfence.sel $0x180000  }
0x9d: {  	[bflag:$0x0] =	sbarrier.arrive $0xFFFF  }
0x9e: {  	_ =	strace $0x9000004A  }
0x9f: {  	s0 =	stileid.u32;
	[bflag:$0x2] =	sbarrier.arrive $0xFFFF  }
0xa0: {  	p0 =	sne.s32 s0, $0x0;
	s0 =	rddreg [dreg:$0x2]  }
0xa1: {  	s0 =	sadd.s32 @!p0 $0x100000, s0  }
0xa2: {  	[sflag:s0] =	ssyncadd.tile.s32 @!p0 $0x1;
	_ =	shalt  }
.Lfunc_end2:
_tile_overlayer_lowered:
.L_overlay_start_2:
0xa3: {  	(tag) =	ssettag $0x2  }
0xa4: {  	s0 =	rddreg [dreg:$0x0];
	s2 =	stileid.u32  }
0xa5: {  	s1 =	rddreg [dreg:$0x1];
	p0 =	sne.s32 s2, $0x0  }
0xa6: {  	s3 =	rddreg [dreg:$0x2];
	[bflag:$0x3] =	sbarrier.arrive $0xFFFF;
	s2 =	simm.s32 @!p0 $0x1C07  }
0xa7: {  	[timem:s3], [sflag:s2] =	dma.local @!p0 [hbm:s0], s1  }
0xa8: {  	s0 =	simm.s32 @!p0 $0x7  }
0xa9: {  	_ =	swait.ge @!p0 [sflag:s0], s1  }
0xaa: {  	s1 =	ssub.s32 @!p0 $0x0, s1;
	[sflag:s0] =	ssyncset.done @!p0 $0x0  }
0xab: {  	[sflag:s0] =	ssyncadd.s32 @!p0 s1  }
0xac: {  	[bflag:$0x3] =	sbarrier.arrive $0xFFFF  }
0xad: {  	_ =	shalt  }

// kernel: kernel.14.cloned.1.call-start
scs
__scs_entry_jumppad:
0x0: {  	(pc) =	sbr.rel $0x88, $3  }
0x1: {  	(tag) =	ssettag $0x0;
	lr =	simm.s32 $0x1  }
0x2: {  	[smem:$0x3F98] =	sst lr;
	_ =	strace $0xD0000000  }
0x3: {  	_ = 	snop  }
0x4: {  	_ = 	snop  }
0x5: {  	_ = 	snop  }
0x6: {  	_ = 	snop  }
0x7: {  	_ = 	snop  }
__scs_overlays_trampoline_lowered:
0x8: {  	[smem:$0x3FA7] =	sst s0  }
0x9: {  	[smem:$0x3FA8] =	sst s1  }
0xa: {  	[smem:$0x3FA9] =	sst s2  }
0xb: {  	[smem:$0x3FAA] =	sst s3  }
0xc: {  	[smem:$0x3FAB] =	sst s4  }
0xd: {  	[smem:$0x3FAC] =	sst s5  }
0xe: {  	[smem:$0x3FAD] =	sst s6  }
0xf: {  	[smem:$0x3FAE] =	sst s7  }
0x10: {  	[smem:$0x3FAF] =	sst s8  }
0x11: {  	[smem:$0x3FB0] =	sst s9;
	s0 =	simm.s32 @!p0 $0x0  }
0x12: {  	s1 =	sld [smem:$0x3F96];
	s0 =	simm.s32 @p0 $0x1  }
0x13: {  	[smem:$0x3FB1] =	sst s0;
	s0 =	simm.s32 @!p1 $0x0  }
0x14: {  	s2 =	sld [smem:$0x3F95];
	s0 =	simm.s32 @p1 $0x1  }
0x15: {  	[smem:$0x3FB2] =	sst s0;
	s0 =	simm.s32 @!p2 $0x0  }
0x16: {  	s3 =	sld [smem:$0x3FDB];
	s0 =	simm.s32 @p2 $0x1  }
0x17: {  	s4 =	simm.s32 $0x1BF5;
	[smem:$0x3FB4] =	sst s0  }
0x18: {  	s0 =	sld [smem:$0x3F97];
	_ =	swait.ge [sflag:s4], $0x0  }
0x19: {  	s7 =	sld [smem:$0x3F98]  }
0x1a: {  	s8 =	sadd.s32 $0xFFFFE003, lr  }
0x1b: {  	s9 =	sadd.s32 $0xFFFFFEF7, lr;
	s5 =	simm.s32 $0xFFFFFFFF;
	p2 =	slt.u32 s8, $0xFFFFF086  }
0x1c: {  	p1 =	slt.u32 s9, $0xF7A;
	s5 =	simm.s32 @!p2 $0x0  }
0x1d: {  	s5 =	simm.s32 @p1 $0x1;
	p0 =	seq.s32 s7, s2  }
0x1e: {  	s7 =	smul.u32 @!p0 $0xF7A, s2;
	p2 =	seq.s32 @!p0 s5, $0x0  }
0x1f: {  	s9 =	smul.u32 $0xF7A, s1;
	s8 =	simm.s32 @!p0 $0x1BF5;
	p2 =	por !p2, p0  }
0x20: {  	[sflag:s8] =	ssyncset.s32 @!p0 $0xFFFFF086;
	s6 =	sadd.s32 @!p0 s3, s7;
	s7 =	simm.s32 @!p0 $0x108  }
0x21: {  	s3 =	sadd.s32 s3, s9;
	s6 =	sadd.s32 @!p0 $0x88, s6;
	s7 =	simm.s32 @p2 $0x1082  }
0x22: {  	[simem:s7], [sflag:s8] =	dma.local @!p0 [hbm:s6], $0xF7A  }
0x23: {  	s9 =	sor.u32 $0xD0000000, s2;
	s6 =	simm.s32 $0x108;
	_ =	swait.ge @!p0 [sflag:s8], $0x0  }
0x24: {  	s3 =	sadd.s32 $0x88, s3;
	s6 =	simm.s32 @!p1 $0x1082;
	[sflag:s4] =	ssyncset.s32 $0xFFFFF086  }
0x25: {  	[simem:s6], [sflag:s4] =	dma.local [hbm:s3], $0xF7A  }
0x26: {  	[smem:$0x3F98] =	sst s1;
	(tag) =	ssettag s2;
	_ =	strace s9  }
0x27: {  	s1 =	sld [smem:$0x3FA8]  }
0x28: {  	s2 =	sld [smem:$0x3FA9]  }
0x29: {  	s4 =	sld [smem:$0x3FAB]  }
0x2a: {  	p0 =	seq.s32 s5, $0x0;
	s5 =	sld [smem:$0x3FAC]  }
0x2b: {  	s6 =	sld [smem:$0x3FAD]  }
0x2c: {  	s7 =	sld [smem:$0x3FAE]  }
0x2d: {  	s3 =	simm.s32 $0x108;
	s8 =	sld [smem:$0x3FAF]  }
0x2e: {  	s3 =	simm.s32 @!p0 $0x1082;
	s9 =	sld [smem:$0x3FB0]  }
0x2f: {  	lr =	sadd.s32 s0, s3;
	s0 =	sld [smem:$0x3FA7]  }
0x30: {  	s3 =	sld [smem:$0x3FAA]  }
0x31: {  	[smem:$0x3FB3] =	sst s10  }
0x32: {  	s10 =	sld [smem:$0x3FB1];
	_ =	sdelay $0x3  }
0x33: {  	p0 =	seq.s32 s10, $0x1;
	s10 =	sld [smem:$0x3FB3];
	_ =	sdelay $0x3  }
0x34: {  	[smem:$0x3FB3] =	sst s10  }
0x35: {  	s10 =	sld [smem:$0x3FB2];
	_ =	sdelay $0x3  }
0x36: {  	p1 =	seq.s32 s10, $0x1;
	s10 =	sld [smem:$0x3FB3];
	_ =	sdelay $0x3  }
0x37: {  	[smem:$0x3FB3] =	sst s10  }
0x38: {  	s10 =	sld [smem:$0x3FB4]  }
0x39: {  	_ = 	snop;
	(pc) =	sbr.ind lr, $3  }
0x3a: {  	_ = 	snop  }
0x3b: {  	_ = 	snop  }
0x3c: {  	p2 =	seq.s32 s10, $0x1;
	s10 =	sld [smem:$0x3FB3]  }
0x3d: {  	_ =	shalt  }
0x3e: {  	_ =	shalt  }
0x3f: {  	_ =	shalt  }
0x40: {  	_ =	shalt  }
0x41: {  	_ =	shalt  }
0x42: {  	_ =	shalt  }
0x43: {  	_ =	shalt  }
0x44: {  	_ =	shalt  }
0x45: {  	_ =	shalt  }
0x46: {  	_ =	shalt  }
0x47: {  	_ =	shalt  }
0x48: {  	_ =	shalt  }
0x49: {  	_ =	shalt  }
0x4a: {  	_ =	shalt  }
0x4b: {  	_ =	shalt  }
0x4c: {  	_ =	shalt  }
0x4d: {  	_ =	shalt  }
0x4e: {  	_ =	shalt  }
0x4f: {  	_ =	shalt  }
0x50: {  	_ =	shalt  }
0x51: {  	_ =	shalt  }
0x52: {  	_ =	shalt  }
0x53: {  	_ =	shalt  }
0x54: {  	_ =	shalt  }
0x55: {  	_ =	shalt  }
0x56: {  	_ =	shalt  }
0x57: {  	_ =	shalt  }
0x58: {  	_ =	shalt  }
0x59: {  	_ =	shalt  }
0x5a: {  	_ =	shalt  }
0x5b: {  	_ =	shalt  }
0x5c: {  	_ =	shalt  }
0x5d: {  	_ =	shalt  }
0x5e: {  	_ =	shalt  }
0x5f: {  	_ =	shalt  }
0x60: {  	_ =	shalt  }
0x61: {  	_ =	shalt  }
0x62: {  	_ =	shalt  }
0x63: {  	_ =	shalt  }
0x64: {  	_ =	shalt  }
0x65: {  	_ =	shalt  }
0x66: {  	_ =	shalt  }
0x67: {  	_ =	shalt  }
0x68: {  	_ =	shalt  }
0x69: {  	_ =	shalt  }
0x6a: {  	_ =	shalt  }
0x6b: {  	_ =	shalt  }
0x6c: {  	_ =	shalt  }
0x6d: {  	_ =	shalt  }
0x6e: {  	_ =	shalt  }
0x6f: {  	_ =	shalt  }
0x70: {  	_ =	shalt  }
0x71: {  	_ =	shalt  }
0x72: {  	_ =	shalt  }
0x73: {  	_ =	shalt  }
0x74: {  	_ =	shalt  }
0x75: {  	_ =	shalt  }
0x76: {  	_ =	shalt  }
0x77: {  	_ =	shalt  }
0x78: {  	_ =	shalt  }
0x79: {  	_ =	shalt  }
0x7a: {  	_ =	shalt  }
0x7b: {  	_ =	shalt  }
0x7c: {  	_ =	shalt  }
0x7d: {  	_ =	shalt  }
0x7e: {  	_ =	shalt  }
0x7f: {  	_ =	shalt  }
0x80: {  	_ =	shalt  }
0x81: {  	_ =	shalt  }
0x82: {  	_ =	shalt  }
0x83: {  	_ =	shalt  }
0x84: {  	_ =	shalt  }
0x85: {  	_ =	shalt  }
0x86: {  	_ =	shalt  }
0x87: {  	_ =	shalt  }
.Lfunc_end0:
.L_simem_size_0:
called_computation.2_lowered:
.L_overlay_start_0:
0x88: {  	s2 =	sld [smem:$0x3FD9]  }
0x89: {  	s3 =	sld [smem:$0x3FFE];
	_ =	sdelay $0x1  }
0x8a: {  	s1 =	srdreg.scid  }
0x8b: {  	s0 =	sand.u32 $0x1, s1  }
0x8c: {  	s16 =	sshll.u32 s0, $0xA;
	s2 =	sadd.s32 s3, s2  }
0x8d: {  	s2 =	sadd.s32 s2, s16  }
0x8e: {  	[smem:$0x3FBF] =	sst s2  }
0x8f: {  	_ = 	snop  }
0x90: {  	(tm) =	ssettm $0x1  }
0x91: {  	s17 =	sld [smem:$0x3FFB];
	_ =	sdelay $0x3  }
0x92: {  	_ =	strace s17  }
0x93: {  	s2 =	sld [smem:$0x3FFC];
	_ =	sdelay $0x3  }
0x94: {  	_ =	strace s2  }
0x95: {  	s2 =	sld [smem:$0x3FFD];
	_ =	sdelay $0x3  }
0x96: {  	_ =	strace s2  }
0x97: {  	_ =	strace $0x8FFFFFFF  }
0x98: {  	s18 =	sld [smem:$0x3FDB];
	_ =	sdelay $0x1  }
0x99: {  	s19 =	simm.s32 $_scs_section_size  }
0x9a: {  	s4 =	simm.s32 $_size__tile_overlayer_lowered;
	s5 =	simm.s32 $_tile_overlayer_lowered  }
0x9b: {  	s22 =	simm.s32 $0x1BFF;
	s21 =	sshll.u32 s5, $0x1;
	s2 =	sadd.s32 s19, s18  }
0x9c: {  	s6 =	simm.s32 $0x0;
	s20 =	sshll.u32 s4, $0x1;
	s4 =	sadd.s32 s21, s2  }
0x9d: {  	[timem:s6], [sflag:s22] =	dma.local [hbm:s4], s20  }
0x9e: {  	_ =	swait.ge [sflag:s22], s20  }
0x9f: {  	s3 =	ssub.s32 $0x0, s20;
	[sflag:s22] =	ssyncset.done $0x0  }
0xa0: {  	[sflag:s22] =	ssyncadd.s32 s3;
	_ =	sdelay $0x1  }
0xa1: {  	s23 =	simm.s32 $0x1B8B  }
0xa2: {  	_ =	swait.ge [sflag:s23], $0x1  }
0xa3: {  	[sflag:s23] =	ssyncset.done $0x0  }
0xa4: {  	s25 =	simm.s32 $0x1B8E;
	s24 =	sld [smem:$0x3FFE];
	[sflag:s23] =	ssyncadd.s32 $0xFFFFFFFF  }
0xa5: {  	s26 =	simm.s32 $execute0_lowered;
	[smem:$0x3FD2] =	sst s25  }
0xa6: {  	s4 =	sshll.u32 s26, $0x1;
	_ =	strace $0x8000004C;
	[dreg:$0x1] =	wrdreg $0xFFFFFFFF  }
0xa7: {  	s28 =	simm.s32 $_size_execute0_lowered;
	s2 =	sadd.s32 s2, s4;
	[dreg:$0x0] =	wrdreg $0x0  }
0xa8: {  	s4 =	sshll.u32 s28, $0x1;
	[dreg:$0x2] =	wrdreg s2  }
0xa9: {  	[dreg:$0x3] =	wrdreg s4  }
0xaa: {  	[dreg:$0x4] =	wrdreg $0xC0  }
0xab: {  	_ =	task [dreg:s6], $0x5FFFF  }
0xac: {  	[dreg:$0x1] =	wrdreg $0xFFFFFFFF  }
0xad: {  	[dreg:$0x0] =	wrdreg $0x60  }
0xae: {  	[dreg:$0x2] =	wrdreg s24  }
0xaf: {  	[dreg:$0x3] =	wrdreg $0xC4000  }
0xb0: {  	[dreg:$0x4] =	wrdreg $0x9  }
0xb1: {  	_ =	task.clear_ibuf [dreg:s6], $0x5FFFF;
	_ =	strace $0x9000004C  }
0xb2: {  	s29 =	simm.s32 $0x9;
	_ =	strace $0x8000004E  }
0xb3: {  	_ =	swait.ge [sflag:s29], $0x1  }
0xb4: {  	[sflag:s29] =	ssyncadd.s32 $0xFFFFFFFF  }
0xb5: {  	_ =	strace $0x9000004E  }
0xb6: {  	_ =	sfence  }
0xb7: {  	s30 =	sld [smem:$0x0];
	_ =	sdelay $0x2  }
0xb8: {  	s31 =	sshll.u32 s1, $0xD;
	s1 =	sshrl.u32 s1, $0x2  }
0xb9: {  	s3 =	sand.u32 $0x4000, s31;
	s1 =	sadd.s32 s1, s30  }
0xba: {  	s0 =	sor.u32 s3, s0;
	s1 =	sshll.u32 s1, $0x11  }
0xbb: {  	s0 =	sor.u32 s1, s0  }
0xbc: {  	s0 =	sadd.s32 $0x8F2B, s0  }
0xbd: {  	[sflag:s0] =	ssyncadd.remote.s32 $0x1  }
0xbe: {  	_ =	sfence.sel $0xFFFF  }
0xbf: {  	[dreg:$0x0] =	wrdreg $0xFFFFFFFF;
	(pc) =	sbr.abs _section_cstart, $3  }
0xc0: {  	[dreg:$0x1] =	wrdreg $0xFFFFFFFF  }
0xc1: {  	_ =	task.clear_ibuf [dreg:s6], $0x2FFFF;
	_ =	strace $0x9FFFFFFF  }
0xc2: {  	(tm) =	ssettm $0x7FFFFFFF  }
0xc3: {  	_ =	shalt  }
tec
execute0_lowered:
.L_overlay_start_1:
0x0: {  	(tag) =	ssettag $0x1  }
0x1: {  	s0 =	rddreg [dreg:$0x0]  }
0x2: {  	s2 =	rddreg [dreg:$0x1];
	s3 =	simm.s32 $0x0;
	s14 =	stileid.u32  }
0x3: {  	s8 =	srdreg.scid;
	s29 =	simm.s32 $0x7;
	s30 =	simm.s32 $0x180  }
0x4: {  	s31 =	simm.s32 $0x80;
	[smem:$0x7FF] =	sst s3;
	s1 =	smul.u32 $0x13800, s14  }
0x5: {  	s4 =	sadd.s32 $0xC400, s0;
	s5 =	sadd.s32 $0x2600, s0;
	s6 =	sadd.s32 $0x16200, s0  }
0x6: {  	s8 =	sand.u32 $0x1, s8;
	s10 =	sshll.u32 s14, $0x1;
	s11 =	smul.u32 $0x4E000, s14  }
0x7: {  	s12 =	sadd.s32 $0x64600, s0;
	s22 =	sshll.u32 s14, $0x6;
	s17 =	smul.u32 $0x4E20, s14  }
0x8: {  	p0 =	sne.s32 s14, $0xF;
	s14 =	simm.s32 $0x5;
	_ =	strace $0x8000004D  }
0x9: {  	s9 =	ssub.s32 $0x2, s8;
	s10 =	sor.u32 s8, s10;
	s15 =	smul.u32 $0x138800, s8  }
0xa: {  	s8 =	smul.u32 $0x2710, s8;
	s7 =	sshrl.u32 s1, $0x3;
	s13 =	sshrl.u32 s9, $0x1  }
0xb: {  	s10 =	smul.u32 $0x2710, s10;
	s21 =	sshrl.u32 s11, $0x2;
	s7 =	sadd.s32 s7, s0  }
0xc: {  	s13 =	ssub.s32 s9, s13;
	s9 =	sadd.s32 s21, s2;
	s0 =	sadd.s32 $0x64400, s0  }
0xd: {  	s19 =	sadd.s32 s1, s15;
	s20 =	sshrl.u32 s15, $0x3;
	[dreg:$0x3] =	wrdreg s9  }
0xe: {  	s15 =	simm.s32 $0x3;
	s7 =	sadd.s32 $0x3D400, s7;
	[dreg:$0x6] =	wrdreg s0  }
0xf: {  	s9 =	sor.u32 $0x1C07, s22;
	s23 =	sshrl.u32 s10, $0x3;
	[dreg:$0x4] =	wrdreg s7  }
0x10: {  	s21 =	sadd.s32 s12, s20;
	s24 =	sadd.s32 s4, s23;
	[dreg:$0x5] =	wrdreg s9  }
0x11: {  	s25 =	sadd.s32 s5, s23;
	s26 =	sadd.s32 $0x10, s23;
	[dreg:$0x7] =	wrdreg s24  }
0x12: {  	s20 =	simm.s32 $0x0;
	[dreg:$0x8] =	wrdreg s25;
	s28 =	sadd.s32 s4, s26  }
0x13: {  	s11 =	sadd.s32 $0x20, s23;
	s7 =	sadd.s32 s5, s26;
	[dreg:$0x9] =	wrdreg s28  }
0x14: {  	s0 =	sadd.s32 $0x4E0, s23;
	s16 =	sadd.s32 s4, s11;
	[dreg:$0xa] =	wrdreg s7  }
0x15: {  	s10 =	sadd.s32 s5, s11;
	s18 =	sadd.s32 s4, s0;
	[dreg:$0xb] =	wrdreg s16  }
0x16: {  	s0 =	sadd.s32 s5, s0;
	s25 =	smax.u32 s13, $0x1;
	[dreg:$0xc] =	wrdreg s10  }
0x17: {  	s11 =	simm.s32 $0x4;
	s13 =	simm.s32 $0x4300;
	[dreg:$0xd] =	wrdreg s18  }
0x18: {  	[dreg:$0xe] =	wrdreg s0;
	s0 =	sshrl.u32 s19, $0x3;
	s7 =	sadd.s32 s8, s17  }
0x19: {  	[dreg:$0x11] =	wrdreg s25;
	s28 =	sadd.s32 $0x138000, s2;
	s10 =	simm.s32 $0x300  }
0x1a: {  	s16 =	simm.s32 $0x8300;
	s0 =	sadd.s32 s12, s0;
	s22 =	sadd.s32 $0x280, s7  }
0x1b: {  	s24 =	sadd.s32 $0x200, s7;
	s26 =	sadd.s32 $0x180, s7;
	[dreg:$0x13] =	wrdreg s28  }
.Ltmp0:
0x1c: {  	s7 =	simm.s32 $0x280;
	[dreg:$0xf] =	wrdreg s0;
	(pc) =	sbr.rel .LBB2_1-.Ltmp0, $4  }
0x1d: {  	s12 =	simm.s32 $0x2;
	s0 =	sadd.s32 $0x27000, s21;
	[dreg:$0x12] =	wrdreg s26  }
0x1e: {  	s23 =	sshrl.u32 s22, $0x3;
	s1 =	sshrl.u32 s24, $0x3;
	[dreg:$0x10] =	wrdreg s0  }
0x1f: {  	s22 =	sadd.s32 s23, s5;
	s23 =	sadd.s32 s23, s4;
	s24 =	sadd.s32 s1, s5  }
0x20: {  	s25 =	sadd.s32 s1, s4;
	s0 =	simm.s32 $0x200;
	s1 =	simm.s32 $0x100  }
.LBB2_4:
0x21: {  	s8 =	rddreg [dreg:$0xd];
	s9 =	simm.s32 $0xC300  }
0x22: {  	[tilespmem:s9], [sflag:$0x7] =	stream.linear.gather [hbm4b:s8+s3], $0x10, $0x38;
	[tilespmem:$0x1FC80] =	vst v63  }
0x23: {  	_ =	swait.ge [sflag:s29], $0x10  }
0x24: {  	[sflag:s29] =	ssyncset.done $0x0  }
0x25: {  	s17 =	simm.s32 $0xC380;
	s28 =	rddreg [dreg:$0xe];
	[sflag:s29] =	ssyncadd.s32 $0xFFFFFFF0  }
0x26: {  	[tilespmem:s17], [sflag:$0x7] =	stream.linear.gather [hbm4b:s28+s3], $0x10, $0x38;
	[tilespmem:$0x1FC80] =	vst v63  }
0x27: {  	_ =	swait.ge [sflag:s29], $0x10  }
0x28: {  	[sflag:s29] =	ssyncset.done $0x0  }
0x29: {  	s18 =	simm.s32 $0x10;
	[sflag:s29] =	ssyncadd.s32 $0xFFFFFFF0  }
0x2a: {  	[tilespmem:s10], [sflag:$0x4] =	stream.indirect.gather [hbm4b:s6+s18], $0x80, s9, s18, $0xb8;
	[tilespmem:$0x1FC80] =	vst v63  }
0x2b: {  	_ =	swait.ge [sflag:s11], $0x800  }
0x2c: {  	[sflag:s11] =	ssyncset.done $0x0  }
0x2d: {  	[sflag:s11] =	ssyncadd.s32 $0xFFFFF800  }
0x2e: {  	[spmem:s2] =	stream.indirect.scatter.add.f32 [tilespmem:s10], [sflag:$0x7], $0x80, s17, s18, $0xb8;
	[tilespmem:$0x1FC80] =	vst v63  }
0x2f: {  	_ =	swait.ge [sflag:s29], $0x800  }
0x30: {  	[sflag:s29] =	ssyncset.done $0x0  }
0x31: {  	[sflag:s29] =	ssyncadd.s32 $0xFFFFF800  }
0x32: {  	[bflag:$0x0] =	sbarrier.arrive $0xFFFF  }
0x33: {  	s9 =	rddreg [dreg:$0x5]  }
0x34: {  	s19 =	rddreg [dreg:$0xf]  }
0x35: {  	[hbm:s19], [sflag:s9] =	dma.local [spmem:s21], $0x2700  }
0x36: {  	_ =	swait.ge [sflag:s29], $0x2700  }
0x37: {  	[sflag:s29] =	ssyncset.done $0x0  }
0x38: {  	s8 =	rddreg [dreg:$0x10];
	[sflag:s29] =	ssyncadd.s32 $0xFFFFD900  }
0x39: {  	[hbm:s8], [sflag:s9] =	dma.local @!p0 [spmem:s26], $0x100  }
0x3a: {  	s8 =	simm.s32 @!p0 $0x7  }
0x3b: {  	_ =	swait.ge @!p0 [sflag:s8], $0x100  }
0x3c: {  	s20 =	sadd.s32 $0x1, s20;
	s28 =	rddreg [dreg:$0x11]  }
0x3d: {  	p1 =	sne.s32 s20, s28  }
.Ltmp1:
0x3e: {  	_ = 	snop;
	(pc) =	sbr.rel @!p1 .LBB2_5-.Ltmp1, $3  }
0x3f: {  	_ =	sdelay $0x1  }
0x40: {  	[sflag:s8] =	ssyncset.done @!p0 $0x0  }
0x41: {  	[sflag:s8] =	ssyncadd.s32 @!p0 $0xFFFFFF00  }
.LBB2_1:
0x42: {  	s8 =	rddreg [dreg:$0x3]  }
0x43: {  	s26 =	rddreg [dreg:$0x4];
	s21 =	sshrl.u32 s8, $0x3  }
0x44: {  	[spmem:s21], [sflag:s9] =	dma.local [hbm:s26], $0x2700  }
0x45: {  	_ =	swait.ge [sflag:s29], $0x2700  }
0x46: {  	s17 =	simm.s32 @!p0 $0x7;
	[sflag:s29] =	ssyncset.done $0x0;
	s8 =	rddreg [dreg:$0x13]  }
0x47: {  	[sflag:s29] =	ssyncadd.s32 $0xFFFFD900;
	s26 =	sshrl.u32 @!p0 s8, $0x3;
	s8 =	rddreg [dreg:$0x6]  }
0x48: {  	[spmem:s26], [sflag:s9] =	dma.local @!p0 [hbm:s8], $0x100  }
0x49: {  	_ =	swait.ge @!p0 [sflag:s17], $0x100  }
0x4a: {  	[sflag:s17] =	ssyncset.done @!p0 $0x0  }
0x4b: {  	[sflag:s17] =	ssyncadd.s32 @!p0 $0xFFFFFF00  }
0x4c: {  	[bflag:$0x0] =	sbarrier.arrive $0xFFFF  }
0x4d: {  	s17 =	rddreg [dreg:$0x7]  }
0x4e: {  	[tilespmem:s3], [sflag:$0x1] =	stream.linear.gather [hbm4b:s17+s3], $0x80, $0x38;
	[tilespmem:$0x1FC80] =	vst v63  }
0x4f: {  	s18 =	rddreg [dreg:$0x8]  }
0x50: {  	[tilespmem:s30], [sflag:$0x1] =	stream.linear.gather [hbm4b:s18+s3], $0x80, $0x38;
	[tilespmem:$0x1FC80] =	vst v63  }
0x51: {  	s19 =	rddreg [dreg:$0x9]  }
0x52: {  	[tilespmem:s31], [sflag:$0x2] =	stream.linear.gather [hbm4b:s19+s3], $0x80, $0x38;
	[tilespmem:$0x1FC80] =	vst v63  }
0x53: {  	s9 =	rddreg [dreg:$0xa]  }
0x54: {  	[tilespmem:s0], [sflag:$0x2] =	stream.linear.gather [hbm4b:s9+s3], $0x80, $0x38;
	[tilespmem:$0x1FC80] =	vst v63  }
0x55: {  	s17 =	rddreg [dreg:$0xb]  }
0x56: {  	[tilespmem:s1], [sflag:$0x3] =	stream.linear.gather [hbm4b:s17+s3], $0x80, $0x38;
	[tilespmem:$0x1FC80] =	vst v63  }
0x57: {  	s18 =	rddreg [dreg:$0xc];
	s19 =	simm.s32 $0x1  }
0x58: {  	[tilespmem:s7], [sflag:$0x3] =	stream.linear.gather [hbm4b:s18+s3], $0x80, $0x38;
	[tilespmem:$0x1FC80] =	vst v63  }
0x59: {  	_ =	swait.ge [sflag:s19], $0x80  }
0x5a: {  	[sflag:s19] =	ssyncset.done $0x0  }
0x5b: {  	[sflag:s19] =	ssyncadd.s32 $0xFFFFFF80  }
0x5c: {  	_ =	swait.ge [sflag:s19], $0x80  }
0x5d: {  	[sflag:s19] =	ssyncset.done $0x0  }
0x5e: {  	s17 =	simm.s32 $0x0;
	s28 =	rddreg [dreg:$0x12];
	[sflag:s19] =	ssyncadd.s32 $0xFFFFFF80  }
0x5f: {  	[tilespmem:s10], [sflag:$0x4] =	stream.indirect.gather [hbm4b:s6+s31], $0x80, s3, s31, $0xb8;
	[tilespmem:$0x1FC80] =	vst v63  }
.LBB2_2:
0x60: {  	_ =	swait.ge [sflag:s11], $0x4000  }
0x61: {  	[sflag:s11] =	ssyncset.done $0x0  }
0x62: {  	[sflag:s11] =	ssyncadd.s32 $0xFFFFC000  }
0x63: {  	_ =	swait.ge [sflag:s12], $0x80  }
0x64: {  	[sflag:s12] =	ssyncset.done $0x0  }
0x65: {  	[sflag:s12] =	ssyncadd.s32 $0xFFFFFF80  }
0x66: {  	_ =	swait.ge [sflag:s12], $0x80  }
0x67: {  	[sflag:s12] =	ssyncset.done $0x0  }
0x68: {  	[sflag:s12] =	ssyncadd.s32 $0xFFFFFF80  }
0x69: {  	[tilespmem:s13], [sflag:$0x5] =	stream.indirect.gather [hbm4b:s6+s31], $0x80, s31, s31, $0xb8;
	[tilespmem:$0x1FC80] =	vst v63  }
0x6a: {  	_ = 	snop  }
0x6b: {  	[spmem:s2] =	stream.indirect.scatter.add.f32 [tilespmem:s10], [sflag:$0x7], $0x80, s30, s31, $0xb8;
	[tilespmem:$0x1FC80] =	vst v63  }
0x6c: {  	p1 =	seq.s32 s17, $0x4B0;
	_ =	swait.ge [sflag:s29], $0x4000  }
0x6d: {  	s18 =	sshrl.u32 @!p1 s28, $0x3;
	[sflag:s29] =	ssyncset.done $0x0  }
0x6e: {  	s8 =	simm.s32 @!p1 $0x0;
	s19 =	sadd.s32 @!p1 s4, s18;
	[sflag:s29] =	ssyncadd.s32 $0xFFFFC000  }
0x6f: {  	[tilespmem:s8], [sflag:$0x1] =	stream.linear.gather @!p1 [hbm4b:s19+s8], $0x80, $0x38;
	[tilespmem:$0x1FC80] =	vst v63  }
0x70: {  	s18 =	sadd.s32 @!p1 s5, s18;
	s19 =	simm.s32 @!p1 $0x180  }
0x71: {  	[tilespmem:s19], [sflag:$0x1] =	stream.linear.gather @!p1 [hbm4b:s18+s8], $0x80, $0x38;
	[tilespmem:$0x1FC80] =	vst v63  }
0x72: {  	_ =	swait.ge [sflag:s14], $0x4000  }
0x73: {  	[sflag:s14] =	ssyncset.done $0x0  }
0x74: {  	[sflag:s14] =	ssyncadd.s32 $0xFFFFC000  }
0x75: {  	_ =	swait.ge [sflag:s15], $0x80  }
0x76: {  	[sflag:s15] =	ssyncset.done $0x0  }
0x77: {  	[sflag:s15] =	ssyncadd.s32 $0xFFFFFF80  }
0x78: {  	_ =	swait.ge [sflag:s15], $0x80  }
0x79: {  	[sflag:s15] =	ssyncset.done $0x0  }
0x7a: {  	[sflag:s15] =	ssyncadd.s32 $0xFFFFFF80  }
0x7b: {  	[tilespmem:s16], [sflag:$0x6] =	stream.indirect.gather [hbm4b:s6+s31], $0x80, s1, s31, $0xb8;
	[tilespmem:$0x1FC80] =	vst v63  }
0x7c: {  	_ = 	snop  }
0x7d: {  	[spmem:s2] =	stream.indirect.scatter.add.f32 [tilespmem:s13], [sflag:$0x7], $0x80, s0, s31, $0xb8;
	[tilespmem:$0x1FC80] =	vst v63  }
0x7e: {  	p2 =	sne.s32 s17, $0x4B0;
	_ =	swait.ge [sflag:s29], $0x4000  }
0x7f: {  	s8 =	sadd.s32 @p2 s17, s25;
	[sflag:s29] =	ssyncset.done $0x0  }
0x80: {  	s18 =	simm.s32 @p2 $0x0;
	s19 =	simm.s32 @p2 $0x80;
	[sflag:s29] =	ssyncadd.s32 $0xFFFFC000  }
0x81: {  	[tilespmem:s19], [sflag:$0x2] =	stream.linear.gather @p2 [hbm4b:s8+s18], $0x80, $0x38;
	[tilespmem:$0x1FC80] =	vst v63  }
0x82: {  	s9 =	simm.s32 @p2 $0x200;
	s8 =	sadd.s32 @p2 s17, s24  }
0x83: {  	[tilespmem:s9], [sflag:$0x2] =	stream.linear.gather @p2 [hbm4b:s8+s18], $0x80, $0x38;
	[tilespmem:$0x1FC80] =	vst v63  }
0x84: {  	s8 =	simm.s32 @p2 $0x6  }
0x85: {  	_ =	swait.ge @p2 [sflag:s8], $0x4000  }
0x86: {  	[sflag:s8] =	ssyncset.done @p2 $0x0  }
0x87: {  	[sflag:s8] =	ssyncadd.s32 @p2 $0xFFFFC000;
	s8 =	simm.s32 @p2 $0x1  }
0x88: {  	_ =	swait.ge @p2 [sflag:s8], $0x80  }
0x89: {  	[sflag:s8] =	ssyncset.done @p2 $0x0  }
0x8a: {  	[sflag:s8] =	ssyncadd.s32 @p2 $0xFFFFFF80  }
0x8b: {  	_ =	swait.ge @p2 [sflag:s8], $0x80  }
0x8c: {  	[sflag:s8] =	ssyncset.done @p2 $0x0  }
0x8d: {  	[sflag:s8] =	ssyncadd.s32 @p2 $0xFFFFFF80;
	s8 =	simm.s32 @p2 $0x300  }
0x8e: {  	[tilespmem:s8], [sflag:$0x4] =	stream.indirect.gather @p2 [hbm4b:s6+s19], $0x80, s18, s19, $0xb8;
	[tilespmem:$0x1FC80] =	vst v63  }
0x8f: {  	s8 =	simm.s32 @!p2 $0x6  }
0x90: {  	_ =	swait.ge @!p2 [sflag:s8], $0x4000  }
0x91: {  	[sflag:s8] =	ssyncset.done @!p2 $0x0  }
.Ltmp2:
0x92: {  	[sflag:s8] =	ssyncadd.s32 @!p2 $0xFFFFC000;
	(pc) =	sbr.rel @p1 .LBB2_4-.Ltmp2, $4  }
0x93: {  	[spmem:s2] =	stream.indirect.scatter.add.f32 [tilespmem:s16], [sflag:$0x7], $0x80, s7, s31, $0xb8;
	[tilespmem:$0x1FC80] =	vst v63  }
0x94: {  	_ =	swait.ge [sflag:s29], $0x4000  }
0x95: {  	[sflag:s29] =	ssyncset.done $0x0  }
0x96: {  	[sflag:s29] =	ssyncadd.s32 $0xFFFFC000  }
.Ltmp3:
0x97: {  	(pc) =	sbr.rel .LBB2_2-.Ltmp3, $4  }
0x98: {  	s8 =	sadd.s32 s17, s23  }
0x99: {  	[tilespmem:s1], [sflag:$0x3] =	stream.linear.gather [hbm4b:s8+s3], $0x80, $0x38;
	[tilespmem:$0x1FC80] =	vst v63  }
0x9a: {  	s19 =	sadd.s32 s17, s22;
	s17 =	sadd.s32 $0x30, s17;
	s28 =	sadd.s32 $0x180, s28  }
0x9b: {  	[tilespmem:s7], [sflag:$0x3] =	stream.linear.gather [hbm4b:s19+s3], $0x80, $0x38;
	[tilespmem:$0x1FC80] =	vst v63  }
.LBB2_5:
0x9c: {  	_ =	sfence.sel $0x180000  }
0x9d: {  	[bflag:$0x0] =	sbarrier.arrive $0xFFFF  }
0x9e: {  	_ =	strace $0x9000004D  }
0x9f: {  	s0 =	stileid.u32;
	[bflag:$0x2] =	sbarrier.arrive $0xFFFF  }
0xa0: {  	p0 =	sne.s32 s0, $0x0;
	s0 =	rddreg [dreg:$0x2]  }
0xa1: {  	s0 =	sadd.s32 @!p0 $0x100000, s0  }
0xa2: {  	[sflag:s0] =	ssyncadd.tile.s32 @!p0 $0x1;
	_ =	shalt  }
.Lfunc_end2:
_tile_overlayer_lowered:
.L_overlay_start_2:
0xa3: {  	(tag) =	ssettag $0x2  }
0xa4: {  	s0 =	rddreg [dreg:$0x0];
	s2 =	stileid.u32  }
0xa5: {  	s1 =	rddreg [dreg:$0x1];
	p0 =	sne.s32 s2, $0x0  }
0xa6: {  	s3 =	rddreg [dreg:$0x2];
	[bflag:$0x3] =	sbarrier.arrive $0xFFFF;
	s2 =	simm.s32 @!p0 $0x1C07  }
0xa7: {  	[timem:s3], [sflag:s2] =	dma.local @!p0 [hbm:s0], s1  }
0xa8: {  	s0 =	simm.s32 @!p0 $0x7  }
0xa9: {  	_ =	swait.ge @!p0 [sflag:s0], s1  }
0xaa: {  	s1 =	ssub.s32 @!p0 $0x0, s1;
	[sflag:s0] =	ssyncset.done @!p0 $0x0  }
0xab: {  	[sflag:s0] =	ssyncadd.s32 @!p0 s1  }
0xac: {  	[bflag:$0x3] =	sbarrier.arrive $0xFFFF  }
0xad: {  	_ =	shalt  }

// kernel: kernel.8.cloned.1.call-start
scs
__scs_entry_jumppad:
0x0: {  	(pc) =	sbr.rel $0x88, $3  }
0x1: {  	(tag) =	ssettag $0x0;
	lr =	simm.s32 $0x1  }
0x2: {  	[smem:$0x3F98] =	sst lr;
	_ =	strace $0xD0000000  }
0x3: {  	_ = 	snop  }
0x4: {  	_ = 	snop  }
0x5: {  	_ = 	snop  }
0x6: {  	_ = 	snop  }
0x7: {  	_ = 	snop  }
__scs_overlays_trampoline_lowered:
0x8: {  	[smem:$0x3FA7] =	sst s0  }
0x9: {  	[smem:$0x3FA8] =	sst s1  }
0xa: {  	[smem:$0x3FA9] =	sst s2  }
0xb: {  	[smem:$0x3FAA] =	sst s3  }
0xc: {  	[smem:$0x3FAB] =	sst s4  }
0xd: {  	[smem:$0x3FAC] =	sst s5  }
0xe: {  	[smem:$0x3FAD] =	sst s6  }
0xf: {  	[smem:$0x3FAE] =	sst s7  }
0x10: {  	[smem:$0x3FAF] =	sst s8  }
0x11: {  	[smem:$0x3FB0] =	sst s9;
	s0 =	simm.s32 @!p0 $0x0  }
0x12: {  	s1 =	sld [smem:$0x3F96];
	s0 =	simm.s32 @p0 $0x1  }
0x13: {  	[smem:$0x3FB1] =	sst s0;
	s0 =	simm.s32 @!p1 $0x0  }
0x14: {  	s2 =	sld [smem:$0x3F95];
	s0 =	simm.s32 @p1 $0x1  }
0x15: {  	[smem:$0x3FB2] =	sst s0;
	s0 =	simm.s32 @!p2 $0x0  }
0x16: {  	s3 =	sld [smem:$0x3FDB];
	s0 =	simm.s32 @p2 $0x1  }
0x17: {  	s4 =	simm.s32 $0x1BF5;
	[smem:$0x3FB4] =	sst s0  }
0x18: {  	s0 =	sld [smem:$0x3F97];
	_ =	swait.ge [sflag:s4], $0x0  }
0x19: {  	s7 =	sld [smem:$0x3F98]  }
0x1a: {  	s8 =	sadd.s32 $0xFFFFE003, lr  }
0x1b: {  	s9 =	sadd.s32 $0xFFFFFEF7, lr;
	s5 =	simm.s32 $0xFFFFFFFF;
	p2 =	slt.u32 s8, $0xFFFFF086  }
0x1c: {  	p1 =	slt.u32 s9, $0xF7A;
	s5 =	simm.s32 @!p2 $0x0  }
0x1d: {  	s5 =	simm.s32 @p1 $0x1;
	p0 =	seq.s32 s7, s2  }
0x1e: {  	s7 =	smul.u32 @!p0 $0xF7A, s2;
	p2 =	seq.s32 @!p0 s5, $0x0  }
0x1f: {  	s9 =	smul.u32 $0xF7A, s1;
	s8 =	simm.s32 @!p0 $0x1BF5;
	p2 =	por !p2, p0  }
0x20: {  	[sflag:s8] =	ssyncset.s32 @!p0 $0xFFFFF086;
	s6 =	sadd.s32 @!p0 s3, s7;
	s7 =	simm.s32 @!p0 $0x108  }
0x21: {  	s3 =	sadd.s32 s3, s9;
	s6 =	sadd.s32 @!p0 $0x88, s6;
	s7 =	simm.s32 @p2 $0x1082  }
0x22: {  	[simem:s7], [sflag:s8] =	dma.local @!p0 [hbm:s6], $0xF7A  }
0x23: {  	s9 =	sor.u32 $0xD0000000, s2;
	s6 =	simm.s32 $0x108;
	_ =	swait.ge @!p0 [sflag:s8], $0x0  }
0x24: {  	s3 =	sadd.s32 $0x88, s3;
	s6 =	simm.s32 @!p1 $0x1082;
	[sflag:s4] =	ssyncset.s32 $0xFFFFF086  }
0x25: {  	[simem:s6], [sflag:s4] =	dma.local [hbm:s3], $0xF7A  }
0x26: {  	[smem:$0x3F98] =	sst s1;
	(tag) =	ssettag s2;
	_ =	strace s9  }
0x27: {  	s1 =	sld [smem:$0x3FA8]  }
0x28: {  	s2 =	sld [smem:$0x3FA9]  }
0x29: {  	s4 =	sld [smem:$0x3FAB]  }
0x2a: {  	p0 =	seq.s32 s5, $0x0;
	s5 =	sld [smem:$0x3FAC]  }
0x2b: {  	s6 =	sld [smem:$0x3FAD]  }
0x2c: {  	s7 =	sld [smem:$0x3FAE]  }
0x2d: {  	s3 =	simm.s32 $0x108;
	s8 =	sld [smem:$0x3FAF]  }
0x2e: {  	s3 =	simm.s32 @!p0 $0x1082;
	s9 =	sld [smem:$0x3FB0]  }
0x2f: {  	lr =	sadd.s32 s0, s3;
	s0 =	sld [smem:$0x3FA7]  }
0x30: {  	s3 =	sld [smem:$0x3FAA]  }
0x31: {  	[smem:$0x3FB3] =	sst s10  }
0x32: {  	s10 =	sld [smem:$0x3FB1];
	_ =	sdelay $0x3  }
0x33: {  	p0 =	seq.s32 s10, $0x1;
	s10 =	sld [smem:$0x3FB3];
	_ =	sdelay $0x3  }
0x34: {  	[smem:$0x3FB3] =	sst s10  }
0x35: {  	s10 =	sld [smem:$0x3FB2];
	_ =	sdelay $0x3  }
0x36: {  	p1 =	seq.s32 s10, $0x1;
	s10 =	sld [smem:$0x3FB3];
	_ =	sdelay $0x3  }
0x37: {  	[smem:$0x3FB3] =	sst s10  }
0x38: {  	s10 =	sld [smem:$0x3FB4]  }
0x39: {  	_ = 	snop;
	(pc) =	sbr.ind lr, $3  }
0x3a: {  	_ = 	snop  }
0x3b: {  	_ = 	snop  }
0x3c: {  	p2 =	seq.s32 s10, $0x1;
	s10 =	sld [smem:$0x3FB3]  }
0x3d: {  	_ =	shalt  }
0x3e: {  	_ =	shalt  }
0x3f: {  	_ =	shalt  }
0x40: {  	_ =	shalt  }
0x41: {  	_ =	shalt  }
0x42: {  	_ =	shalt  }
0x43: {  	_ =	shalt  }
0x44: {  	_ =	shalt  }
0x45: {  	_ =	shalt  }
0x46: {  	_ =	shalt  }
0x47: {  	_ =	shalt  }
0x48: {  	_ =	shalt  }
0x49: {  	_ =	shalt  }
0x4a: {  	_ =	shalt  }
0x4b: {  	_ =	shalt  }
0x4c: {  	_ =	shalt  }
0x4d: {  	_ =	shalt  }
0x4e: {  	_ =	shalt  }
0x4f: {  	_ =	shalt  }
0x50: {  	_ =	shalt  }
0x51: {  	_ =	shalt  }
0x52: {  	_ =	shalt  }
0x53: {  	_ =	shalt  }
0x54: {  	_ =	shalt  }
0x55: {  	_ =	shalt  }
0x56: {  	_ =	shalt  }
0x57: {  	_ =	shalt  }
0x58: {  	_ =	shalt  }
0x59: {  	_ =	shalt  }
0x5a: {  	_ =	shalt  }
0x5b: {  	_ =	shalt  }
0x5c: {  	_ =	shalt  }
0x5d: {  	_ =	shalt  }
0x5e: {  	_ =	shalt  }
0x5f: {  	_ =	shalt  }
0x60: {  	_ =	shalt  }
0x61: {  	_ =	shalt  }
0x62: {  	_ =	shalt  }
0x63: {  	_ =	shalt  }
0x64: {  	_ =	shalt  }
0x65: {  	_ =	shalt  }
0x66: {  	_ =	shalt  }
0x67: {  	_ =	shalt  }
0x68: {  	_ =	shalt  }
0x69: {  	_ =	shalt  }
0x6a: {  	_ =	shalt  }
0x6b: {  	_ =	shalt  }
0x6c: {  	_ =	shalt  }
0x6d: {  	_ =	shalt  }
0x6e: {  	_ =	shalt  }
0x6f: {  	_ =	shalt  }
0x70: {  	_ =	shalt  }
0x71: {  	_ =	shalt  }
0x72: {  	_ =	shalt  }
0x73: {  	_ =	shalt  }
0x74: {  	_ =	shalt  }
0x75: {  	_ =	shalt  }
0x76: {  	_ =	shalt  }
0x77: {  	_ =	shalt  }
0x78: {  	_ =	shalt  }
0x79: {  	_ =	shalt  }
0x7a: {  	_ =	shalt  }
0x7b: {  	_ =	shalt  }
0x7c: {  	_ =	shalt  }
0x7d: {  	_ =	shalt  }
0x7e: {  	_ =	shalt  }
0x7f: {  	_ =	shalt  }
0x80: {  	_ =	shalt  }
0x81: {  	_ =	shalt  }
0x82: {  	_ =	shalt  }
0x83: {  	_ =	shalt  }
0x84: {  	_ =	shalt  }
0x85: {  	_ =	shalt  }
0x86: {  	_ =	shalt  }
0x87: {  	_ =	shalt  }
.Lfunc_end0:
.L_simem_size_0:
called_computation_lowered:
.L_overlay_start_0:
0x88: {  	s2 =	sld [smem:$0x3FD9]  }
0x89: {  	s3 =	sld [smem:$0x3FFE];
	_ =	sdelay $0x1  }
0x8a: {  	s1 =	srdreg.scid  }
0x8b: {  	s0 =	sand.u32 $0x1, s1  }
0x8c: {  	s16 =	sshll.u32 s0, $0xA;
	s2 =	sadd.s32 s3, s2  }
0x8d: {  	s2 =	sadd.s32 s2, s16  }
0x8e: {  	[smem:$0x3FBF] =	sst s2  }
0x8f: {  	_ = 	snop  }
0x90: {  	(tm) =	ssettm $0x1  }
0x91: {  	s17 =	sld [smem:$0x3FFB];
	_ =	sdelay $0x3  }
0x92: {  	_ =	strace s17  }
0x93: {  	s2 =	sld [smem:$0x3FFC];
	_ =	sdelay $0x3  }
0x94: {  	_ =	strace s2  }
0x95: {  	s2 =	sld [smem:$0x3FFD];
	_ =	sdelay $0x3  }
0x96: {  	_ =	strace s2  }
0x97: {  	_ =	strace $0x8FFFFFFF  }
0x98: {  	s18 =	sld [smem:$0x3FDB];
	_ =	sdelay $0x1  }
0x99: {  	s19 =	simm.s32 $_scs_section_size  }
0x9a: {  	s4 =	simm.s32 $_size__tile_overlayer_lowered;
	s5 =	simm.s32 $_tile_overlayer_lowered  }
0x9b: {  	s22 =	simm.s32 $0x1BFF;
	s21 =	sshll.u32 s5, $0x1;
	s2 =	sadd.s32 s19, s18  }
0x9c: {  	s6 =	simm.s32 $0x0;
	s20 =	sshll.u32 s4, $0x1;
	s4 =	sadd.s32 s21, s2  }
0x9d: {  	[timem:s6], [sflag:s22] =	dma.local [hbm:s4], s20  }
0x9e: {  	_ =	swait.ge [sflag:s22], s20  }
0x9f: {  	s3 =	ssub.s32 $0x0, s20;
	[sflag:s22] =	ssyncset.done $0x0  }
0xa0: {  	[sflag:s22] =	ssyncadd.s32 s3;
	_ =	sdelay $0x1  }
0xa1: {  	s23 =	simm.s32 $0x1B8B  }
0xa2: {  	_ =	swait.ge [sflag:s23], $0x1  }
0xa3: {  	[sflag:s23] =	ssyncset.done $0x0  }
0xa4: {  	s25 =	simm.s32 $0x1B8E;
	s24 =	sld [smem:$0x3FFE];
	[sflag:s23] =	ssyncadd.s32 $0xFFFFFFFF  }
0xa5: {  	s26 =	simm.s32 $execute0_lowered;
	[smem:$0x3FD2] =	sst s25  }
0xa6: {  	s4 =	sshll.u32 s26, $0x1;
	_ =	strace $0x80000046;
	[dreg:$0x1] =	wrdreg $0xFFFFFFFF  }
0xa7: {  	s28 =	simm.s32 $_size_execute0_lowered;
	s2 =	sadd.s32 s2, s4;
	[dreg:$0x0] =	wrdreg $0x0  }
0xa8: {  	s4 =	sshll.u32 s28, $0x1;
	[dreg:$0x2] =	wrdreg s2  }
0xa9: {  	[dreg:$0x3] =	wrdreg s4  }
0xaa: {  	[dreg:$0x4] =	wrdreg $0xC0  }
0xab: {  	_ =	task [dreg:s6], $0x5FFFF  }
0xac: {  	[dreg:$0x1] =	wrdreg $0xFFFFFFFF  }
0xad: {  	[dreg:$0x0] =	wrdreg $0x60  }
0xae: {  	[dreg:$0x2] =	wrdreg s24  }
0xaf: {  	[dreg:$0x3] =	wrdreg $0x5800  }
0xb0: {  	[dreg:$0x4] =	wrdreg $0x9  }
0xb1: {  	_ =	task.clear_ibuf [dreg:s6], $0x5FFFF;
	_ =	strace $0x90000046  }
0xb2: {  	s29 =	simm.s32 $0x9;
	_ =	strace $0x80000048  }
0xb3: {  	_ =	swait.ge [sflag:s29], $0x1  }
0xb4: {  	[sflag:s29] =	ssyncadd.s32 $0xFFFFFFFF  }
0xb5: {  	_ =	strace $0x90000048  }
0xb6: {  	_ =	sfence  }
0xb7: {  	s30 =	sld [smem:$0x0];
	_ =	sdelay $0x2  }
0xb8: {  	s31 =	sshll.u32 s1, $0xD;
	s1 =	sshrl.u32 s1, $0x2  }
0xb9: {  	s3 =	sand.u32 $0x4000, s31;
	s1 =	sadd.s32 s1, s30  }
0xba: {  	s0 =	sor.u32 s3, s0;
	s1 =	sshll.u32 s1, $0x11  }
0xbb: {  	s0 =	sor.u32 s1, s0  }
0xbc: {  	s0 =	sadd.s32 $0x8F2B, s0  }
0xbd: {  	[sflag:s0] =	ssyncadd.remote.s32 $0x1  }
0xbe: {  	_ =	sfence.sel $0xFFFF  }
0xbf: {  	[dreg:$0x0] =	wrdreg $0xFFFFFFFF;
	(pc) =	sbr.abs _section_cstart, $3  }
0xc0: {  	[dreg:$0x1] =	wrdreg $0xFFFFFFFF  }
0xc1: {  	_ =	task.clear_ibuf [dreg:s6], $0x2FFFF;
	_ =	strace $0x9FFFFFFF  }
0xc2: {  	(tm) =	ssettm $0x7FFFFFFF  }
0xc3: {  	_ =	shalt  }
tec
execute0_lowered:
.L_overlay_start_1:
0x0: {  	(tag) =	ssettag $0x1  }
0x1: {  	s0 =	rddreg [dreg:$0x0]  }
0x2: {  	s2 =	rddreg [dreg:$0x1];
	s4 =	srdreg.scid  }
0x3: {  	s1 =	stileid.u32;
	s3 =	simm.s32 $0x0;
	s17 =	simm.s32 $0x300  }
0x4: {  	s18 =	simm.s32 $0x4;
	s19 =	simm.s32 $0x80;
	s20 =	simm.s32 $0x100  }
0x5: {  	s21 =	simm.s32 $0x1;
	s22 =	simm.s32 $0x180;
	s23 =	simm.s32 $0x2  }
0x6: {  	s24 =	simm.s32 $0x3;
	s28 =	simm.s32 $0x280;
	s29 =	simm.s32 $0x0  }
0x7: {  	s7 =	sand.u32 $0x1, s4;
	s25 =	sshll.u32 s1, $0x1;
	s11 =	smul.u32 $0x270, s1  }
0x8: {  	[smem:$0x7FF] =	sst s3;
	s14 =	smul.u32 $0x4E20, s1;
	p0 =	sne.s32 s1, $0xF  }
0x9: {  	s4 =	sor.u32 s7, s25;
	_ =	strace $0x80000047;
	s5 =	ssub.s32 $0x2, s7  }
0xa: {  	s12 =	smul.u32 $0x2710, s7;
	s7 =	sadd.s32 $0x2700, s2;
	s25 =	simm.s32 $0x200  }
0xb: {  	s6 =	smul.u32 $0x2710, s4;
	s4 =	sadd.s32 $0x2600, s0;
	s8 =	sshrl.u32 s5, $0x1  }
0xc: {  	s0 =	sadd.s32 $0x16200, s0;
	s13 =	ssub.s32 s5, s8;
	s5 =	sadd.s32 s11, s2  }
0xd: {  	s11 =	sadd.s32 s11, s12;
	s15 =	sshrl.u32 s12, $0x3;
	s16 =	sadd.s32 s12, s14  }
0xe: {  	s6 =	sshrl.u32 s6, $0x3;
	s11 =	sshrl.u32 s11, $0x3;
	s14 =	sadd.s32 $0x280, s16  }
0xf: {  	s30 =	sadd.s32 $0x200, s16;
	s13 =	smax.u32 s13, $0x1;
	s16 =	sadd.s32 $0x180, s16  }
0x10: {  	s6 =	sadd.s32 s4, s6;
	s11 =	sadd.s32 s0, s11;
	s0 =	sadd.s32 s0, s15  }
0x11: {  	s26 =	sshrl.u32 s14, $0x3;
	s31 =	sshrl.u32 s30, $0x3;
	s8 =	sadd.s32 $0x10, s6  }
0x12: {  	s9 =	sadd.s32 $0x20, s6;
	s10 =	sadd.s32 $0x4E0, s6;
	s12 =	sadd.s32 $0x4E0, s0  }
0x13: {  	v0 =	vimm.f32 $1.000000000e+00;
	v1 =	vimm.f32 $0.0e+00;
	s14 =	sadd.s32 s26, s4;
	s15 =	sadd.s32 s31, s4;
	s26 =	simm.s32 $0x10  }
.LBB2_1:
0x14: {  	[tilespmem:$0x180] =	vst v0  }
0x15: {  	[tilespmem:$0x190] =	vst v0  }
0x16: {  	[tilespmem:$0x1A0] =	vst v0  }
0x17: {  	[tilespmem:$0x1B0] =	vst v0  }
0x18: {  	[tilespmem:$0x1C0] =	vst v0  }
0x19: {  	[tilespmem:$0x1D0] =	vst v0  }
0x1a: {  	[tilespmem:$0x1E0] =	vst v0  }
0x1b: {  	[tilespmem:$0x1F0] =	vst v0  }
0x1c: {  	[tilespmem:$0x280] =	vst v0  }
0x1d: {  	[tilespmem:$0x300] =	vst v1  }
0x1e: {  	[tilespmem:$0x310] =	vst v1  }
0x1f: {  	[tilespmem:$0x320] =	vst v1  }
0x20: {  	[tilespmem:$0x330] =	vst v1  }
0x21: {  	[tilespmem:$0x340] =	vst v1  }
0x22: {  	[tilespmem:$0x350] =	vst v1  }
0x23: {  	[tilespmem:$0x360] =	vst v1  }
0x24: {  	[tilespmem:$0x370] =	vst v1  }
0x25: {  	[tilespmem:$0x380] =	vst v1  }
0x26: {  	[tilespmem:$0x390] =	vst v1  }
0x27: {  	[tilespmem:$0x3A0] =	vst v1  }
0x28: {  	[tilespmem:$0x3B0] =	vst v1  }
0x29: {  	[tilespmem:$0x3C0] =	vst v1  }
0x2a: {  	[tilespmem:$0x3D0] =	vst v1  }
0x2b: {  	[tilespmem:$0x3E0] =	vst v1  }
0x2c: {  	[tilespmem:$0x3F0] =	vst v1  }
0x2d: {  	[tilespmem:$0x400] =	vst v1  }
0x2e: {  	[tilespmem:$0x410] =	vst v1  }
0x2f: {  	[tilespmem:$0x420] =	vst v1  }
0x30: {  	[tilespmem:$0x430] =	vst v1  }
0x31: {  	[tilespmem:$0x440] =	vst v1  }
0x32: {  	[tilespmem:$0x450] =	vst v1  }
0x33: {  	[tilespmem:$0x460] =	vst v1  }
0x34: {  	[tilespmem:$0x470] =	vst v1  }
0x35: {  	[tilespmem:$0x480] =	vst v1  }
0x36: {  	[tilespmem:$0x490] =	vst v1  }
0x37: {  	[tilespmem:$0x4A0] =	vst v1  }
0x38: {  	[tilespmem:$0x4B0] =	vst v1  }
0x39: {  	[tilespmem:$0x4C0] =	vst v1  }
0x3a: {  	[tilespmem:$0x4D0] =	vst v1  }
0x3b: {  	[tilespmem:$0x4E0] =	vst v1  }
0x3c: {  	[tilespmem:$0x4F0] =	vst v1  }
0x3d: {  	[tilespmem:$0x500] =	vst v1  }
0x3e: {  	[tilespmem:$0x510] =	vst v1  }
0x3f: {  	[tilespmem:$0x520] =	vst v1  }
0x40: {  	[tilespmem:$0x530] =	vst v1  }
0x41: {  	[tilespmem:$0x540] =	vst v1  }
0x42: {  	[tilespmem:$0x550] =	vst v1  }
0x43: {  	[tilespmem:$0x560] =	vst v1  }
0x44: {  	[spmem:s5] =	stream.linear.scatter [tilespmem:s17], [sflag:$0x4], $0x270, $0x38;
	[tilespmem:$0x7F8] =	vst v63  }
0x45: {  	_ =	swait.ge [sflag:s18], $0x270  }
0x46: {  	[sflag:s18] =	ssyncset.done $0x0  }
0x47: {  	s0 =	simm.s32 @!p0 $0x300;
	[sflag:s18] =	ssyncadd.s32 $0xFFFFFD90  }
0x48: {  	[spmem:s7] =	stream.linear.scatter @!p0 [tilespmem:s0], [sflag:$0x4], $0x10, $0x38;
	[tilespmem:$0x7F8] =	vst v63  }
0x49: {  	s0 =	simm.s32 @!p0 $0x4  }
0x4a: {  	_ =	swait.ge @!p0 [sflag:s0], $0x10  }
0x4b: {  	[sflag:s0] =	ssyncset.done @!p0 $0x0  }
0x4c: {  	[sflag:s0] =	ssyncadd.s32 @!p0 $0xFFFFFFF0  }
0x4d: {  	[bflag:$0x0] =	sbarrier.arrive $0xFFFF  }
0x4e: {  	[tilespmem:s3], [sflag:$0x1] =	stream.linear.gather [hbm4b:s6+s3], $0x80, $0x38;
	[tilespmem:$0x7F8] =	vst v63  }
0x4f: {  	_ = 	snop  }
0x50: {  	[tilespmem:s19], [sflag:$0x2] =	stream.linear.gather [hbm4b:s8+s3], $0x80, $0x38;
	[tilespmem:$0x7F8] =	vst v63  }
0x51: {  	_ = 	snop  }
0x52: {  	[tilespmem:s20], [sflag:$0x3] =	stream.linear.gather [hbm4b:s9+s3], $0x80, $0x38;
	[tilespmem:$0x7F8] =	vst v63  }
0x53: {  	_ =	swait.ge [sflag:s21], $0x80  }
0x54: {  	[sflag:s21] =	ssyncset.done $0x0  }
0x55: {  	[sflag:s21] =	ssyncadd.s32 $0xFFFFFF80  }
0x56: {  	[spmem:s2] =	stream.indirect.scatter.add.f32 [tilespmem:s22], [sflag:$0x4], $0x1, s3, s19, $0xb8;
	[tilespmem:$0x7F8] =	vst v63  }
0x57: {  	_ =	swait.ge [sflag:s18], $0x80  }
0x58: {  	s1 =	sshrl.u32 s16, $0x3;
	[sflag:s18] =	ssyncset.done $0x0  }
0x59: {  	s0 =	sadd.s32 s4, s1;
	[sflag:s18] =	ssyncadd.s32 $0xFFFFFF80  }
0x5a: {  	[tilespmem:s3], [sflag:$0x1] =	stream.linear.gather [hbm4b:s0+s3], $0x80, $0x38;
	[tilespmem:$0x7F8] =	vst v63  }
0x5b: {  	_ =	swait.ge [sflag:s23], $0x80  }
0x5c: {  	[sflag:s23] =	ssyncset.done $0x0  }
0x5d: {  	[sflag:s23] =	ssyncadd.s32 $0xFFFFFF80  }
0x5e: {  	[spmem:s2] =	stream.indirect.scatter.add.f32 [tilespmem:s22], [sflag:$0x4], $0x1, s19, s19, $0xb8;
	[tilespmem:$0x7F8] =	vst v63  }
0x5f: {  	_ =	swait.ge [sflag:s18], $0x80  }
0x60: {  	[sflag:s18] =	ssyncset.done $0x0  }
0x61: {  	s1 =	sadd.s32 $0x0, s15;
	[sflag:s18] =	ssyncadd.s32 $0xFFFFFF80  }
0x62: {  	[tilespmem:s19], [sflag:$0x2] =	stream.linear.gather [hbm4b:s1+s3], $0x80, $0x38;
	[tilespmem:$0x7F8] =	vst v63  }
0x63: {  	_ =	swait.ge [sflag:s24], $0x80  }
0x64: {  	[sflag:s24] =	ssyncset.done $0x0  }
0x65: {  	[sflag:s24] =	ssyncadd.s32 $0xFFFFFF80  }
0x66: {  	[spmem:s2] =	stream.indirect.scatter.add.f32 [tilespmem:s22], [sflag:$0x4], $0x1, s20, s19, $0xb8;
	[tilespmem:$0x7F8] =	vst v63  }
0x67: {  	_ =	swait.ge [sflag:s18], $0x80  }
0x68: {  	s30 =	simm.s32 $0x30;
	[sflag:s18] =	ssyncset.done $0x0  }
0x69: {  	s31 =	sadd.s32 $0x180, s16;
	s0 =	sadd.s32 $0x0, s14;
	[sflag:s18] =	ssyncadd.s32 $0xFFFFFF80  }
.LBB2_2:
0x6a: {  	[tilespmem:s20], [sflag:$0x3] =	stream.linear.gather [hbm4b:s0+s3], $0x80, $0x38;
	[tilespmem:$0x7F8] =	vst v63  }
0x6b: {  	s0 =	smov.u32 s30  }
0x6c: {  	p1 =	sne.s32 s30, $0x480;
	s30 =	sadd.s32 $0x30, s30;
	_ =	swait.ge [sflag:s21], $0x80  }
0x6d: {  	[sflag:s21] =	ssyncset.done $0x0  }
0x6e: {  	[sflag:s21] =	ssyncadd.s32 $0xFFFFFF80  }
0x6f: {  	[spmem:s2] =	stream.indirect.scatter.add.f32 [tilespmem:s22], [sflag:$0x4], $0x1, s3, s19, $0xb8;
	[tilespmem:$0x7F8] =	vst v63  }
0x70: {  	_ =	swait.ge [sflag:s18], $0x80  }
0x71: {  	s1 =	sshrl.u32 s31, $0x3;
	[sflag:s18] =	ssyncset.done $0x0  }
0x72: {  	s1 =	sadd.s32 s4, s1;
	[sflag:s18] =	ssyncadd.s32 $0xFFFFFF80  }
0x73: {  	[tilespmem:s3], [sflag:$0x1] =	stream.linear.gather [hbm4b:s1+s3], $0x80, $0x38;
	[tilespmem:$0x7F8] =	vst v63  }
0x74: {  	_ =	swait.ge [sflag:s23], $0x80  }
0x75: {  	[sflag:s23] =	ssyncset.done $0x0  }
0x76: {  	[sflag:s23] =	ssyncadd.s32 $0xFFFFFF80  }
0x77: {  	[spmem:s2] =	stream.indirect.scatter.add.f32 [tilespmem:s22], [sflag:$0x4], $0x1, s19, s19, $0xb8;
	[tilespmem:$0x7F8] =	vst v63  }
0x78: {  	_ =	swait.ge [sflag:s18], $0x80  }
0x79: {  	[sflag:s18] =	ssyncset.done $0x0  }
0x7a: {  	s1 =	sadd.s32 s0, s15;
	[sflag:s18] =	ssyncadd.s32 $0xFFFFFF80  }
0x7b: {  	[tilespmem:s19], [sflag:$0x2] =	stream.linear.gather [hbm4b:s1+s3], $0x80, $0x38;
	[tilespmem:$0x7F8] =	vst v63  }
0x7c: {  	_ =	swait.ge [sflag:s24], $0x80  }
0x7d: {  	[sflag:s24] =	ssyncset.done $0x0  }
.Ltmp0:
0x7e: {  	[sflag:s24] =	ssyncadd.s32 $0xFFFFFF80;
	(pc) =	sbr.rel @p1 .LBB2_2-.Ltmp0, $4  }
0x7f: {  	[spmem:s2] =	stream.indirect.scatter.add.f32 [tilespmem:s22], [sflag:$0x4], $0x1, s20, s19, $0xb8;
	[tilespmem:$0x7F8] =	vst v63  }
0x80: {  	_ =	swait.ge [sflag:s18], $0x80  }
0x81: {  	[sflag:s18] =	ssyncset.done $0x0  }
0x82: {  	s31 =	sadd.s32 $0x180, s31;
	s0 =	sadd.s32 s0, s14;
	[sflag:s18] =	ssyncadd.s32 $0xFFFFFF80  }
0x83: {  	[tilespmem:s20], [sflag:$0x3] =	stream.linear.gather [hbm4b:s0+s3], $0x80, $0x38;
	[tilespmem:$0x7F8] =	vst v63  }
0x84: {  	_ =	swait.ge [sflag:s21], $0x80  }
0x85: {  	[sflag:s21] =	ssyncset.done $0x0  }
0x86: {  	[sflag:s21] =	ssyncadd.s32 $0xFFFFFF80  }
0x87: {  	[spmem:s2] =	stream.indirect.scatter.add.f32 [tilespmem:s22], [sflag:$0x4], $0x1, s3, s19, $0xb8;
	[tilespmem:$0x7F8] =	vst v63  }
0x88: {  	_ =	swait.ge [sflag:s18], $0x80  }
0x89: {  	[sflag:s18] =	ssyncset.done $0x0  }
0x8a: {  	[sflag:s18] =	ssyncadd.s32 $0xFFFFFF80  }
0x8b: {  	_ =	swait.ge [sflag:s23], $0x80  }
0x8c: {  	[sflag:s23] =	ssyncset.done $0x0  }
0x8d: {  	[sflag:s23] =	ssyncadd.s32 $0xFFFFFF80  }
0x8e: {  	[spmem:s2] =	stream.indirect.scatter.add.f32 [tilespmem:s22], [sflag:$0x4], $0x1, s19, s19, $0xb8;
	[tilespmem:$0x7F8] =	vst v63  }
0x8f: {  	_ =	swait.ge [sflag:s18], $0x80  }
0x90: {  	[sflag:s18] =	ssyncset.done $0x0  }
0x91: {  	[sflag:s18] =	ssyncadd.s32 $0xFFFFFF80  }
0x92: {  	_ =	swait.ge [sflag:s24], $0x80  }
0x93: {  	[sflag:s24] =	ssyncset.done $0x0  }
0x94: {  	[sflag:s24] =	ssyncadd.s32 $0xFFFFFF80  }
0x95: {  	[spmem:s2] =	stream.indirect.scatter.add.f32 [tilespmem:s22], [sflag:$0x4], $0x1, s20, s19, $0xb8;
	[tilespmem:$0x7F8] =	vst v63  }
0x96: {  	_ =	swait.ge [sflag:s18], $0x80  }
0x97: {  	[sflag:s18] =	ssyncset.done $0x0  }
0x98: {  	[sflag:s18] =	ssyncadd.s32 $0xFFFFFF80  }
0x99: {  	[tilespmem:s25], [sflag:$0x4] =	stream.linear.gather [hbm4b:s10+s3], $0x10, $0x38;
	[tilespmem:$0x7F8] =	vst v63  }
0x9a: {  	_ =	swait.ge [sflag:s18], $0x10  }
0x9b: {  	[sflag:s18] =	ssyncset.done $0x0  }
0x9c: {  	[sflag:s18] =	ssyncadd.s32 $0xFFFFFFF0  }
0x9d: {  	[spmem:s2] =	stream.indirect.scatter.add.f32 [tilespmem:s28], [sflag:$0x4], $0x1, s25, s26, $0xb8;
	[tilespmem:$0x7F8] =	vst v63  }
0x9e: {  	_ =	swait.ge [sflag:s18], $0x10  }
0x9f: {  	[sflag:s18] =	ssyncset.done $0x0  }
0xa0: {  	[sflag:s18] =	ssyncadd.s32 $0xFFFFFFF0  }
0xa1: {  	[bflag:$0x0] =	sbarrier.arrive $0xFFFF  }
0xa2: {  	[tilespmem:s17], [sflag:$0x4] =	stream.linear.gather [spmem:s5], $0x270, $0x38;
	[tilespmem:$0x7F8] =	vst v63  }
0xa3: {  	_ =	swait.ge [sflag:s18], $0x270  }
0xa4: {  	[sflag:s18] =	ssyncset.done $0x0  }
0xa5: {  	[sflag:s18] =	ssyncadd.s32 $0xFFFFFD90  }
0xa6: {  	[hbm4b:s11+s3] =	stream.linear.scatter [tilespmem:s17], [sflag:$0x4], $0x270, $0x38;
	[tilespmem:$0x7F8] =	vst v63  }
0xa7: {  	_ =	swait.ge [sflag:s18], $0x270  }
0xa8: {  	[sflag:s18] =	ssyncset.done $0x0  }
0xa9: {  	s0 =	simm.s32 @!p0 $0x280;
	s1 =	simm.s32 @!p0 $0x4;
	[sflag:s18] =	ssyncadd.s32 $0xFFFFFD90  }
0xaa: {  	[tilespmem:s0], [sflag:$0x4] =	stream.linear.gather @!p0 [spmem:s7], $0x10, $0x38;
	[tilespmem:$0x7F8] =	vst v63  }
0xab: {  	s29 =	sadd.s32 $0x1, s29;
	_ =	swait.ge @!p0 [sflag:s1], $0x10  }
0xac: {  	p1 =	sne.s32 s29, s13;
	[sflag:s1] =	ssyncset.done @!p0 $0x0  }
.Ltmp1:
0xad: {  	s30 =	simm.s32 @!p0 $0x0;
	[sflag:s1] =	ssyncadd.s32 @!p0 $0xFFFFFFF0;
	(pc) =	sbr.rel @p1 .LBB2_1-.Ltmp1, $4  }
0xae: {  	[hbm4b:s12+s30] =	stream.linear.scatter @!p0 [tilespmem:s0], [sflag:$0x4], $0x10, $0x38;
	[tilespmem:$0x7F8] =	vst v63  }
0xaf: {  	_ =	swait.ge @!p0 [sflag:s1], $0x10  }
0xb0: {  	[sflag:s1] =	ssyncset.done @!p0 $0x0  }
0xb1: {  	[sflag:s1] =	ssyncadd.s32 @!p0 $0xFFFFFFF0  }
0xb2: {  	_ =	sfence.sel $0x180000  }
0xb3: {  	[bflag:$0x0] =	sbarrier.arrive $0xFFFF  }
0xb4: {  	_ =	strace $0x90000047  }
0xb5: {  	s0 =	stileid.u32;
	[bflag:$0x2] =	sbarrier.arrive $0xFFFF  }
0xb6: {  	p0 =	sne.s32 s0, $0x0;
	s0 =	rddreg [dreg:$0x2]  }
0xb7: {  	s0 =	sadd.s32 @!p0 $0x100000, s0  }
0xb8: {  	[sflag:s0] =	ssyncadd.tile.s32 @!p0 $0x1;
	_ =	shalt  }
.Lfunc_end2:
_tile_overlayer_lowered:
.L_overlay_start_2:
0xb9: {  	(tag) =	ssettag $0x2  }
0xba: {  	s0 =	rddreg [dreg:$0x0];
	s2 =	stileid.u32  }
0xbb: {  	s1 =	rddreg [dreg:$0x1];
	p0 =	sne.s32 s2, $0x0  }
0xbc: {  	s3 =	rddreg [dreg:$0x2];
	[bflag:$0x3] =	sbarrier.arrive $0xFFFF;
	s2 =	simm.s32 @!p0 $0x1C04  }
0xbd: {  	[timem:s3], [sflag:s2] =	dma.local @!p0 [hbm:s0], s1  }
0xbe: {  	s0 =	simm.s32 @!p0 $0x4  }
0xbf: {  	_ =	swait.ge @!p0 [sflag:s0], s1  }
0xc0: {  	s1 =	ssub.s32 @!p0 $0x0, s1;
	[sflag:s0] =	ssyncset.done @!p0 $0x0  }
0xc1: {  	[sflag:s0] =	ssyncadd.s32 @!p0 s1  }
0xc2: {  	[bflag:$0x3] =	sbarrier.arrive $0xFFFF  }
0xc3: {  	_ =	shalt  }

</sc_bundles>
